<compile_context>
chip_gen: v7x
topology: tpu7x:2x2x1
jax: 0.10.2.dev20260603
libtpu: 0.0.44.dev20260713+nightly
codegen_flags: <defaults>
</compile_context>

<pallas_src>
import functools

import jax
import jax.numpy as jnp
from jax import lax
from jax.experimental import pallas as pl
from jax.experimental.pallas import tpu as pltpu
from jax.experimental.pallas import tpu_sc as plsc

_N_SEG = 100000

def _make_sc_kernel(n_out_pad, n_edges, chunk, win, num_cores, num_subcores):
    n_workers = num_cores * num_subcores
    seg_per_w = n_out_pad // n_workers
    mesh = plsc.VectorSubcoreMesh(core_axis_name="c", subcore_axis_name="s")
    vpc = chunk // 16

    @functools.partial(
        pl.kernel,
        out_type=jax.ShapeDtypeStruct((n_out_pad,), jnp.float32),
        mesh=mesh,
        scratch_types=[
            pltpu.VMEM((100000,), jnp.float32),
            pltpu.VMEM((win,), jnp.float32),
            pltpu.VMEM((2 * chunk,), jnp.int32),
            pltpu.VMEM((2 * chunk + 16,), jnp.int32),
            pltpu.VMEM((96,), jnp.int32),
            pltpu.SemaphoreType.DMA((2,)),
        ],
        compiler_params=pltpu.CompilerParams(needs_layout_passes=False),
    )
    def run(x_hbm, ptrs_hbm, csr_hbm, out_hbm,
            x_v, win_v, ptrs_v, csr_v, scan_v, lsem):
        c = lax.axis_index("c")
        s = lax.axis_index("s")
        w = s * num_cores + c
        wbase = w * seg_per_w

        iota16 = lax.broadcasted_iota(jnp.int32, (16,), 0)
        not_last_lane = iota16 < 15

        pltpu.sync_copy(x_hbm, x_v)

        zvec = jnp.zeros((16,), jnp.float32)

        def zbody(i, carry):
            win_v[pl.ds(i * 16, 16)] = zvec
            return carry

        lax.fori_loop(0, win // 16, zbody, 0)

        def lower_bound(t):
            def body(i, state):
                lo, hi = state
                mid = ((lo + hi) // 2) // 16 * 16
                mid = jnp.minimum(mid, n_edges - 16)
                pltpu.sync_copy(csr_hbm.at[pl.ds(mid, 16)],
                                scan_v.at[pl.ds(0, 16)])
                cmid = scan_v[pl.ds(0, 16)][0]
                small = hi - lo <= 64
                ge = cmid >= t
                new_lo = jnp.where(small, lo, jnp.where(ge, lo, mid + 1))
                new_hi = jnp.where(small, hi, jnp.where(ge, mid, hi))
                return (new_lo, new_hi)

            lo, hi = lax.fori_loop(0, 24, body, (jnp.int32(0),
                                                 jnp.int32(n_edges)))
            base = jnp.minimum(lo // 16 * 16, n_edges - 96)
            pltpu.sync_copy(csr_hbm.at[pl.ds(base, 96)], scan_v)

            cnt = jnp.int32(0)
            for k in range(6):
                v = scan_v[pl.ds(k * 16, 16)]
                for i in range(16):
                    cnt = cnt + jnp.where(v[i] < t, 1, 0)
            return base + cnt

        e_lo = lower_bound(wbase)
        e_hi = lower_bound(wbase + seg_per_w)

        a_lo = e_lo // 8 * 8
        nfull = (e_hi - a_lo) // chunk
        tail_proc = a_lo + nfull * chunk
        tail_base = jnp.minimum(tail_proc, n_edges - chunk)

        def start_load(base, par):
            boff = par * chunk
            pltpu.async_copy(ptrs_hbm.at[pl.ds(base, chunk)],
                             ptrs_v.at[pl.ds(boff, chunk)], lsem.at[par])
            pltpu.async_copy(csr_hbm.at[pl.ds(base, chunk)],
                             csr_v.at[pl.ds(boff, chunk)], lsem.at[par])

        def wait_load(base, par):
            boff = par * chunk
            pltpu.make_async_copy(ptrs_hbm.at[pl.ds(base, chunk)],
                                  ptrs_v.at[pl.ds(boff, chunk)],
                                  lsem.at[par]).wait()
            pltpu.make_async_copy(csr_hbm.at[pl.ds(base, chunk)],
                                  csr_v.at[pl.ds(boff, chunk)],
                                  lsem.at[par]).wait()

        def compute(base, par, lob, hib):
            boff = par * chunk

            @plsc.parallel_loop(0, vpc, unroll=12)
            def vbody(j):
                off = boff + j * 16
                seg = csr_v[pl.ds(off, 16)]
                segn = csr_v[pl.ds(off + 1, 16)]
                idx = ptrs_v[pl.ds(off, 16)]
                vals = plsc.load_gather(x_v, [idx])
                glob = (base + j * 16) + iota16
                inr = (glob >= lob) & (glob < hib)
                vals = jnp.where(inr, vals, jnp.float32(0.0))
                p = plsc.cumsum(vals)
                is_last = (seg != segn) | (iota16 == 15)
                offs = jnp.clip(seg - wbase, 0, win - 1)
                offsn = jnp.clip(segn - wbase, 0, win - 1)
                maska = is_last & inr
                inrn = (glob >= lob - 1) & (glob < hib - 1)
                maskb = is_last & inrn & not_last_lane
                plsc.addupdate_scatter(win_v, [offs], p, mask=maska)
                plsc.addupdate_scatter(win_v, [offsn], -p, mask=maskb)

        first_base = jnp.where(nfull > 0, a_lo, tail_base)
        start_load(first_base, 0)

        def mbody(i, carry):
            par = lax.rem(i, 2)
            base = a_lo + i * chunk
            wait_load(base, par)
            nbase = jnp.where(i + 1 < nfull, a_lo + (i + 1) * chunk,
                              tail_base)
            start_load(nbase, 1 - par)
            compute(base, par, e_lo, e_hi)
            return carry

        lax.fori_loop(0, nfull, mbody, 0)

        par_t = lax.rem(nfull, 2)
        wait_load(tail_base, par_t)
        compute(tail_base, par_t, jnp.maximum(tail_proc, e_lo), e_hi)

        pltpu.sync_copy(win_v.at[pl.ds(0, seg_per_w)],
                        out_hbm.at[pl.ds(wbase, seg_per_w)])

    return run


def kernel(x, ptrs, csr):
    n_edges = ptrs.shape[0]
    info = plsc.get_sparse_core_info()
    num_cores, num_subcores = info.num_cores, info.num_subcores
    n_workers = num_cores * num_subcores

    align = n_workers * 8
    n_out_pad = ((_N_SEG + align - 1) // align) * align
    chunk = 4992
    win = 3136

    run = _make_sc_kernel(n_out_pad, n_edges, chunk, win,
                          num_cores, num_subcores)
    out = run(x, ptrs, csr)
    return out[:_N_SEG]

# --- scband reference (transcript-rebuilt; emitter-appended) ---
"""Pipeline reference for scband-knowledge-layer-31696858644647 (READ-ONLY COPY).

The authoritative reference and input builder live on the scoring server;
editing this copy changes nothing except your own understanding.
"""

import jax, jax.numpy as jnp
import numpy as np

N_NODES = 100000
N_EDGES = 6400000
N_SEG = 100000


def setup_inputs(seed: int = 0) -> dict:
    key = jax.random.key(seed)
    k1, k2, k3 = jax.random.split(key, 3)
    # node/source values to be gathered
    x = jax.random.normal(k1, (N_NODES,), dtype=jnp.float32)
    # ptrs: gather indices into x, one per 'edge'
    ptrs = jax.random.randint(k2, (N_EDGES,), 0, N_NODES, dtype=jnp.int32)
    # csr: sorted segment ids (CSR-style column/segment assignment)
    csr = jnp.sort(jax.random.randint(k3, (N_EDGES,), 0, N_SEG, dtype=jnp.int32))
    # pin the last segment id so out_shape = csr[-1] + 1 == N_SEG deterministically
    csr = csr.at[-1].set(N_SEG - 1)
    return {"x": x, "ptrs": ptrs, "csr": csr}


def reference(x, ptrs, csr):
    # KnowledgeLayer.forward: gather values at ptrs, then segment-sum-reduce
    # into out_shape = (csr[-1] + 1,) output buckets keyed by csr.
    gathered = jnp.take(x, ptrs, axis=0)
    out = jnp.zeros((N_SEG,), dtype=x.dtype).at[csr].add(gathered)
    return out

if __name__ == "__main__":
    import jax
    _d = setup_inputs()
    print(jax.jit(kernel)(*tuple(_d.values())))

</pallas_src>

<mosaic_0001>
#map = affine_map<(d0, d1) -> (0)>
module attributes {stable_mosaic.version = 14 : i64} {
  func.func @run(%arg0: i32, %arg1: i32, %arg2: memref<100000xf32, #tpu.memory_space<hbm>>, %arg3: memref<6400000xi32, #tpu.memory_space<hbm>>, %arg4: memref<6400000xi32, #tpu.memory_space<hbm>>, %arg5: memref<100096xf32, #tpu.memory_space<hbm>>, %arg6: memref<100000xf32, #tpu.memory_space<vmem>>, %arg7: memref<3136xf32, #tpu.memory_space<vmem>>, %arg8: memref<9984xi32, #tpu.memory_space<vmem>>, %arg9: memref<10000xi32, #tpu.memory_space<vmem>>, %arg10: memref<96xi32, #tpu.memory_space<vmem>>, %arg11: memref<2x!tpu.dma_semaphore, #tpu.memory_space<semaphore_mem>>) attributes {dimension_semantics = [#tpu.dimension_semantics<core_parallel>, #tpu.dimension_semantics<subcore_parallel>], iteration_bounds = array<i64: 2, 16>, scalar_prefetch = 0 : i64, scratch_operands = 6 : i64, tpu.core_type = #tpu.core_type<sc_vector_subcore>, window_params = [{transform_indices = #map}, {transform_indices = #map}, {transform_indices = #map}, {transform_indices = #map}]} {
    %mul3A = arith.constant 2 : i32
    %mul3A_0 = arith.muli %arg1, %mul3A : i32
    %add3A = arith.addi %mul3A_0, %arg0 : i32
    %mul3A_1 = arith.constant 3128 : i32
    %mul3A_2 = arith.muli %add3A, %mul3A_1 : i32
    %iota3A = tpu.iota {dimensions = array<i32: 0>} : vector<16xi32>
    %lt3A = arith.constant 15 : i32
    %lt3A_3 = vector.broadcast %lt3A : i32 to vector<16xi32>
    %lt3A_4 = arith.cmpi slt, %iota3A, %lt3A_3 : vector<16xi32>
    "tpu.region"() ({
      %run_scoped3A = tpu.sem_alloc : memref<!tpu.dma_semaphore, #tpu.memory_space<semaphore_mem>>
      tpu.enqueue_dma source(%arg2 : memref<100000xf32, #tpu.memory_space<hbm>>) target(%arg6 : memref<100000xf32, #tpu.memory_space<vmem>>) target_semaphore(%run_scoped3A : memref<!tpu.dma_semaphore, #tpu.memory_space<semaphore_mem>>)
      tpu.wait_dma2 semaphore(%run_scoped3A : memref<!tpu.dma_semaphore, #tpu.memory_space<semaphore_mem>>) src(%arg2 : memref<100000xf32, #tpu.memory_space<hbm>>) dst(%arg6 : memref<100000xf32, #tpu.memory_space<vmem>>)
      tpu.yield
    }) : () -> ()
    %broadcast_in_dim3A = arith.constant 0.000000e+00 : f32
    %broadcast_in_dim3A_5 = vector.broadcast %broadcast_in_dim3A : f32 to vector<16xf32>
    %scan3A = arith.constant 0 : i32
    %scan3A_6 = arith.constant 0 : i32
    %scan3A_7 = arith.constant 196 : i32
    %scan3A_8 = arith.addi %scan3A_6, %scan3A_7 : i32
    %scan3A_9 = arith.constant 1 : i32
    scf.for %scan3A_1548 = %scan3A_6 to %scan3A_8 step %scan3A_9  : i32 {
      %mul3A_1549 = arith.constant 16 : i32
      %mul3A_1550 = arith.muli %scan3A_1548, %mul3A_1549 : i32
      %swap3A = arith.index_cast %mul3A_1550 : i32 to index
      %swap3A_1551 = tpu.vector_load %arg7[%swap3A] {strides = array<i32>} : memref<3136xf32, #tpu.memory_space<vmem>>, vector<16xf32>,
      tpu.vector_store %arg7[%swap3A], %broadcast_in_dim3A_5 {strides = array<i32>} : memref<3136xf32, #tpu.memory_space<vmem>>, vector<16xf32>,
    }
    %scan3A_10 = arith.constant 196 : i32
    %scan3A_11 = arith.constant 0 : i32
    %scan3A_12 = arith.constant 6400000 : i32
    %scan3A_13 = arith.constant 0 : i32
    %scan3A_14 = arith.constant 24 : i32
    %scan3A_15 = arith.addi %scan3A_13, %scan3A_14 : i32
    %scan3A_16 = arith.constant 1 : i32
    %scan3A_17:2 = scf.for %scan3A_1548 = %scan3A_13 to %scan3A_15 step %scan3A_16 iter_args(%scan3A_1549 = %scan3A_11, %scan3A_1550 = %scan3A_12) -> (i32, i32)  : i32 {
      %add3A_1551 = arith.addi %scan3A_1549, %scan3A_1550 : i32
      %jit3A_1552 = arith.constant 2 : i32
      %div3A_1553 = arith.divsi %add3A_1551, %jit3A_1552 : i32
      %sign3A_1554 = arith.constant 0 : i32
      %sign3A_1555 = arith.cmpi sgt, %add3A_1551, %sign3A_1554 : i32
      %sign3A_1556 = arith.extui %sign3A_1555 : i1 to i32
      %sign3A_1557 = arith.constant 0 : i32
      %sign3A_1558 = arith.cmpi slt, %add3A_1551, %sign3A_1557 : i32
      %sign3A_1559 = arith.extui %sign3A_1558 : i1 to i32
      %sign3A_1560 = arith.subi %sign3A_1556, %sign3A_1559 : i32
      %sign3A_1561 = arith.constant 0 : i32
      %sign3A_1562 = arith.cmpi sgt, %jit3A_1552, %sign3A_1561 : i32
      %sign3A_1563 = arith.extui %sign3A_1562 : i1 to i32
      %sign3A_1564 = arith.constant 0 : i32
      %sign3A_1565 = arith.cmpi slt, %jit3A_1552, %sign3A_1564 : i32
      %sign3A_1566 = arith.extui %sign3A_1565 : i1 to i32
      %sign3A_1567 = arith.subi %sign3A_1563, %sign3A_1566 : i32
      %ne3A_1568 = arith.cmpi ne, %sign3A_1560, %sign3A_1567 : i32
      %rem3A_1569 = arith.remsi %add3A_1551, %jit3A_1552 : i32
      %ne3A_1570 = arith.constant 0 : i32
      %ne3A_1571 = arith.cmpi ne, %rem3A_1569, %ne3A_1570 : i32
      %and3A_1572 = arith.andi %ne3A_1568, %ne3A_1571 : i1
      %sub3A_1573 = arith.constant 1 : i32
      %sub3A_1574 = arith.subi %div3A_1553, %sub3A_1573 : i32
      %select_n3A_1575 = arith.select %and3A_1572, %sub3A_1574, %div3A_1553 : i32
      %jit3A_1576 = arith.constant 16 : i32
      %div3A_1577 = arith.divsi %select_n3A_1575, %jit3A_1576 : i32
      %sign3A_1578 = arith.constant 0 : i32
      %sign3A_1579 = arith.cmpi sgt, %select_n3A_1575, %sign3A_1578 : i32
      %sign3A_1580 = arith.extui %sign3A_1579 : i1 to i32
      %sign3A_1581 = arith.constant 0 : i32
      %sign3A_1582 = arith.cmpi slt, %select_n3A_1575, %sign3A_1581 : i32
      %sign3A_1583 = arith.extui %sign3A_1582 : i1 to i32
      %sign3A_1584 = arith.subi %sign3A_1580, %sign3A_1583 : i32
      %sign3A_1585 = arith.constant 0 : i32
      %sign3A_1586 = arith.cmpi sgt, %jit3A_1576, %sign3A_1585 : i32
      %sign3A_1587 = arith.extui %sign3A_1586 : i1 to i32
      %sign3A_1588 = arith.constant 0 : i32
      %sign3A_1589 = arith.cmpi slt, %jit3A_1576, %sign3A_1588 : i32
      %sign3A_1590 = arith.extui %sign3A_1589 : i1 to i32
      %sign3A_1591 = arith.subi %sign3A_1587, %sign3A_1590 : i32
      %ne3A_1592 = arith.cmpi ne, %sign3A_1584, %sign3A_1591 : i32
      %rem3A_1593 = arith.remsi %select_n3A_1575, %jit3A_1576 : i32
      %ne3A_1594 = arith.constant 0 : i32
      %ne3A_1595 = arith.cmpi ne, %rem3A_1593, %ne3A_1594 : i32
      %and3A_1596 = arith.andi %ne3A_1592, %ne3A_1595 : i1
      %sub3A_1597 = arith.constant 1 : i32
      %sub3A_1598 = arith.subi %div3A_1577, %sub3A_1597 : i32
      %select_n3A_1599 = arith.select %and3A_1596, %sub3A_1598, %div3A_1577 : i32
      %mul3A_1600 = arith.constant 16 : i32
      %mul3A_1601 = arith.muli %select_n3A_1599, %mul3A_1600 : i32
      %min3A_1602 = arith.constant 6399984 : i32
      %min3A_1603 = arith.minsi %mul3A_1601, %min3A_1602 : i32
      "tpu.region"() ({
        %run_scoped3A = tpu.sem_alloc : memref<!tpu.dma_semaphore, #tpu.memory_space<semaphore_mem>>
        %dma_start3A_1616 = arith.constant 0 : i32
        %dma_start3A_1617 = tpu.memref_slice %arg10[%dma_start3A_1616] : memref<96xi32, #tpu.memory_space<vmem>> -> memref<16xi32, #tpu.memory_space<vmem>>
        %dma_start3A_1618 = tpu.memref_slice %arg4[%min3A_1603] : memref<6400000xi32, #tpu.memory_space<hbm>> -> memref<16xi32, #tpu.memory_space<hbm>>
        %dma_start3A_1619 = arith.constant 0 : i32
        %dma_start3A_1620 = tpu.memref_slice %arg10[%dma_start3A_1619] : memref<96xi32, #tpu.memory_space<vmem>> -> memref<16xi32, #tpu.memory_space<vmem>>
        %dma_start3A_1621 = tpu.memref_slice %arg4[%min3A_1603] : memref<6400000xi32, #tpu.memory_space<hbm>> -> memref<16xi32, #tpu.memory_space<hbm>>
        tpu.enqueue_dma source(%dma_start3A_1621 : memref<16xi32, #tpu.memory_space<hbm>>) target(%dma_start3A_1620 : memref<16xi32, #tpu.memory_space<vmem>>) target_semaphore(%run_scoped3A : memref<!tpu.dma_semaphore, #tpu.memory_space<semaphore_mem>>)
        %dma_wait3A_1622 = arith.constant 0 : i32
        %dma_wait3A_1623 = tpu.memref_slice %arg10[%dma_wait3A_1622] : memref<96xi32, #tpu.memory_space<vmem>> -> memref<16xi32, #tpu.memory_space<vmem>>
        %dma_wait3A_1624 = tpu.memref_slice %arg4[%min3A_1603] : memref<6400000xi32, #tpu.memory_space<hbm>> -> memref<16xi32, #tpu.memory_space<hbm>>
        %dma_wait3A_1625 = arith.constant 0 : i32
        %dma_wait3A_1626 = tpu.memref_slice %arg10[%dma_wait3A_1625] : memref<96xi32, #tpu.memory_space<vmem>> -> memref<16xi32, #tpu.memory_space<vmem>>
        %dma_wait3A_1627 = tpu.memref_slice %arg4[%min3A_1603] : memref<6400000xi32, #tpu.memory_space<hbm>> -> memref<16xi32, #tpu.memory_space<hbm>>
        tpu.wait_dma2 semaphore(%run_scoped3A : memref<!tpu.dma_semaphore, #tpu.memory_space<semaphore_mem>>) src(%dma_wait3A_1627 : memref<16xi32, #tpu.memory_space<hbm>>) dst(%dma_wait3A_1626 : memref<16xi32, #tpu.memory_space<vmem>>)
        tpu.yield
      }) : () -> ()
      %get3A_1604 = arith.constant 0 : index
      %get3A_1605 = tpu.vector_load %arg10[%get3A_1604] {strides = array<i32>} : memref<96xi32, #tpu.memory_space<vmem>>, vector<16xi32>,
      %slice3A_1606 = vector.extract_strided_slice %get3A_1605 {offsets = [0], sizes = [1], strides = [1]} : vector<16xi32> to vector<1xi32>
      %squeeze3A_1607 = vector.extract %slice3A_1606[0] : i32 from vector<1xi32>
      %sub3A_1608 = arith.subi %scan3A_1550, %scan3A_1549 : i32
      %le3A = arith.constant 64 : i32
      %le3A_1609 = arith.cmpi sle, %sub3A_1608, %le3A : i32
      %ge3A = arith.cmpi sge, %squeeze3A_1607, %mul3A_2 : i32
      %add3A_1610 = arith.constant 1 : i32
      %add3A_1611 = arith.addi %min3A_1603, %add3A_1610 : i32
      %select_n3A_1612 = arith.select %ge3A, %scan3A_1549, %add3A_1611 : i32
      %select_n3A_1613 = arith.select %le3A_1609, %scan3A_1549, %select_n3A_1612 : i32
      %select_n3A_1614 = arith.select %ge3A, %min3A_1603, %scan3A_1550 : i32
      %select_n3A_1615 = arith.select %le3A_1609, %scan3A_1550, %select_n3A_1614 : i32
      scf.yield %select_n3A_1613, %select_n3A_1615 : i32, i32
    }
    %scan3A_18 = arith.constant 24 : i32
    %jit3A = arith.constant 16 : i32
    %div3A = arith.divsi %scan3A_17#0, %jit3A : i32
    %sign3A = arith.constant 0 : i32
    %sign3A_19 = arith.cmpi sgt, %scan3A_17#0, %sign3A : i32
    %sign3A_20 = arith.extui %sign3A_19 : i1 to i32
    %sign3A_21 = arith.constant 0 : i32
    %sign3A_22 = arith.cmpi slt, %scan3A_17#0, %sign3A_21 : i32
    %sign3A_23 = arith.extui %sign3A_22 : i1 to i32
    %sign3A_24 = arith.subi %sign3A_20, %sign3A_23 : i32
    %sign3A_25 = arith.constant 0 : i32
    %sign3A_26 = arith.cmpi sgt, %jit3A, %sign3A_25 : i32
    %sign3A_27 = arith.extui %sign3A_26 : i1 to i32
    %sign3A_28 = arith.constant 0 : i32
    %sign3A_29 = arith.cmpi slt, %jit3A, %sign3A_28 : i32
    %sign3A_30 = arith.extui %sign3A_29 : i1 to i32
    %sign3A_31 = arith.subi %sign3A_27, %sign3A_30 : i32
    %ne3A = arith.cmpi ne, %sign3A_24, %sign3A_31 : i32
    %rem3A = arith.remsi %scan3A_17#0, %jit3A : i32
    %ne3A_32 = arith.constant 0 : i32
    %ne3A_33 = arith.cmpi ne, %rem3A, %ne3A_32 : i32
    %and3A = arith.andi %ne3A, %ne3A_33 : i1
    %sub3A = arith.constant 1 : i32
    %sub3A_34 = arith.subi %div3A, %sub3A : i32
    %select_n3A = arith.select %and3A, %sub3A_34, %div3A : i32
    %mul3A_35 = arith.constant 16 : i32
    %mul3A_36 = arith.muli %select_n3A, %mul3A_35 : i32
    %min3A = arith.constant 6399904 : i32
    %min3A_37 = arith.minsi %mul3A_36, %min3A : i32
    "tpu.region"() ({
      %run_scoped3A = tpu.sem_alloc : memref<!tpu.dma_semaphore, #tpu.memory_space<semaphore_mem>>
      %dma_start3A_1548 = tpu.memref_slice %arg4[%min3A_37] : memref<6400000xi32, #tpu.memory_space<hbm>> -> memref<96xi32, #tpu.memory_space<hbm>>
      %dma_start3A_1549 = tpu.memref_slice %arg4[%min3A_37] : memref<6400000xi32, #tpu.memory_space<hbm>> -> memref<96xi32, #tpu.memory_space<hbm>>
      tpu.enqueue_dma source(%dma_start3A_1549 : memref<96xi32, #tpu.memory_space<hbm>>) target(%arg10 : memref<96xi32, #tpu.memory_space<vmem>>) target_semaphore(%run_scoped3A : memref<!tpu.dma_semaphore, #tpu.memory_space<semaphore_mem>>)
      %dma_wait3A_1550 = tpu.memref_slice %arg4[%min3A_37] : memref<6400000xi32, #tpu.memory_space<hbm>> -> memref<96xi32, #tpu.memory_space<hbm>>
      %dma_wait3A_1551 = tpu.memref_slice %arg4[%min3A_37] : memref<6400000xi32, #tpu.memory_space<hbm>> -> memref<96xi32, #tpu.memory_space<hbm>>
      tpu.wait_dma2 semaphore(%run_scoped3A : memref<!tpu.dma_semaphore, #tpu.memory_space<semaphore_mem>>) src(%dma_wait3A_1551 : memref<96xi32, #tpu.memory_space<hbm>>) dst(%arg10 : memref<96xi32, #tpu.memory_space<vmem>>)
      tpu.yield
    }) : () -> ()
    %get3A = arith.constant 0 : index
    %get3A_38 = tpu.vector_load %arg10[%get3A] {strides = array<i32>} : memref<96xi32, #tpu.memory_space<vmem>>, vector<16xi32>,
    %slice3A = vector.extract_strided_slice %get3A_38 {offsets = [0], sizes = [1], strides = [1]} : vector<16xi32> to vector<1xi32>
    %squeeze3A = vector.extract %slice3A[0] : i32 from vector<1xi32>
    %lt3A_39 = arith.cmpi slt, %squeeze3A, %mul3A_2 : i32
    %jit3A_40 = arith.constant 1 : i32
    %jit3A_41 = arith.constant 0 : i32
    %select_n3A_42 = arith.select %lt3A_39, %jit3A_40, %jit3A_41 : i32
    %add3A_43 = arith.constant 0 : i32
    %add3A_44 = arith.addi %add3A_43, %select_n3A_42 : i32
    %slice3A_45 = vector.extract_strided_slice %get3A_38 {offsets = [1], sizes = [1], strides = [1]} : vector<16xi32> to vector<1xi32>
    %squeeze3A_46 = vector.extract %slice3A_45[0] : i32 from vector<1xi32>
    %lt3A_47 = arith.cmpi slt, %squeeze3A_46, %mul3A_2 : i32
    %jit3A_48 = arith.constant 1 : i32
    %jit3A_49 = arith.constant 0 : i32
    %select_n3A_50 = arith.select %lt3A_47, %jit3A_48, %jit3A_49 : i32
    %add3A_51 = arith.addi %add3A_44, %select_n3A_50 : i32
    %slice3A_52 = vector.extract_strided_slice %get3A_38 {offsets = [2], sizes = [1], strides = [1]} : vector<16xi32> to vector<1xi32>
    %squeeze3A_53 = vector.extract %slice3A_52[0] : i32 from vector<1xi32>
    %lt3A_54 = arith.cmpi slt, %squeeze3A_53, %mul3A_2 : i32
    %jit3A_55 = arith.constant 1 : i32
    %jit3A_56 = arith.constant 0 : i32
    %select_n3A_57 = arith.select %lt3A_54, %jit3A_55, %jit3A_56 : i32
    %add3A_58 = arith.addi %add3A_51, %select_n3A_57 : i32
    %slice3A_59 = vector.extract_strided_slice %get3A_38 {offsets = [3], sizes = [1], strides = [1]} : vector<16xi32> to vector<1xi32>
    %squeeze3A_60 = vector.extract %slice3A_59[0] : i32 from vector<1xi32>
    %lt3A_61 = arith.cmpi slt, %squeeze3A_60, %mul3A_2 : i32
    %jit3A_62 = arith.constant 1 : i32
    %jit3A_63 = arith.constant 0 : i32
    %select_n3A_64 = arith.select %lt3A_61, %jit3A_62, %jit3A_63 : i32
    %add3A_65 = arith.addi %add3A_58, %select_n3A_64 : i32
    %slice3A_66 = vector.extract_strided_slice %get3A_38 {offsets = [4], sizes = [1], strides = [1]} : vector<16xi32> to vector<1xi32>
    %squeeze3A_67 = vector.extract %slice3A_66[0] : i32 from vector<1xi32>
    %lt3A_68 = arith.cmpi slt, %squeeze3A_67, %mul3A_2 : i32
    %jit3A_69 = arith.constant 1 : i32
    %jit3A_70 = arith.constant 0 : i32
    %select_n3A_71 = arith.select %lt3A_68, %jit3A_69, %jit3A_70 : i32
    %add3A_72 = arith.addi %add3A_65, %select_n3A_71 : i32
    %slice3A_73 = vector.extract_strided_slice %get3A_38 {offsets = [5], sizes = [1], strides = [1]} : vector<16xi32> to vector<1xi32>
    %squeeze3A_74 = vector.extract %slice3A_73[0] : i32 from vector<1xi32>
    %lt3A_75 = arith.cmpi slt, %squeeze3A_74, %mul3A_2 : i32
    %jit3A_76 = arith.constant 1 : i32
    %jit3A_77 = arith.constant 0 : i32
    %select_n3A_78 = arith.select %lt3A_75, %jit3A_76, %jit3A_77 : i32
    %add3A_79 = arith.addi %add3A_72, %select_n3A_78 : i32
    %slice3A_80 = vector.extract_strided_slice %get3A_38 {offsets = [6], sizes = [1], strides = [1]} : vector<16xi32> to vector<1xi32>
    %squeeze3A_81 = vector.extract %slice3A_80[0] : i32 from vector<1xi32>
    %lt3A_82 = arith.cmpi slt, %squeeze3A_81, %mul3A_2 : i32
    %jit3A_83 = arith.constant 1 : i32
    %jit3A_84 = arith.constant 0 : i32
    %select_n3A_85 = arith.select %lt3A_82, %jit3A_83, %jit3A_84 : i32
    %add3A_86 = arith.addi %add3A_79, %select_n3A_85 : i32
    %slice3A_87 = vector.extract_strided_slice %get3A_38 {offsets = [7], sizes = [1], strides = [1]} : vector<16xi32> to vector<1xi32>
    %squeeze3A_88 = vector.extract %slice3A_87[0] : i32 from vector<1xi32>
    %lt3A_89 = arith.cmpi slt, %squeeze3A_88, %mul3A_2 : i32
    %jit3A_90 = arith.constant 1 : i32
    %jit3A_91 = arith.constant 0 : i32
    %select_n3A_92 = arith.select %lt3A_89, %jit3A_90, %jit3A_91 : i32
    %add3A_93 = arith.addi %add3A_86, %select_n3A_92 : i32
    %slice3A_94 = vector.extract_strided_slice %get3A_38 {offsets = [8], sizes = [1], strides = [1]} : vector<16xi32> to vector<1xi32>
    %squeeze3A_95 = vector.extract %slice3A_94[0] : i32 from vector<1xi32>
    %lt3A_96 = arith.cmpi slt, %squeeze3A_95, %mul3A_2 : i32
    %jit3A_97 = arith.constant 1 : i32
    %jit3A_98 = arith.constant 0 : i32
    %select_n3A_99 = arith.select %lt3A_96, %jit3A_97, %jit3A_98 : i32
    %add3A_100 = arith.addi %add3A_93, %select_n3A_99 : i32
    %slice3A_101 = vector.extract_strided_slice %get3A_38 {offsets = [9], sizes = [1], strides = [1]} : vector<16xi32> to vector<1xi32>
    %squeeze3A_102 = vector.extract %slice3A_101[0] : i32 from vector<1xi32>
    %lt3A_103 = arith.cmpi slt, %squeeze3A_102, %mul3A_2 : i32
    %jit3A_104 = arith.constant 1 : i32
    %jit3A_105 = arith.constant 0 : i32
    %select_n3A_106 = arith.select %lt3A_103, %jit3A_104, %jit3A_105 : i32
    %add3A_107 = arith.addi %add3A_100, %select_n3A_106 : i32
    %slice3A_108 = vector.extract_strided_slice %get3A_38 {offsets = [10], sizes = [1], strides = [1]} : vector<16xi32> to vector<1xi32>
    %squeeze3A_109 = vector.extract %slice3A_108[0] : i32 from vector<1xi32>
    %lt3A_110 = arith.cmpi slt, %squeeze3A_109, %mul3A_2 : i32
    %jit3A_111 = arith.constant 1 : i32
    %jit3A_112 = arith.constant 0 : i32
    %select_n3A_113 = arith.select %lt3A_110, %jit3A_111, %jit3A_112 : i32
    %add3A_114 = arith.addi %add3A_107, %select_n3A_113 : i32
    %slice3A_115 = vector.extract_strided_slice %get3A_38 {offsets = [11], sizes = [1], strides = [1]} : vector<16xi32> to vector<1xi32>
    %squeeze3A_116 = vector.extract %slice3A_115[0] : i32 from vector<1xi32>
    %lt3A_117 = arith.cmpi slt, %squeeze3A_116, %mul3A_2 : i32
    %jit3A_118 = arith.constant 1 : i32
    %jit3A_119 = arith.constant 0 : i32
    %select_n3A_120 = arith.select %lt3A_117, %jit3A_118, %jit3A_119 : i32
    %add3A_121 = arith.addi %add3A_114, %select_n3A_120 : i32
    %slice3A_122 = vector.extract_strided_slice %get3A_38 {offsets = [12], sizes = [1], strides = [1]} : vector<16xi32> to vector<1xi32>
    %squeeze3A_123 = vector.extract %slice3A_122[0] : i32 from vector<1xi32>
    %lt3A_124 = arith.cmpi slt, %squeeze3A_123, %mul3A_2 : i32
    %jit3A_125 = arith.constant 1 : i32
    %jit3A_126 = arith.constant 0 : i32
    %select_n3A_127 = arith.select %lt3A_124, %jit3A_125, %jit3A_126 : i32
    %add3A_128 = arith.addi %add3A_121, %select_n3A_127 : i32
    %slice3A_129 = vector.extract_strided_slice %get3A_38 {offsets = [13], sizes = [1], strides = [1]} : vector<16xi32> to vector<1xi32>
    %squeeze3A_130 = vector.extract %slice3A_129[0] : i32 from vector<1xi32>
    %lt3A_131 = arith.cmpi slt, %squeeze3A_130, %mul3A_2 : i32
    %jit3A_132 = arith.constant 1 : i32
    %jit3A_133 = arith.constant 0 : i32
    %select_n3A_134 = arith.select %lt3A_131, %jit3A_132, %jit3A_133 : i32
    %add3A_135 = arith.addi %add3A_128, %select_n3A_134 : i32
    %slice3A_136 = vector.extract_strided_slice %get3A_38 {offsets = [14], sizes = [1], strides = [1]} : vector<16xi32> to vector<1xi32>
    %squeeze3A_137 = vector.extract %slice3A_136[0] : i32 from vector<1xi32>
    %lt3A_138 = arith.cmpi slt, %squeeze3A_137, %mul3A_2 : i32
    %jit3A_139 = arith.constant 1 : i32
    %jit3A_140 = arith.constant 0 : i32
    %select_n3A_141 = arith.select %lt3A_138, %jit3A_139, %jit3A_140 : i32
    %add3A_142 = arith.addi %add3A_135, %select_n3A_141 : i32
    %slice3A_143 = vector.extract_strided_slice %get3A_38 {offsets = [15], sizes = [1], strides = [1]} : vector<16xi32> to vector<1xi32>
    %squeeze3A_144 = vector.extract %slice3A_143[0] : i32 from vector<1xi32>
    %lt3A_145 = arith.cmpi slt, %squeeze3A_144, %mul3A_2 : i32
    %jit3A_146 = arith.constant 1 : i32
    %jit3A_147 = arith.constant 0 : i32
    %select_n3A_148 = arith.select %lt3A_145, %jit3A_146, %jit3A_147 : i32
    %add3A_149 = arith.addi %add3A_142, %select_n3A_148 : i32
    %get3A_150 = arith.constant 16 : index
    %get3A_151 = tpu.vector_load %arg10[%get3A_150] {strides = array<i32>} : memref<96xi32, #tpu.memory_space<vmem>>, vector<16xi32>,
    %slice3A_152 = vector.extract_strided_slice %get3A_151 {offsets = [0], sizes = [1], strides = [1]} : vector<16xi32> to vector<1xi32>
    %squeeze3A_153 = vector.extract %slice3A_152[0] : i32 from vector<1xi32>
    %lt3A_154 = arith.cmpi slt, %squeeze3A_153, %mul3A_2 : i32
    %jit3A_155 = arith.constant 1 : i32
    %jit3A_156 = arith.constant 0 : i32
    %select_n3A_157 = arith.select %lt3A_154, %jit3A_155, %jit3A_156 : i32
    %add3A_158 = arith.addi %add3A_149, %select_n3A_157 : i32
    %slice3A_159 = vector.extract_strided_slice %get3A_151 {offsets = [1], sizes = [1], strides = [1]} : vector<16xi32> to vector<1xi32>
    %squeeze3A_160 = vector.extract %slice3A_159[0] : i32 from vector<1xi32>
    %lt3A_161 = arith.cmpi slt, %squeeze3A_160, %mul3A_2 : i32
    %jit3A_162 = arith.constant 1 : i32
    %jit3A_163 = arith.constant 0 : i32
    %select_n3A_164 = arith.select %lt3A_161, %jit3A_162, %jit3A_163 : i32
    %add3A_165 = arith.addi %add3A_158, %select_n3A_164 : i32
    %slice3A_166 = vector.extract_strided_slice %get3A_151 {offsets = [2], sizes = [1], strides = [1]} : vector<16xi32> to vector<1xi32>
    %squeeze3A_167 = vector.extract %slice3A_166[0] : i32 from vector<1xi32>
    %lt3A_168 = arith.cmpi slt, %squeeze3A_167, %mul3A_2 : i32
    %jit3A_169 = arith.constant 1 : i32
    %jit3A_170 = arith.constant 0 : i32
    %select_n3A_171 = arith.select %lt3A_168, %jit3A_169, %jit3A_170 : i32
    %add3A_172 = arith.addi %add3A_165, %select_n3A_171 : i32
    %slice3A_173 = vector.extract_strided_slice %get3A_151 {offsets = [3], sizes = [1], strides = [1]} : vector<16xi32> to vector<1xi32>
    %squeeze3A_174 = vector.extract %slice3A_173[0] : i32 from vector<1xi32>
    %lt3A_175 = arith.cmpi slt, %squeeze3A_174, %mul3A_2 : i32
    %jit3A_176 = arith.constant 1 : i32
    %jit3A_177 = arith.constant 0 : i32
    %select_n3A_178 = arith.select %lt3A_175, %jit3A_176, %jit3A_177 : i32
    %add3A_179 = arith.addi %add3A_172, %select_n3A_178 : i32
    %slice3A_180 = vector.extract_strided_slice %get3A_151 {offsets = [4], sizes = [1], strides = [1]} : vector<16xi32> to vector<1xi32>
    %squeeze3A_181 = vector.extract %slice3A_180[0] : i32 from vector<1xi32>
    %lt3A_182 = arith.cmpi slt, %squeeze3A_181, %mul3A_2 : i32
    %jit3A_183 = arith.constant 1 : i32
    %jit3A_184 = arith.constant 0 : i32
    %select_n3A_185 = arith.select %lt3A_182, %jit3A_183, %jit3A_184 : i32
    %add3A_186 = arith.addi %add3A_179, %select_n3A_185 : i32
    %slice3A_187 = vector.extract_strided_slice %get3A_151 {offsets = [5], sizes = [1], strides = [1]} : vector<16xi32> to vector<1xi32>
    %squeeze3A_188 = vector.extract %slice3A_187[0] : i32 from vector<1xi32>
    %lt3A_189 = arith.cmpi slt, %squeeze3A_188, %mul3A_2 : i32
    %jit3A_190 = arith.constant 1 : i32
    %jit3A_191 = arith.constant 0 : i32
    %select_n3A_192 = arith.select %lt3A_189, %jit3A_190, %jit3A_191 : i32
    %add3A_193 = arith.addi %add3A_186, %select_n3A_192 : i32
    %slice3A_194 = vector.extract_strided_slice %get3A_151 {offsets = [6], sizes = [1], strides = [1]} : vector<16xi32> to vector<1xi32>
    %squeeze3A_195 = vector.extract %slice3A_194[0] : i32 from vector<1xi32>
    %lt3A_196 = arith.cmpi slt, %squeeze3A_195, %mul3A_2 : i32
    %jit3A_197 = arith.constant 1 : i32
    %jit3A_198 = arith.constant 0 : i32
    %select_n3A_199 = arith.select %lt3A_196, %jit3A_197, %jit3A_198 : i32
    %add3A_200 = arith.addi %add3A_193, %select_n3A_199 : i32
    %slice3A_201 = vector.extract_strided_slice %get3A_151 {offsets = [7], sizes = [1], strides = [1]} : vector<16xi32> to vector<1xi32>
    %squeeze3A_202 = vector.extract %slice3A_201[0] : i32 from vector<1xi32>
    %lt3A_203 = arith.cmpi slt, %squeeze3A_202, %mul3A_2 : i32
    %jit3A_204 = arith.constant 1 : i32
    %jit3A_205 = arith.constant 0 : i32
    %select_n3A_206 = arith.select %lt3A_203, %jit3A_204, %jit3A_205 : i32
    %add3A_207 = arith.addi %add3A_200, %select_n3A_206 : i32
    %slice3A_208 = vector.extract_strided_slice %get3A_151 {offsets = [8], sizes = [1], strides = [1]} : vector<16xi32> to vector<1xi32>
    %squeeze3A_209 = vector.extract %slice3A_208[0] : i32 from vector<1xi32>
    %lt3A_210 = arith.cmpi slt, %squeeze3A_209, %mul3A_2 : i32
    %jit3A_211 = arith.constant 1 : i32
    %jit3A_212 = arith.constant 0 : i32
    %select_n3A_213 = arith.select %lt3A_210, %jit3A_211, %jit3A_212 : i32
    %add3A_214 = arith.addi %add3A_207, %select_n3A_213 : i32
    %slice3A_215 = vector.extract_strided_slice %get3A_151 {offsets = [9], sizes = [1], strides = [1]} : vector<16xi32> to vector<1xi32>
    %squeeze3A_216 = vector.extract %slice3A_215[0] : i32 from vector<1xi32>
    %lt3A_217 = arith.cmpi slt, %squeeze3A_216, %mul3A_2 : i32
    %jit3A_218 = arith.constant 1 : i32
    %jit3A_219 = arith.constant 0 : i32
    %select_n3A_220 = arith.select %lt3A_217, %jit3A_218, %jit3A_219 : i32
    %add3A_221 = arith.addi %add3A_214, %select_n3A_220 : i32
    %slice3A_222 = vector.extract_strided_slice %get3A_151 {offsets = [10], sizes = [1], strides = [1]} : vector<16xi32> to vector<1xi32>
    %squeeze3A_223 = vector.extract %slice3A_222[0] : i32 from vector<1xi32>
    %lt3A_224 = arith.cmpi slt, %squeeze3A_223, %mul3A_2 : i32
    %jit3A_225 = arith.constant 1 : i32
    %jit3A_226 = arith.constant 0 : i32
    %select_n3A_227 = arith.select %lt3A_224, %jit3A_225, %jit3A_226 : i32
    %add3A_228 = arith.addi %add3A_221, %select_n3A_227 : i32
    %slice3A_229 = vector.extract_strided_slice %get3A_151 {offsets = [11], sizes = [1], strides = [1]} : vector<16xi32> to vector<1xi32>
    %squeeze3A_230 = vector.extract %slice3A_229[0] : i32 from vector<1xi32>
    %lt3A_231 = arith.cmpi slt, %squeeze3A_230, %mul3A_2 : i32
    %jit3A_232 = arith.constant 1 : i32
    %jit3A_233 = arith.constant 0 : i32
    %select_n3A_234 = arith.select %lt3A_231, %jit3A_232, %jit3A_233 : i32
    %add3A_235 = arith.addi %add3A_228, %select_n3A_234 : i32
    %slice3A_236 = vector.extract_strided_slice %get3A_151 {offsets = [12], sizes = [1], strides = [1]} : vector<16xi32> to vector<1xi32>
    %squeeze3A_237 = vector.extract %slice3A_236[0] : i32 from vector<1xi32>
    %lt3A_238 = arith.cmpi slt, %squeeze3A_237, %mul3A_2 : i32
    %jit3A_239 = arith.constant 1 : i32
    %jit3A_240 = arith.constant 0 : i32
    %select_n3A_241 = arith.select %lt3A_238, %jit3A_239, %jit3A_240 : i32
    %add3A_242 = arith.addi %add3A_235, %select_n3A_241 : i32
    %slice3A_243 = vector.extract_strided_slice %get3A_151 {offsets = [13], sizes = [1], strides = [1]} : vector<16xi32> to vector<1xi32>
    %squeeze3A_244 = vector.extract %slice3A_243[0] : i32 from vector<1xi32>
    %lt3A_245 = arith.cmpi slt, %squeeze3A_244, %mul3A_2 : i32
    %jit3A_246 = arith.constant 1 : i32
    %jit3A_247 = arith.constant 0 : i32
    %select_n3A_248 = arith.select %lt3A_245, %jit3A_246, %jit3A_247 : i32
    %add3A_249 = arith.addi %add3A_242, %select_n3A_248 : i32
    %slice3A_250 = vector.extract_strided_slice %get3A_151 {offsets = [14], sizes = [1], strides = [1]} : vector<16xi32> to vector<1xi32>
    %squeeze3A_251 = vector.extract %slice3A_250[0] : i32 from vector<1xi32>
    %lt3A_252 = arith.cmpi slt, %squeeze3A_251, %mul3A_2 : i32
    %jit3A_253 = arith.constant 1 : i32
    %jit3A_254 = arith.constant 0 : i32
    %select_n3A_255 = arith.select %lt3A_252, %jit3A_253, %jit3A_254 : i32
    %add3A_256 = arith.addi %add3A_249, %select_n3A_255 : i32
    %slice3A_257 = vector.extract_strided_slice %get3A_151 {offsets = [15], sizes = [1], strides = [1]} : vector<16xi32> to vector<1xi32>
    %squeeze3A_258 = vector.extract %slice3A_257[0] : i32 from vector<1xi32>
    %lt3A_259 = arith.cmpi slt, %squeeze3A_258, %mul3A_2 : i32
    %jit3A_260 = arith.constant 1 : i32
    %jit3A_261 = arith.constant 0 : i32
    %select_n3A_262 = arith.select %lt3A_259, %jit3A_260, %jit3A_261 : i32
    %add3A_263 = arith.addi %add3A_256, %select_n3A_262 : i32
    %get3A_264 = arith.constant 32 : index
    %get3A_265 = tpu.vector_load %arg10[%get3A_264] {strides = array<i32>} : memref<96xi32, #tpu.memory_space<vmem>>, vector<16xi32>,
    %slice3A_266 = vector.extract_strided_slice %get3A_265 {offsets = [0], sizes = [1], strides = [1]} : vector<16xi32> to vector<1xi32>
    %squeeze3A_267 = vector.extract %slice3A_266[0] : i32 from vector<1xi32>
    %lt3A_268 = arith.cmpi slt, %squeeze3A_267, %mul3A_2 : i32
    %jit3A_269 = arith.constant 1 : i32
    %jit3A_270 = arith.constant 0 : i32
    %select_n3A_271 = arith.select %lt3A_268, %jit3A_269, %jit3A_270 : i32
    %add3A_272 = arith.addi %add3A_263, %select_n3A_271 : i32
    %slice3A_273 = vector.extract_strided_slice %get3A_265 {offsets = [1], sizes = [1], strides = [1]} : vector<16xi32> to vector<1xi32>
    %squeeze3A_274 = vector.extract %slice3A_273[0] : i32 from vector<1xi32>
    %lt3A_275 = arith.cmpi slt, %squeeze3A_274, %mul3A_2 : i32
    %jit3A_276 = arith.constant 1 : i32
    %jit3A_277 = arith.constant 0 : i32
    %select_n3A_278 = arith.select %lt3A_275, %jit3A_276, %jit3A_277 : i32
    %add3A_279 = arith.addi %add3A_272, %select_n3A_278 : i32
    %slice3A_280 = vector.extract_strided_slice %get3A_265 {offsets = [2], sizes = [1], strides = [1]} : vector<16xi32> to vector<1xi32>
    %squeeze3A_281 = vector.extract %slice3A_280[0] : i32 from vector<1xi32>
    %lt3A_282 = arith.cmpi slt, %squeeze3A_281, %mul3A_2 : i32
    %jit3A_283 = arith.constant 1 : i32
    %jit3A_284 = arith.constant 0 : i32
    %select_n3A_285 = arith.select %lt3A_282, %jit3A_283, %jit3A_284 : i32
    %add3A_286 = arith.addi %add3A_279, %select_n3A_285 : i32
    %slice3A_287 = vector.extract_strided_slice %get3A_265 {offsets = [3], sizes = [1], strides = [1]} : vector<16xi32> to vector<1xi32>
    %squeeze3A_288 = vector.extract %slice3A_287[0] : i32 from vector<1xi32>
    %lt3A_289 = arith.cmpi slt, %squeeze3A_288, %mul3A_2 : i32
    %jit3A_290 = arith.constant 1 : i32
    %jit3A_291 = arith.constant 0 : i32
    %select_n3A_292 = arith.select %lt3A_289, %jit3A_290, %jit3A_291 : i32
    %add3A_293 = arith.addi %add3A_286, %select_n3A_292 : i32
    %slice3A_294 = vector.extract_strided_slice %get3A_265 {offsets = [4], sizes = [1], strides = [1]} : vector<16xi32> to vector<1xi32>
    %squeeze3A_295 = vector.extract %slice3A_294[0] : i32 from vector<1xi32>
    %lt3A_296 = arith.cmpi slt, %squeeze3A_295, %mul3A_2 : i32
    %jit3A_297 = arith.constant 1 : i32
    %jit3A_298 = arith.constant 0 : i32
    %select_n3A_299 = arith.select %lt3A_296, %jit3A_297, %jit3A_298 : i32
    %add3A_300 = arith.addi %add3A_293, %select_n3A_299 : i32
    %slice3A_301 = vector.extract_strided_slice %get3A_265 {offsets = [5], sizes = [1], strides = [1]} : vector<16xi32> to vector<1xi32>
    %squeeze3A_302 = vector.extract %slice3A_301[0] : i32 from vector<1xi32>
    %lt3A_303 = arith.cmpi slt, %squeeze3A_302, %mul3A_2 : i32
    %jit3A_304 = arith.constant 1 : i32
    %jit3A_305 = arith.constant 0 : i32
    %select_n3A_306 = arith.select %lt3A_303, %jit3A_304, %jit3A_305 : i32
    %add3A_307 = arith.addi %add3A_300, %select_n3A_306 : i32
    %slice3A_308 = vector.extract_strided_slice %get3A_265 {offsets = [6], sizes = [1], strides = [1]} : vector<16xi32> to vector<1xi32>
    %squeeze3A_309 = vector.extract %slice3A_308[0] : i32 from vector<1xi32>
    %lt3A_310 = arith.cmpi slt, %squeeze3A_309, %mul3A_2 : i32
    %jit3A_311 = arith.constant 1 : i32
    %jit3A_312 = arith.constant 0 : i32
    %select_n3A_313 = arith.select %lt3A_310, %jit3A_311, %jit3A_312 : i32
    %add3A_314 = arith.addi %add3A_307, %select_n3A_313 : i32
    %slice3A_315 = vector.extract_strided_slice %get3A_265 {offsets = [7], sizes = [1], strides = [1]} : vector<16xi32> to vector<1xi32>
    %squeeze3A_316 = vector.extract %slice3A_315[0] : i32 from vector<1xi32>
    %lt3A_317 = arith.cmpi slt, %squeeze3A_316, %mul3A_2 : i32
    %jit3A_318 = arith.constant 1 : i32
    %jit3A_319 = arith.constant 0 : i32
    %select_n3A_320 = arith.select %lt3A_317, %jit3A_318, %jit3A_319 : i32
    %add3A_321 = arith.addi %add3A_314, %select_n3A_320 : i32
    %slice3A_322 = vector.extract_strided_slice %get3A_265 {offsets = [8], sizes = [1], strides = [1]} : vector<16xi32> to vector<1xi32>
    %squeeze3A_323 = vector.extract %slice3A_322[0] : i32 from vector<1xi32>
    %lt3A_324 = arith.cmpi slt, %squeeze3A_323, %mul3A_2 : i32
    %jit3A_325 = arith.constant 1 : i32
    %jit3A_326 = arith.constant 0 : i32
    %select_n3A_327 = arith.select %lt3A_324, %jit3A_325, %jit3A_326 : i32
    %add3A_328 = arith.addi %add3A_321, %select_n3A_327 : i32
    %slice3A_329 = vector.extract_strided_slice %get3A_265 {offsets = [9], sizes = [1], strides = [1]} : vector<16xi32> to vector<1xi32>
    %squeeze3A_330 = vector.extract %slice3A_329[0] : i32 from vector<1xi32>
    %lt3A_331 = arith.cmpi slt, %squeeze3A_330, %mul3A_2 : i32
    %jit3A_332 = arith.constant 1 : i32
    %jit3A_333 = arith.constant 0 : i32
    %select_n3A_334 = arith.select %lt3A_331, %jit3A_332, %jit3A_333 : i32
    %add3A_335 = arith.addi %add3A_328, %select_n3A_334 : i32
    %slice3A_336 = vector.extract_strided_slice %get3A_265 {offsets = [10], sizes = [1], strides = [1]} : vector<16xi32> to vector<1xi32>
    %squeeze3A_337 = vector.extract %slice3A_336[0] : i32 from vector<1xi32>
    %lt3A_338 = arith.cmpi slt, %squeeze3A_337, %mul3A_2 : i32
    %jit3A_339 = arith.constant 1 : i32
    %jit3A_340 = arith.constant 0 : i32
    %select_n3A_341 = arith.select %lt3A_338, %jit3A_339, %jit3A_340 : i32
    %add3A_342 = arith.addi %add3A_335, %select_n3A_341 : i32
    %slice3A_343 = vector.extract_strided_slice %get3A_265 {offsets = [11], sizes = [1], strides = [1]} : vector<16xi32> to vector<1xi32>
    %squeeze3A_344 = vector.extract %slice3A_343[0] : i32 from vector<1xi32>
    %lt3A_345 = arith.cmpi slt, %squeeze3A_344, %mul3A_2 : i32
    %jit3A_346 = arith.constant 1 : i32
    %jit3A_347 = arith.constant 0 : i32
    %select_n3A_348 = arith.select %lt3A_345, %jit3A_346, %jit3A_347 : i32
    %add3A_349 = arith.addi %add3A_342, %select_n3A_348 : i32
    %slice3A_350 = vector.extract_strided_slice %get3A_265 {offsets = [12], sizes = [1], strides = [1]} : vector<16xi32> to vector<1xi32>
    %squeeze3A_351 = vector.extract %slice3A_350[0] : i32 from vector<1xi32>
    %lt3A_352 = arith.cmpi slt, %squeeze3A_351, %mul3A_2 : i32
    %jit3A_353 = arith.constant 1 : i32
    %jit3A_354 = arith.constant 0 : i32
    %select_n3A_355 = arith.select %lt3A_352, %jit3A_353, %jit3A_354 : i32
    %add3A_356 = arith.addi %add3A_349, %select_n3A_355 : i32
    %slice3A_357 = vector.extract_strided_slice %get3A_265 {offsets = [13], sizes = [1], strides = [1]} : vector<16xi32> to vector<1xi32>
    %squeeze3A_358 = vector.extract %slice3A_357[0] : i32 from vector<1xi32>
    %lt3A_359 = arith.cmpi slt, %squeeze3A_358, %mul3A_2 : i32
    %jit3A_360 = arith.constant 1 : i32
    %jit3A_361 = arith.constant 0 : i32
    %select_n3A_362 = arith.select %lt3A_359, %jit3A_360, %jit3A_361 : i32
    %add3A_363 = arith.addi %add3A_356, %select_n3A_362 : i32
    %slice3A_364 = vector.extract_strided_slice %get3A_265 {offsets = [14], sizes = [1], strides = [1]} : vector<16xi32> to vector<1xi32>
    %squeeze3A_365 = vector.extract %slice3A_364[0] : i32 from vector<1xi32>
    %lt3A_366 = arith.cmpi slt, %squeeze3A_365, %mul3A_2 : i32
    %jit3A_367 = arith.constant 1 : i32
    %jit3A_368 = arith.constant 0 : i32
    %select_n3A_369 = arith.select %lt3A_366, %jit3A_367, %jit3A_368 : i32
    %add3A_370 = arith.addi %add3A_363, %select_n3A_369 : i32
    %slice3A_371 = vector.extract_strided_slice %get3A_265 {offsets = [15], sizes = [1], strides = [1]} : vector<16xi32> to vector<1xi32>
    %squeeze3A_372 = vector.extract %slice3A_371[0] : i32 from vector<1xi32>
    %lt3A_373 = arith.cmpi slt, %squeeze3A_372, %mul3A_2 : i32
    %jit3A_374 = arith.constant 1 : i32
    %jit3A_375 = arith.constant 0 : i32
    %select_n3A_376 = arith.select %lt3A_373, %jit3A_374, %jit3A_375 : i32
    %add3A_377 = arith.addi %add3A_370, %select_n3A_376 : i32
    %get3A_378 = arith.constant 48 : index
    %get3A_379 = tpu.vector_load %arg10[%get3A_378] {strides = array<i32>} : memref<96xi32, #tpu.memory_space<vmem>>, vector<16xi32>,
    %slice3A_380 = vector.extract_strided_slice %get3A_379 {offsets = [0], sizes = [1], strides = [1]} : vector<16xi32> to vector<1xi32>
    %squeeze3A_381 = vector.extract %slice3A_380[0] : i32 from vector<1xi32>
    %lt3A_382 = arith.cmpi slt, %squeeze3A_381, %mul3A_2 : i32
    %jit3A_383 = arith.constant 1 : i32
    %jit3A_384 = arith.constant 0 : i32
    %select_n3A_385 = arith.select %lt3A_382, %jit3A_383, %jit3A_384 : i32
    %add3A_386 = arith.addi %add3A_377, %select_n3A_385 : i32
    %slice3A_387 = vector.extract_strided_slice %get3A_379 {offsets = [1], sizes = [1], strides = [1]} : vector<16xi32> to vector<1xi32>
    %squeeze3A_388 = vector.extract %slice3A_387[0] : i32 from vector<1xi32>
    %lt3A_389 = arith.cmpi slt, %squeeze3A_388, %mul3A_2 : i32
    %jit3A_390 = arith.constant 1 : i32
    %jit3A_391 = arith.constant 0 : i32
    %select_n3A_392 = arith.select %lt3A_389, %jit3A_390, %jit3A_391 : i32
    %add3A_393 = arith.addi %add3A_386, %select_n3A_392 : i32
    %slice3A_394 = vector.extract_strided_slice %get3A_379 {offsets = [2], sizes = [1], strides = [1]} : vector<16xi32> to vector<1xi32>
    %squeeze3A_395 = vector.extract %slice3A_394[0] : i32 from vector<1xi32>
    %lt3A_396 = arith.cmpi slt, %squeeze3A_395, %mul3A_2 : i32
    %jit3A_397 = arith.constant 1 : i32
    %jit3A_398 = arith.constant 0 : i32
    %select_n3A_399 = arith.select %lt3A_396, %jit3A_397, %jit3A_398 : i32
    %add3A_400 = arith.addi %add3A_393, %select_n3A_399 : i32
    %slice3A_401 = vector.extract_strided_slice %get3A_379 {offsets = [3], sizes = [1], strides = [1]} : vector<16xi32> to vector<1xi32>
    %squeeze3A_402 = vector.extract %slice3A_401[0] : i32 from vector<1xi32>
    %lt3A_403 = arith.cmpi slt, %squeeze3A_402, %mul3A_2 : i32
    %jit3A_404 = arith.constant 1 : i32
    %jit3A_405 = arith.constant 0 : i32
    %select_n3A_406 = arith.select %lt3A_403, %jit3A_404, %jit3A_405 : i32
    %add3A_407 = arith.addi %add3A_400, %select_n3A_406 : i32
    %slice3A_408 = vector.extract_strided_slice %get3A_379 {offsets = [4], sizes = [1], strides = [1]} : vector<16xi32> to vector<1xi32>
    %squeeze3A_409 = vector.extract %slice3A_408[0] : i32 from vector<1xi32>
    %lt3A_410 = arith.cmpi slt, %squeeze3A_409, %mul3A_2 : i32
    %jit3A_411 = arith.constant 1 : i32
    %jit3A_412 = arith.constant 0 : i32
    %select_n3A_413 = arith.select %lt3A_410, %jit3A_411, %jit3A_412 : i32
    %add3A_414 = arith.addi %add3A_407, %select_n3A_413 : i32
    %slice3A_415 = vector.extract_strided_slice %get3A_379 {offsets = [5], sizes = [1], strides = [1]} : vector<16xi32> to vector<1xi32>
    %squeeze3A_416 = vector.extract %slice3A_415[0] : i32 from vector<1xi32>
    %lt3A_417 = arith.cmpi slt, %squeeze3A_416, %mul3A_2 : i32
    %jit3A_418 = arith.constant 1 : i32
    %jit3A_419 = arith.constant 0 : i32
    %select_n3A_420 = arith.select %lt3A_417, %jit3A_418, %jit3A_419 : i32
    %add3A_421 = arith.addi %add3A_414, %select_n3A_420 : i32
    %slice3A_422 = vector.extract_strided_slice %get3A_379 {offsets = [6], sizes = [1], strides = [1]} : vector<16xi32> to vector<1xi32>
    %squeeze3A_423 = vector.extract %slice3A_422[0] : i32 from vector<1xi32>
    %lt3A_424 = arith.cmpi slt, %squeeze3A_423, %mul3A_2 : i32
    %jit3A_425 = arith.constant 1 : i32
    %jit3A_426 = arith.constant 0 : i32
    %select_n3A_427 = arith.select %lt3A_424, %jit3A_425, %jit3A_426 : i32
    %add3A_428 = arith.addi %add3A_421, %select_n3A_427 : i32
    %slice3A_429 = vector.extract_strided_slice %get3A_379 {offsets = [7], sizes = [1], strides = [1]} : vector<16xi32> to vector<1xi32>
    %squeeze3A_430 = vector.extract %slice3A_429[0] : i32 from vector<1xi32>
    %lt3A_431 = arith.cmpi slt, %squeeze3A_430, %mul3A_2 : i32
    %jit3A_432 = arith.constant 1 : i32
    %jit3A_433 = arith.constant 0 : i32
    %select_n3A_434 = arith.select %lt3A_431, %jit3A_432, %jit3A_433 : i32
    %add3A_435 = arith.addi %add3A_428, %select_n3A_434 : i32
    %slice3A_436 = vector.extract_strided_slice %get3A_379 {offsets = [8], sizes = [1], strides = [1]} : vector<16xi32> to vector<1xi32>
    %squeeze3A_437 = vector.extract %slice3A_436[0] : i32 from vector<1xi32>
    %lt3A_438 = arith.cmpi slt, %squeeze3A_437, %mul3A_2 : i32
    %jit3A_439 = arith.constant 1 : i32
    %jit3A_440 = arith.constant 0 : i32
    %select_n3A_441 = arith.select %lt3A_438, %jit3A_439, %jit3A_440 : i32
    %add3A_442 = arith.addi %add3A_435, %select_n3A_441 : i32
    %slice3A_443 = vector.extract_strided_slice %get3A_379 {offsets = [9], sizes = [1], strides = [1]} : vector<16xi32> to vector<1xi32>
    %squeeze3A_444 = vector.extract %slice3A_443[0] : i32 from vector<1xi32>
    %lt3A_445 = arith.cmpi slt, %squeeze3A_444, %mul3A_2 : i32
    %jit3A_446 = arith.constant 1 : i32
    %jit3A_447 = arith.constant 0 : i32
    %select_n3A_448 = arith.select %lt3A_445, %jit3A_446, %jit3A_447 : i32
    %add3A_449 = arith.addi %add3A_442, %select_n3A_448 : i32
    %slice3A_450 = vector.extract_strided_slice %get3A_379 {offsets = [10], sizes = [1], strides = [1]} : vector<16xi32> to vector<1xi32>
    %squeeze3A_451 = vector.extract %slice3A_450[0] : i32 from vector<1xi32>
    %lt3A_452 = arith.cmpi slt, %squeeze3A_451, %mul3A_2 : i32
    %jit3A_453 = arith.constant 1 : i32
    %jit3A_454 = arith.constant 0 : i32
    %select_n3A_455 = arith.select %lt3A_452, %jit3A_453, %jit3A_454 : i32
    %add3A_456 = arith.addi %add3A_449, %select_n3A_455 : i32
    %slice3A_457 = vector.extract_strided_slice %get3A_379 {offsets = [11], sizes = [1], strides = [1]} : vector<16xi32> to vector<1xi32>
    %squeeze3A_458 = vector.extract %slice3A_457[0] : i32 from vector<1xi32>
    %lt3A_459 = arith.cmpi slt, %squeeze3A_458, %mul3A_2 : i32
    %jit3A_460 = arith.constant 1 : i32
    %jit3A_461 = arith.constant 0 : i32
    %select_n3A_462 = arith.select %lt3A_459, %jit3A_460, %jit3A_461 : i32
    %add3A_463 = arith.addi %add3A_456, %select_n3A_462 : i32
    %slice3A_464 = vector.extract_strided_slice %get3A_379 {offsets = [12], sizes = [1], strides = [1]} : vector<16xi32> to vector<1xi32>
    %squeeze3A_465 = vector.extract %slice3A_464[0] : i32 from vector<1xi32>
    %lt3A_466 = arith.cmpi slt, %squeeze3A_465, %mul3A_2 : i32
    %jit3A_467 = arith.constant 1 : i32
    %jit3A_468 = arith.constant 0 : i32
    %select_n3A_469 = arith.select %lt3A_466, %jit3A_467, %jit3A_468 : i32
    %add3A_470 = arith.addi %add3A_463, %select_n3A_469 : i32
    %slice3A_471 = vector.extract_strided_slice %get3A_379 {offsets = [13], sizes = [1], strides = [1]} : vector<16xi32> to vector<1xi32>
    %squeeze3A_472 = vector.extract %slice3A_471[0] : i32 from vector<1xi32>
    %lt3A_473 = arith.cmpi slt, %squeeze3A_472, %mul3A_2 : i32
    %jit3A_474 = arith.constant 1 : i32
    %jit3A_475 = arith.constant 0 : i32
    %select_n3A_476 = arith.select %lt3A_473, %jit3A_474, %jit3A_475 : i32
    %add3A_477 = arith.addi %add3A_470, %select_n3A_476 : i32
    %slice3A_478 = vector.extract_strided_slice %get3A_379 {offsets = [14], sizes = [1], strides = [1]} : vector<16xi32> to vector<1xi32>
    %squeeze3A_479 = vector.extract %slice3A_478[0] : i32 from vector<1xi32>
    %lt3A_480 = arith.cmpi slt, %squeeze3A_479, %mul3A_2 : i32
    %jit3A_481 = arith.constant 1 : i32
    %jit3A_482 = arith.constant 0 : i32
    %select_n3A_483 = arith.select %lt3A_480, %jit3A_481, %jit3A_482 : i32
    %add3A_484 = arith.addi %add3A_477, %select_n3A_483 : i32
    %slice3A_485 = vector.extract_strided_slice %get3A_379 {offsets = [15], sizes = [1], strides = [1]} : vector<16xi32> to vector<1xi32>
    %squeeze3A_486 = vector.extract %slice3A_485[0] : i32 from vector<1xi32>
    %lt3A_487 = arith.cmpi slt, %squeeze3A_486, %mul3A_2 : i32
    %jit3A_488 = arith.constant 1 : i32
    %jit3A_489 = arith.constant 0 : i32
    %select_n3A_490 = arith.select %lt3A_487, %jit3A_488, %jit3A_489 : i32
    %add3A_491 = arith.addi %add3A_484, %select_n3A_490 : i32
    %get3A_492 = arith.constant 64 : index
    %get3A_493 = tpu.vector_load %arg10[%get3A_492] {strides = array<i32>} : memref<96xi32, #tpu.memory_space<vmem>>, vector<16xi32>,
    %slice3A_494 = vector.extract_strided_slice %get3A_493 {offsets = [0], sizes = [1], strides = [1]} : vector<16xi32> to vector<1xi32>
    %squeeze3A_495 = vector.extract %slice3A_494[0] : i32 from vector<1xi32>
    %lt3A_496 = arith.cmpi slt, %squeeze3A_495, %mul3A_2 : i32
    %jit3A_497 = arith.constant 1 : i32
    %jit3A_498 = arith.constant 0 : i32
    %select_n3A_499 = arith.select %lt3A_496, %jit3A_497, %jit3A_498 : i32
    %add3A_500 = arith.addi %add3A_491, %select_n3A_499 : i32
    %slice3A_501 = vector.extract_strided_slice %get3A_493 {offsets = [1], sizes = [1], strides = [1]} : vector<16xi32> to vector<1xi32>
    %squeeze3A_502 = vector.extract %slice3A_501[0] : i32 from vector<1xi32>
    %lt3A_503 = arith.cmpi slt, %squeeze3A_502, %mul3A_2 : i32
    %jit3A_504 = arith.constant 1 : i32
    %jit3A_505 = arith.constant 0 : i32
    %select_n3A_506 = arith.select %lt3A_503, %jit3A_504, %jit3A_505 : i32
    %add3A_507 = arith.addi %add3A_500, %select_n3A_506 : i32
    %slice3A_508 = vector.extract_strided_slice %get3A_493 {offsets = [2], sizes = [1], strides = [1]} : vector<16xi32> to vector<1xi32>
    %squeeze3A_509 = vector.extract %slice3A_508[0] : i32 from vector<1xi32>
    %lt3A_510 = arith.cmpi slt, %squeeze3A_509, %mul3A_2 : i32
    %jit3A_511 = arith.constant 1 : i32
    %jit3A_512 = arith.constant 0 : i32
    %select_n3A_513 = arith.select %lt3A_510, %jit3A_511, %jit3A_512 : i32
    %add3A_514 = arith.addi %add3A_507, %select_n3A_513 : i32
    %slice3A_515 = vector.extract_strided_slice %get3A_493 {offsets = [3], sizes = [1], strides = [1]} : vector<16xi32> to vector<1xi32>
    %squeeze3A_516 = vector.extract %slice3A_515[0] : i32 from vector<1xi32>
    %lt3A_517 = arith.cmpi slt, %squeeze3A_516, %mul3A_2 : i32
    %jit3A_518 = arith.constant 1 : i32
    %jit3A_519 = arith.constant 0 : i32
    %select_n3A_520 = arith.select %lt3A_517, %jit3A_518, %jit3A_519 : i32
    %add3A_521 = arith.addi %add3A_514, %select_n3A_520 : i32
    %slice3A_522 = vector.extract_strided_slice %get3A_493 {offsets = [4], sizes = [1], strides = [1]} : vector<16xi32> to vector<1xi32>
    %squeeze3A_523 = vector.extract %slice3A_522[0] : i32 from vector<1xi32>
    %lt3A_524 = arith.cmpi slt, %squeeze3A_523, %mul3A_2 : i32
    %jit3A_525 = arith.constant 1 : i32
    %jit3A_526 = arith.constant 0 : i32
    %select_n3A_527 = arith.select %lt3A_524, %jit3A_525, %jit3A_526 : i32
    %add3A_528 = arith.addi %add3A_521, %select_n3A_527 : i32
    %slice3A_529 = vector.extract_strided_slice %get3A_493 {offsets = [5], sizes = [1], strides = [1]} : vector<16xi32> to vector<1xi32>
    %squeeze3A_530 = vector.extract %slice3A_529[0] : i32 from vector<1xi32>
    %lt3A_531 = arith.cmpi slt, %squeeze3A_530, %mul3A_2 : i32
    %jit3A_532 = arith.constant 1 : i32
    %jit3A_533 = arith.constant 0 : i32
    %select_n3A_534 = arith.select %lt3A_531, %jit3A_532, %jit3A_533 : i32
    %add3A_535 = arith.addi %add3A_528, %select_n3A_534 : i32
    %slice3A_536 = vector.extract_strided_slice %get3A_493 {offsets = [6], sizes = [1], strides = [1]} : vector<16xi32> to vector<1xi32>
    %squeeze3A_537 = vector.extract %slice3A_536[0] : i32 from vector<1xi32>
    %lt3A_538 = arith.cmpi slt, %squeeze3A_537, %mul3A_2 : i32
    %jit3A_539 = arith.constant 1 : i32
    %jit3A_540 = arith.constant 0 : i32
    %select_n3A_541 = arith.select %lt3A_538, %jit3A_539, %jit3A_540 : i32
    %add3A_542 = arith.addi %add3A_535, %select_n3A_541 : i32
    %slice3A_543 = vector.extract_strided_slice %get3A_493 {offsets = [7], sizes = [1], strides = [1]} : vector<16xi32> to vector<1xi32>
    %squeeze3A_544 = vector.extract %slice3A_543[0] : i32 from vector<1xi32>
    %lt3A_545 = arith.cmpi slt, %squeeze3A_544, %mul3A_2 : i32
    %jit3A_546 = arith.constant 1 : i32
    %jit3A_547 = arith.constant 0 : i32
    %select_n3A_548 = arith.select %lt3A_545, %jit3A_546, %jit3A_547 : i32
    %add3A_549 = arith.addi %add3A_542, %select_n3A_548 : i32
    %slice3A_550 = vector.extract_strided_slice %get3A_493 {offsets = [8], sizes = [1], strides = [1]} : vector<16xi32> to vector<1xi32>
    %squeeze3A_551 = vector.extract %slice3A_550[0] : i32 from vector<1xi32>
    %lt3A_552 = arith.cmpi slt, %squeeze3A_551, %mul3A_2 : i32
    %jit3A_553 = arith.constant 1 : i32
    %jit3A_554 = arith.constant 0 : i32
    %select_n3A_555 = arith.select %lt3A_552, %jit3A_553, %jit3A_554 : i32
    %add3A_556 = arith.addi %add3A_549, %select_n3A_555 : i32
    %slice3A_557 = vector.extract_strided_slice %get3A_493 {offsets = [9], sizes = [1], strides = [1]} : vector<16xi32> to vector<1xi32>
    %squeeze3A_558 = vector.extract %slice3A_557[0] : i32 from vector<1xi32>
    %lt3A_559 = arith.cmpi slt, %squeeze3A_558, %mul3A_2 : i32
    %jit3A_560 = arith.constant 1 : i32
    %jit3A_561 = arith.constant 0 : i32
    %select_n3A_562 = arith.select %lt3A_559, %jit3A_560, %jit3A_561 : i32
    %add3A_563 = arith.addi %add3A_556, %select_n3A_562 : i32
    %slice3A_564 = vector.extract_strided_slice %get3A_493 {offsets = [10], sizes = [1], strides = [1]} : vector<16xi32> to vector<1xi32>
    %squeeze3A_565 = vector.extract %slice3A_564[0] : i32 from vector<1xi32>
    %lt3A_566 = arith.cmpi slt, %squeeze3A_565, %mul3A_2 : i32
    %jit3A_567 = arith.constant 1 : i32
    %jit3A_568 = arith.constant 0 : i32
    %select_n3A_569 = arith.select %lt3A_566, %jit3A_567, %jit3A_568 : i32
    %add3A_570 = arith.addi %add3A_563, %select_n3A_569 : i32
    %slice3A_571 = vector.extract_strided_slice %get3A_493 {offsets = [11], sizes = [1], strides = [1]} : vector<16xi32> to vector<1xi32>
    %squeeze3A_572 = vector.extract %slice3A_571[0] : i32 from vector<1xi32>
    %lt3A_573 = arith.cmpi slt, %squeeze3A_572, %mul3A_2 : i32
    %jit3A_574 = arith.constant 1 : i32
    %jit3A_575 = arith.constant 0 : i32
    %select_n3A_576 = arith.select %lt3A_573, %jit3A_574, %jit3A_575 : i32
    %add3A_577 = arith.addi %add3A_570, %select_n3A_576 : i32
    %slice3A_578 = vector.extract_strided_slice %get3A_493 {offsets = [12], sizes = [1], strides = [1]} : vector<16xi32> to vector<1xi32>
    %squeeze3A_579 = vector.extract %slice3A_578[0] : i32 from vector<1xi32>
    %lt3A_580 = arith.cmpi slt, %squeeze3A_579, %mul3A_2 : i32
    %jit3A_581 = arith.constant 1 : i32
    %jit3A_582 = arith.constant 0 : i32
    %select_n3A_583 = arith.select %lt3A_580, %jit3A_581, %jit3A_582 : i32
    %add3A_584 = arith.addi %add3A_577, %select_n3A_583 : i32
    %slice3A_585 = vector.extract_strided_slice %get3A_493 {offsets = [13], sizes = [1], strides = [1]} : vector<16xi32> to vector<1xi32>
    %squeeze3A_586 = vector.extract %slice3A_585[0] : i32 from vector<1xi32>
    %lt3A_587 = arith.cmpi slt, %squeeze3A_586, %mul3A_2 : i32
    %jit3A_588 = arith.constant 1 : i32
    %jit3A_589 = arith.constant 0 : i32
    %select_n3A_590 = arith.select %lt3A_587, %jit3A_588, %jit3A_589 : i32
    %add3A_591 = arith.addi %add3A_584, %select_n3A_590 : i32
    %slice3A_592 = vector.extract_strided_slice %get3A_493 {offsets = [14], sizes = [1], strides = [1]} : vector<16xi32> to vector<1xi32>
    %squeeze3A_593 = vector.extract %slice3A_592[0] : i32 from vector<1xi32>
    %lt3A_594 = arith.cmpi slt, %squeeze3A_593, %mul3A_2 : i32
    %jit3A_595 = arith.constant 1 : i32
    %jit3A_596 = arith.constant 0 : i32
    %select_n3A_597 = arith.select %lt3A_594, %jit3A_595, %jit3A_596 : i32
    %add3A_598 = arith.addi %add3A_591, %select_n3A_597 : i32
    %slice3A_599 = vector.extract_strided_slice %get3A_493 {offsets = [15], sizes = [1], strides = [1]} : vector<16xi32> to vector<1xi32>
    %squeeze3A_600 = vector.extract %slice3A_599[0] : i32 from vector<1xi32>
    %lt3A_601 = arith.cmpi slt, %squeeze3A_600, %mul3A_2 : i32
    %jit3A_602 = arith.constant 1 : i32
    %jit3A_603 = arith.constant 0 : i32
    %select_n3A_604 = arith.select %lt3A_601, %jit3A_602, %jit3A_603 : i32
    %add3A_605 = arith.addi %add3A_598, %select_n3A_604 : i32
    %get3A_606 = arith.constant 80 : index
    %get3A_607 = tpu.vector_load %arg10[%get3A_606] {strides = array<i32>} : memref<96xi32, #tpu.memory_space<vmem>>, vector<16xi32>,
    %slice3A_608 = vector.extract_strided_slice %get3A_607 {offsets = [0], sizes = [1], strides = [1]} : vector<16xi32> to vector<1xi32>
    %squeeze3A_609 = vector.extract %slice3A_608[0] : i32 from vector<1xi32>
    %lt3A_610 = arith.cmpi slt, %squeeze3A_609, %mul3A_2 : i32
    %jit3A_611 = arith.constant 1 : i32
    %jit3A_612 = arith.constant 0 : i32
    %select_n3A_613 = arith.select %lt3A_610, %jit3A_611, %jit3A_612 : i32
    %add3A_614 = arith.addi %add3A_605, %select_n3A_613 : i32
    %slice3A_615 = vector.extract_strided_slice %get3A_607 {offsets = [1], sizes = [1], strides = [1]} : vector<16xi32> to vector<1xi32>
    %squeeze3A_616 = vector.extract %slice3A_615[0] : i32 from vector<1xi32>
    %lt3A_617 = arith.cmpi slt, %squeeze3A_616, %mul3A_2 : i32
    %jit3A_618 = arith.constant 1 : i32
    %jit3A_619 = arith.constant 0 : i32
    %select_n3A_620 = arith.select %lt3A_617, %jit3A_618, %jit3A_619 : i32
    %add3A_621 = arith.addi %add3A_614, %select_n3A_620 : i32
    %slice3A_622 = vector.extract_strided_slice %get3A_607 {offsets = [2], sizes = [1], strides = [1]} : vector<16xi32> to vector<1xi32>
    %squeeze3A_623 = vector.extract %slice3A_622[0] : i32 from vector<1xi32>
    %lt3A_624 = arith.cmpi slt, %squeeze3A_623, %mul3A_2 : i32
    %jit3A_625 = arith.constant 1 : i32
    %jit3A_626 = arith.constant 0 : i32
    %select_n3A_627 = arith.select %lt3A_624, %jit3A_625, %jit3A_626 : i32
    %add3A_628 = arith.addi %add3A_621, %select_n3A_627 : i32
    %slice3A_629 = vector.extract_strided_slice %get3A_607 {offsets = [3], sizes = [1], strides = [1]} : vector<16xi32> to vector<1xi32>
    %squeeze3A_630 = vector.extract %slice3A_629[0] : i32 from vector<1xi32>
    %lt3A_631 = arith.cmpi slt, %squeeze3A_630, %mul3A_2 : i32
    %jit3A_632 = arith.constant 1 : i32
    %jit3A_633 = arith.constant 0 : i32
    %select_n3A_634 = arith.select %lt3A_631, %jit3A_632, %jit3A_633 : i32
    %add3A_635 = arith.addi %add3A_628, %select_n3A_634 : i32
    %slice3A_636 = vector.extract_strided_slice %get3A_607 {offsets = [4], sizes = [1], strides = [1]} : vector<16xi32> to vector<1xi32>
    %squeeze3A_637 = vector.extract %slice3A_636[0] : i32 from vector<1xi32>
    %lt3A_638 = arith.cmpi slt, %squeeze3A_637, %mul3A_2 : i32
    %jit3A_639 = arith.constant 1 : i32
    %jit3A_640 = arith.constant 0 : i32
    %select_n3A_641 = arith.select %lt3A_638, %jit3A_639, %jit3A_640 : i32
    %add3A_642 = arith.addi %add3A_635, %select_n3A_641 : i32
    %slice3A_643 = vector.extract_strided_slice %get3A_607 {offsets = [5], sizes = [1], strides = [1]} : vector<16xi32> to vector<1xi32>
    %squeeze3A_644 = vector.extract %slice3A_643[0] : i32 from vector<1xi32>
    %lt3A_645 = arith.cmpi slt, %squeeze3A_644, %mul3A_2 : i32
    %jit3A_646 = arith.constant 1 : i32
    %jit3A_647 = arith.constant 0 : i32
    %select_n3A_648 = arith.select %lt3A_645, %jit3A_646, %jit3A_647 : i32
    %add3A_649 = arith.addi %add3A_642, %select_n3A_648 : i32
    %slice3A_650 = vector.extract_strided_slice %get3A_607 {offsets = [6], sizes = [1], strides = [1]} : vector<16xi32> to vector<1xi32>
    %squeeze3A_651 = vector.extract %slice3A_650[0] : i32 from vector<1xi32>
    %lt3A_652 = arith.cmpi slt, %squeeze3A_651, %mul3A_2 : i32
    %jit3A_653 = arith.constant 1 : i32
    %jit3A_654 = arith.constant 0 : i32
    %select_n3A_655 = arith.select %lt3A_652, %jit3A_653, %jit3A_654 : i32
    %add3A_656 = arith.addi %add3A_649, %select_n3A_655 : i32
    %slice3A_657 = vector.extract_strided_slice %get3A_607 {offsets = [7], sizes = [1], strides = [1]} : vector<16xi32> to vector<1xi32>
    %squeeze3A_658 = vector.extract %slice3A_657[0] : i32 from vector<1xi32>
    %lt3A_659 = arith.cmpi slt, %squeeze3A_658, %mul3A_2 : i32
    %jit3A_660 = arith.constant 1 : i32
    %jit3A_661 = arith.constant 0 : i32
    %select_n3A_662 = arith.select %lt3A_659, %jit3A_660, %jit3A_661 : i32
    %add3A_663 = arith.addi %add3A_656, %select_n3A_662 : i32
    %slice3A_664 = vector.extract_strided_slice %get3A_607 {offsets = [8], sizes = [1], strides = [1]} : vector<16xi32> to vector<1xi32>
    %squeeze3A_665 = vector.extract %slice3A_664[0] : i32 from vector<1xi32>
    %lt3A_666 = arith.cmpi slt, %squeeze3A_665, %mul3A_2 : i32
    %jit3A_667 = arith.constant 1 : i32
    %jit3A_668 = arith.constant 0 : i32
    %select_n3A_669 = arith.select %lt3A_666, %jit3A_667, %jit3A_668 : i32
    %add3A_670 = arith.addi %add3A_663, %select_n3A_669 : i32
    %slice3A_671 = vector.extract_strided_slice %get3A_607 {offsets = [9], sizes = [1], strides = [1]} : vector<16xi32> to vector<1xi32>
    %squeeze3A_672 = vector.extract %slice3A_671[0] : i32 from vector<1xi32>
    %lt3A_673 = arith.cmpi slt, %squeeze3A_672, %mul3A_2 : i32
    %jit3A_674 = arith.constant 1 : i32
    %jit3A_675 = arith.constant 0 : i32
    %select_n3A_676 = arith.select %lt3A_673, %jit3A_674, %jit3A_675 : i32
    %add3A_677 = arith.addi %add3A_670, %select_n3A_676 : i32
    %slice3A_678 = vector.extract_strided_slice %get3A_607 {offsets = [10], sizes = [1], strides = [1]} : vector<16xi32> to vector<1xi32>
    %squeeze3A_679 = vector.extract %slice3A_678[0] : i32 from vector<1xi32>
    %lt3A_680 = arith.cmpi slt, %squeeze3A_679, %mul3A_2 : i32
    %jit3A_681 = arith.constant 1 : i32
    %jit3A_682 = arith.constant 0 : i32
    %select_n3A_683 = arith.select %lt3A_680, %jit3A_681, %jit3A_682 : i32
    %add3A_684 = arith.addi %add3A_677, %select_n3A_683 : i32
    %slice3A_685 = vector.extract_strided_slice %get3A_607 {offsets = [11], sizes = [1], strides = [1]} : vector<16xi32> to vector<1xi32>
    %squeeze3A_686 = vector.extract %slice3A_685[0] : i32 from vector<1xi32>
    %lt3A_687 = arith.cmpi slt, %squeeze3A_686, %mul3A_2 : i32
    %jit3A_688 = arith.constant 1 : i32
    %jit3A_689 = arith.constant 0 : i32
    %select_n3A_690 = arith.select %lt3A_687, %jit3A_688, %jit3A_689 : i32
    %add3A_691 = arith.addi %add3A_684, %select_n3A_690 : i32
    %slice3A_692 = vector.extract_strided_slice %get3A_607 {offsets = [12], sizes = [1], strides = [1]} : vector<16xi32> to vector<1xi32>
    %squeeze3A_693 = vector.extract %slice3A_692[0] : i32 from vector<1xi32>
    %lt3A_694 = arith.cmpi slt, %squeeze3A_693, %mul3A_2 : i32
    %jit3A_695 = arith.constant 1 : i32
    %jit3A_696 = arith.constant 0 : i32
    %select_n3A_697 = arith.select %lt3A_694, %jit3A_695, %jit3A_696 : i32
    %add3A_698 = arith.addi %add3A_691, %select_n3A_697 : i32
    %slice3A_699 = vector.extract_strided_slice %get3A_607 {offsets = [13], sizes = [1], strides = [1]} : vector<16xi32> to vector<1xi32>
    %squeeze3A_700 = vector.extract %slice3A_699[0] : i32 from vector<1xi32>
    %lt3A_701 = arith.cmpi slt, %squeeze3A_700, %mul3A_2 : i32
    %jit3A_702 = arith.constant 1 : i32
    %jit3A_703 = arith.constant 0 : i32
    %select_n3A_704 = arith.select %lt3A_701, %jit3A_702, %jit3A_703 : i32
    %add3A_705 = arith.addi %add3A_698, %select_n3A_704 : i32
    %slice3A_706 = vector.extract_strided_slice %get3A_607 {offsets = [14], sizes = [1], strides = [1]} : vector<16xi32> to vector<1xi32>
    %squeeze3A_707 = vector.extract %slice3A_706[0] : i32 from vector<1xi32>
    %lt3A_708 = arith.cmpi slt, %squeeze3A_707, %mul3A_2 : i32
    %jit3A_709 = arith.constant 1 : i32
    %jit3A_710 = arith.constant 0 : i32
    %select_n3A_711 = arith.select %lt3A_708, %jit3A_709, %jit3A_710 : i32
    %add3A_712 = arith.addi %add3A_705, %select_n3A_711 : i32
    %slice3A_713 = vector.extract_strided_slice %get3A_607 {offsets = [15], sizes = [1], strides = [1]} : vector<16xi32> to vector<1xi32>
    %squeeze3A_714 = vector.extract %slice3A_713[0] : i32 from vector<1xi32>
    %lt3A_715 = arith.cmpi slt, %squeeze3A_714, %mul3A_2 : i32
    %jit3A_716 = arith.constant 1 : i32
    %jit3A_717 = arith.constant 0 : i32
    %select_n3A_718 = arith.select %lt3A_715, %jit3A_716, %jit3A_717 : i32
    %add3A_719 = arith.addi %add3A_712, %select_n3A_718 : i32
    %add3A_720 = arith.addi %min3A_37, %add3A_719 : i32
    %add3A_721 = arith.constant 3128 : i32
    %add3A_722 = arith.addi %mul3A_2, %add3A_721 : i32
    %scan3A_723 = arith.constant 0 : i32
    %scan3A_724 = arith.constant 6400000 : i32
    %scan3A_725 = arith.constant 0 : i32
    %scan3A_726 = arith.constant 24 : i32
    %scan3A_727 = arith.addi %scan3A_725, %scan3A_726 : i32
    %scan3A_728 = arith.constant 1 : i32
    %scan3A_729:2 = scf.for %scan3A_1548 = %scan3A_725 to %scan3A_727 step %scan3A_728 iter_args(%scan3A_1549 = %scan3A_723, %scan3A_1550 = %scan3A_724) -> (i32, i32)  : i32 {
      %add3A_1551 = arith.addi %scan3A_1549, %scan3A_1550 : i32
      %jit3A_1552 = arith.constant 2 : i32
      %div3A_1553 = arith.divsi %add3A_1551, %jit3A_1552 : i32
      %sign3A_1554 = arith.constant 0 : i32
      %sign3A_1555 = arith.cmpi sgt, %add3A_1551, %sign3A_1554 : i32
      %sign3A_1556 = arith.extui %sign3A_1555 : i1 to i32
      %sign3A_1557 = arith.constant 0 : i32
      %sign3A_1558 = arith.cmpi slt, %add3A_1551, %sign3A_1557 : i32
      %sign3A_1559 = arith.extui %sign3A_1558 : i1 to i32
      %sign3A_1560 = arith.subi %sign3A_1556, %sign3A_1559 : i32
      %sign3A_1561 = arith.constant 0 : i32
      %sign3A_1562 = arith.cmpi sgt, %jit3A_1552, %sign3A_1561 : i32
      %sign3A_1563 = arith.extui %sign3A_1562 : i1 to i32
      %sign3A_1564 = arith.constant 0 : i32
      %sign3A_1565 = arith.cmpi slt, %jit3A_1552, %sign3A_1564 : i32
      %sign3A_1566 = arith.extui %sign3A_1565 : i1 to i32
      %sign3A_1567 = arith.subi %sign3A_1563, %sign3A_1566 : i32
      %ne3A_1568 = arith.cmpi ne, %sign3A_1560, %sign3A_1567 : i32
      %rem3A_1569 = arith.remsi %add3A_1551, %jit3A_1552 : i32
      %ne3A_1570 = arith.constant 0 : i32
      %ne3A_1571 = arith.cmpi ne, %rem3A_1569, %ne3A_1570 : i32
      %and3A_1572 = arith.andi %ne3A_1568, %ne3A_1571 : i1
      %sub3A_1573 = arith.constant 1 : i32
      %sub3A_1574 = arith.subi %div3A_1553, %sub3A_1573 : i32
      %select_n3A_1575 = arith.select %and3A_1572, %sub3A_1574, %div3A_1553 : i32
      %jit3A_1576 = arith.constant 16 : i32
      %div3A_1577 = arith.divsi %select_n3A_1575, %jit3A_1576 : i32
      %sign3A_1578 = arith.constant 0 : i32
      %sign3A_1579 = arith.cmpi sgt, %select_n3A_1575, %sign3A_1578 : i32
      %sign3A_1580 = arith.extui %sign3A_1579 : i1 to i32
      %sign3A_1581 = arith.constant 0 : i32
      %sign3A_1582 = arith.cmpi slt, %select_n3A_1575, %sign3A_1581 : i32
      %sign3A_1583 = arith.extui %sign3A_1582 : i1 to i32
      %sign3A_1584 = arith.subi %sign3A_1580, %sign3A_1583 : i32
      %sign3A_1585 = arith.constant 0 : i32
      %sign3A_1586 = arith.cmpi sgt, %jit3A_1576, %sign3A_1585 : i32
      %sign3A_1587 = arith.extui %sign3A_1586 : i1 to i32
      %sign3A_1588 = arith.constant 0 : i32
      %sign3A_1589 = arith.cmpi slt, %jit3A_1576, %sign3A_1588 : i32
      %sign3A_1590 = arith.extui %sign3A_1589 : i1 to i32
      %sign3A_1591 = arith.subi %sign3A_1587, %sign3A_1590 : i32
      %ne3A_1592 = arith.cmpi ne, %sign3A_1584, %sign3A_1591 : i32
      %rem3A_1593 = arith.remsi %select_n3A_1575, %jit3A_1576 : i32
      %ne3A_1594 = arith.constant 0 : i32
      %ne3A_1595 = arith.cmpi ne, %rem3A_1593, %ne3A_1594 : i32
      %and3A_1596 = arith.andi %ne3A_1592, %ne3A_1595 : i1
      %sub3A_1597 = arith.constant 1 : i32
      %sub3A_1598 = arith.subi %div3A_1577, %sub3A_1597 : i32
      %select_n3A_1599 = arith.select %and3A_1596, %sub3A_1598, %div3A_1577 : i32
      %mul3A_1600 = arith.constant 16 : i32
      %mul3A_1601 = arith.muli %select_n3A_1599, %mul3A_1600 : i32
      %min3A_1602 = arith.constant 6399984 : i32
      %min3A_1603 = arith.minsi %mul3A_1601, %min3A_1602 : i32
      "tpu.region"() ({
        %run_scoped3A = tpu.sem_alloc : memref<!tpu.dma_semaphore, #tpu.memory_space<semaphore_mem>>
        %dma_start3A_1616 = arith.constant 0 : i32
        %dma_start3A_1617 = tpu.memref_slice %arg10[%dma_start3A_1616] : memref<96xi32, #tpu.memory_space<vmem>> -> memref<16xi32, #tpu.memory_space<vmem>>
        %dma_start3A_1618 = tpu.memref_slice %arg4[%min3A_1603] : memref<6400000xi32, #tpu.memory_space<hbm>> -> memref<16xi32, #tpu.memory_space<hbm>>
        %dma_start3A_1619 = arith.constant 0 : i32
        %dma_start3A_1620 = tpu.memref_slice %arg10[%dma_start3A_1619] : memref<96xi32, #tpu.memory_space<vmem>> -> memref<16xi32, #tpu.memory_space<vmem>>
        %dma_start3A_1621 = tpu.memref_slice %arg4[%min3A_1603] : memref<6400000xi32, #tpu.memory_space<hbm>> -> memref<16xi32, #tpu.memory_space<hbm>>
        tpu.enqueue_dma source(%dma_start3A_1621 : memref<16xi32, #tpu.memory_space<hbm>>) target(%dma_start3A_1620 : memref<16xi32, #tpu.memory_space<vmem>>) target_semaphore(%run_scoped3A : memref<!tpu.dma_semaphore, #tpu.memory_space<semaphore_mem>>)
        %dma_wait3A_1622 = arith.constant 0 : i32
        %dma_wait3A_1623 = tpu.memref_slice %arg10[%dma_wait3A_1622] : memref<96xi32, #tpu.memory_space<vmem>> -> memref<16xi32, #tpu.memory_space<vmem>>
        %dma_wait3A_1624 = tpu.memref_slice %arg4[%min3A_1603] : memref<6400000xi32, #tpu.memory_space<hbm>> -> memref<16xi32, #tpu.memory_space<hbm>>
        %dma_wait3A_1625 = arith.constant 0 : i32
        %dma_wait3A_1626 = tpu.memref_slice %arg10[%dma_wait3A_1625] : memref<96xi32, #tpu.memory_space<vmem>> -> memref<16xi32, #tpu.memory_space<vmem>>
        %dma_wait3A_1627 = tpu.memref_slice %arg4[%min3A_1603] : memref<6400000xi32, #tpu.memory_space<hbm>> -> memref<16xi32, #tpu.memory_space<hbm>>
        tpu.wait_dma2 semaphore(%run_scoped3A : memref<!tpu.dma_semaphore, #tpu.memory_space<semaphore_mem>>) src(%dma_wait3A_1627 : memref<16xi32, #tpu.memory_space<hbm>>) dst(%dma_wait3A_1626 : memref<16xi32, #tpu.memory_space<vmem>>)
        tpu.yield
      }) : () -> ()
      %get3A_1604 = arith.constant 0 : index
      %get3A_1605 = tpu.vector_load %arg10[%get3A_1604] {strides = array<i32>} : memref<96xi32, #tpu.memory_space<vmem>>, vector<16xi32>,
      %slice3A_1606 = vector.extract_strided_slice %get3A_1605 {offsets = [0], sizes = [1], strides = [1]} : vector<16xi32> to vector<1xi32>
      %squeeze3A_1607 = vector.extract %slice3A_1606[0] : i32 from vector<1xi32>
      %sub3A_1608 = arith.subi %scan3A_1550, %scan3A_1549 : i32
      %le3A = arith.constant 64 : i32
      %le3A_1609 = arith.cmpi sle, %sub3A_1608, %le3A : i32
      %ge3A = arith.cmpi sge, %squeeze3A_1607, %add3A_722 : i32
      %add3A_1610 = arith.constant 1 : i32
      %add3A_1611 = arith.addi %min3A_1603, %add3A_1610 : i32
      %select_n3A_1612 = arith.select %ge3A, %scan3A_1549, %add3A_1611 : i32
      %select_n3A_1613 = arith.select %le3A_1609, %scan3A_1549, %select_n3A_1612 : i32
      %select_n3A_1614 = arith.select %ge3A, %min3A_1603, %scan3A_1550 : i32
      %select_n3A_1615 = arith.select %le3A_1609, %scan3A_1550, %select_n3A_1614 : i32
      scf.yield %select_n3A_1613, %select_n3A_1615 : i32, i32
    }
    %scan3A_730 = arith.constant 24 : i32
    %jit3A_731 = arith.constant 16 : i32
    %div3A_732 = arith.divsi %scan3A_729#0, %jit3A_731 : i32
    %sign3A_733 = arith.constant 0 : i32
    %sign3A_734 = arith.cmpi sgt, %scan3A_729#0, %sign3A_733 : i32
    %sign3A_735 = arith.extui %sign3A_734 : i1 to i32
    %sign3A_736 = arith.constant 0 : i32
    %sign3A_737 = arith.cmpi slt, %scan3A_729#0, %sign3A_736 : i32
    %sign3A_738 = arith.extui %sign3A_737 : i1 to i32
    %sign3A_739 = arith.subi %sign3A_735, %sign3A_738 : i32
    %sign3A_740 = arith.constant 0 : i32
    %sign3A_741 = arith.cmpi sgt, %jit3A_731, %sign3A_740 : i32
    %sign3A_742 = arith.extui %sign3A_741 : i1 to i32
    %sign3A_743 = arith.constant 0 : i32
    %sign3A_744 = arith.cmpi slt, %jit3A_731, %sign3A_743 : i32
    %sign3A_745 = arith.extui %sign3A_744 : i1 to i32
    %sign3A_746 = arith.subi %sign3A_742, %sign3A_745 : i32
    %ne3A_747 = arith.cmpi ne, %sign3A_739, %sign3A_746 : i32
    %rem3A_748 = arith.remsi %scan3A_729#0, %jit3A_731 : i32
    %ne3A_749 = arith.constant 0 : i32
    %ne3A_750 = arith.cmpi ne, %rem3A_748, %ne3A_749 : i32
    %and3A_751 = arith.andi %ne3A_747, %ne3A_750 : i1
    %sub3A_752 = arith.constant 1 : i32
    %sub3A_753 = arith.subi %div3A_732, %sub3A_752 : i32
    %select_n3A_754 = arith.select %and3A_751, %sub3A_753, %div3A_732 : i32
    %mul3A_755 = arith.constant 16 : i32
    %mul3A_756 = arith.muli %select_n3A_754, %mul3A_755 : i32
    %min3A_757 = arith.constant 6399904 : i32
    %min3A_758 = arith.minsi %mul3A_756, %min3A_757 : i32
    "tpu.region"() ({
      %run_scoped3A = tpu.sem_alloc : memref<!tpu.dma_semaphore, #tpu.memory_space<semaphore_mem>>
      %dma_start3A_1548 = tpu.memref_slice %arg4[%min3A_758] : memref<6400000xi32, #tpu.memory_space<hbm>> -> memref<96xi32, #tpu.memory_space<hbm>>
      %dma_start3A_1549 = tpu.memref_slice %arg4[%min3A_758] : memref<6400000xi32, #tpu.memory_space<hbm>> -> memref<96xi32, #tpu.memory_space<hbm>>
      tpu.enqueue_dma source(%dma_start3A_1549 : memref<96xi32, #tpu.memory_space<hbm>>) target(%arg10 : memref<96xi32, #tpu.memory_space<vmem>>) target_semaphore(%run_scoped3A : memref<!tpu.dma_semaphore, #tpu.memory_space<semaphore_mem>>)
      %dma_wait3A_1550 = tpu.memref_slice %arg4[%min3A_758] : memref<6400000xi32, #tpu.memory_space<hbm>> -> memref<96xi32, #tpu.memory_space<hbm>>
      %dma_wait3A_1551 = tpu.memref_slice %arg4[%min3A_758] : memref<6400000xi32, #tpu.memory_space<hbm>> -> memref<96xi32, #tpu.memory_space<hbm>>
      tpu.wait_dma2 semaphore(%run_scoped3A : memref<!tpu.dma_semaphore, #tpu.memory_space<semaphore_mem>>) src(%dma_wait3A_1551 : memref<96xi32, #tpu.memory_space<hbm>>) dst(%arg10 : memref<96xi32, #tpu.memory_space<vmem>>)
      tpu.yield
    }) : () -> ()
    %get3A_759 = arith.constant 0 : index
    %get3A_760 = tpu.vector_load %arg10[%get3A_759] {strides = array<i32>} : memref<96xi32, #tpu.memory_space<vmem>>, vector<16xi32>,
    %slice3A_761 = vector.extract_strided_slice %get3A_760 {offsets = [0], sizes = [1], strides = [1]} : vector<16xi32> to vector<1xi32>
    %squeeze3A_762 = vector.extract %slice3A_761[0] : i32 from vector<1xi32>
    %lt3A_763 = arith.cmpi slt, %squeeze3A_762, %add3A_722 : i32
    %jit3A_764 = arith.constant 1 : i32
    %jit3A_765 = arith.constant 0 : i32
    %select_n3A_766 = arith.select %lt3A_763, %jit3A_764, %jit3A_765 : i32
    %add3A_767 = arith.constant 0 : i32
    %add3A_768 = arith.addi %add3A_767, %select_n3A_766 : i32
    %slice3A_769 = vector.extract_strided_slice %get3A_760 {offsets = [1], sizes = [1], strides = [1]} : vector<16xi32> to vector<1xi32>
    %squeeze3A_770 = vector.extract %slice3A_769[0] : i32 from vector<1xi32>
    %lt3A_771 = arith.cmpi slt, %squeeze3A_770, %add3A_722 : i32
    %jit3A_772 = arith.constant 1 : i32
    %jit3A_773 = arith.constant 0 : i32
    %select_n3A_774 = arith.select %lt3A_771, %jit3A_772, %jit3A_773 : i32
    %add3A_775 = arith.addi %add3A_768, %select_n3A_774 : i32
    %slice3A_776 = vector.extract_strided_slice %get3A_760 {offsets = [2], sizes = [1], strides = [1]} : vector<16xi32> to vector<1xi32>
    %squeeze3A_777 = vector.extract %slice3A_776[0] : i32 from vector<1xi32>
    %lt3A_778 = arith.cmpi slt, %squeeze3A_777, %add3A_722 : i32
    %jit3A_779 = arith.constant 1 : i32
    %jit3A_780 = arith.constant 0 : i32
    %select_n3A_781 = arith.select %lt3A_778, %jit3A_779, %jit3A_780 : i32
    %add3A_782 = arith.addi %add3A_775, %select_n3A_781 : i32
    %slice3A_783 = vector.extract_strided_slice %get3A_760 {offsets = [3], sizes = [1], strides = [1]} : vector<16xi32> to vector<1xi32>
    %squeeze3A_784 = vector.extract %slice3A_783[0] : i32 from vector<1xi32>
    %lt3A_785 = arith.cmpi slt, %squeeze3A_784, %add3A_722 : i32
    %jit3A_786 = arith.constant 1 : i32
    %jit3A_787 = arith.constant 0 : i32
    %select_n3A_788 = arith.select %lt3A_785, %jit3A_786, %jit3A_787 : i32
    %add3A_789 = arith.addi %add3A_782, %select_n3A_788 : i32
    %slice3A_790 = vector.extract_strided_slice %get3A_760 {offsets = [4], sizes = [1], strides = [1]} : vector<16xi32> to vector<1xi32>
    %squeeze3A_791 = vector.extract %slice3A_790[0] : i32 from vector<1xi32>
    %lt3A_792 = arith.cmpi slt, %squeeze3A_791, %add3A_722 : i32
    %jit3A_793 = arith.constant 1 : i32
    %jit3A_794 = arith.constant 0 : i32
    %select_n3A_795 = arith.select %lt3A_792, %jit3A_793, %jit3A_794 : i32
    %add3A_796 = arith.addi %add3A_789, %select_n3A_795 : i32
    %slice3A_797 = vector.extract_strided_slice %get3A_760 {offsets = [5], sizes = [1], strides = [1]} : vector<16xi32> to vector<1xi32>
    %squeeze3A_798 = vector.extract %slice3A_797[0] : i32 from vector<1xi32>
    %lt3A_799 = arith.cmpi slt, %squeeze3A_798, %add3A_722 : i32
    %jit3A_800 = arith.constant 1 : i32
    %jit3A_801 = arith.constant 0 : i32
    %select_n3A_802 = arith.select %lt3A_799, %jit3A_800, %jit3A_801 : i32
    %add3A_803 = arith.addi %add3A_796, %select_n3A_802 : i32
    %slice3A_804 = vector.extract_strided_slice %get3A_760 {offsets = [6], sizes = [1], strides = [1]} : vector<16xi32> to vector<1xi32>
    %squeeze3A_805 = vector.extract %slice3A_804[0] : i32 from vector<1xi32>
    %lt3A_806 = arith.cmpi slt, %squeeze3A_805, %add3A_722 : i32
    %jit3A_807 = arith.constant 1 : i32
    %jit3A_808 = arith.constant 0 : i32
    %select_n3A_809 = arith.select %lt3A_806, %jit3A_807, %jit3A_808 : i32
    %add3A_810 = arith.addi %add3A_803, %select_n3A_809 : i32
    %slice3A_811 = vector.extract_strided_slice %get3A_760 {offsets = [7], sizes = [1], strides = [1]} : vector<16xi32> to vector<1xi32>
    %squeeze3A_812 = vector.extract %slice3A_811[0] : i32 from vector<1xi32>
    %lt3A_813 = arith.cmpi slt, %squeeze3A_812, %add3A_722 : i32
    %jit3A_814 = arith.constant 1 : i32
    %jit3A_815 = arith.constant 0 : i32
    %select_n3A_816 = arith.select %lt3A_813, %jit3A_814, %jit3A_815 : i32
    %add3A_817 = arith.addi %add3A_810, %select_n3A_816 : i32
    %slice3A_818 = vector.extract_strided_slice %get3A_760 {offsets = [8], sizes = [1], strides = [1]} : vector<16xi32> to vector<1xi32>
    %squeeze3A_819 = vector.extract %slice3A_818[0] : i32 from vector<1xi32>
    %lt3A_820 = arith.cmpi slt, %squeeze3A_819, %add3A_722 : i32
    %jit3A_821 = arith.constant 1 : i32
    %jit3A_822 = arith.constant 0 : i32
    %select_n3A_823 = arith.select %lt3A_820, %jit3A_821, %jit3A_822 : i32
    %add3A_824 = arith.addi %add3A_817, %select_n3A_823 : i32
    %slice3A_825 = vector.extract_strided_slice %get3A_760 {offsets = [9], sizes = [1], strides = [1]} : vector<16xi32> to vector<1xi32>
    %squeeze3A_826 = vector.extract %slice3A_825[0] : i32 from vector<1xi32>
    %lt3A_827 = arith.cmpi slt, %squeeze3A_826, %add3A_722 : i32
    %jit3A_828 = arith.constant 1 : i32
    %jit3A_829 = arith.constant 0 : i32
    %select_n3A_830 = arith.select %lt3A_827, %jit3A_828, %jit3A_829 : i32
    %add3A_831 = arith.addi %add3A_824, %select_n3A_830 : i32
    %slice3A_832 = vector.extract_strided_slice %get3A_760 {offsets = [10], sizes = [1], strides = [1]} : vector<16xi32> to vector<1xi32>
    %squeeze3A_833 = vector.extract %slice3A_832[0] : i32 from vector<1xi32>
    %lt3A_834 = arith.cmpi slt, %squeeze3A_833, %add3A_722 : i32
    %jit3A_835 = arith.constant 1 : i32
    %jit3A_836 = arith.constant 0 : i32
    %select_n3A_837 = arith.select %lt3A_834, %jit3A_835, %jit3A_836 : i32
    %add3A_838 = arith.addi %add3A_831, %select_n3A_837 : i32
    %slice3A_839 = vector.extract_strided_slice %get3A_760 {offsets = [11], sizes = [1], strides = [1]} : vector<16xi32> to vector<1xi32>
    %squeeze3A_840 = vector.extract %slice3A_839[0] : i32 from vector<1xi32>
    %lt3A_841 = arith.cmpi slt, %squeeze3A_840, %add3A_722 : i32
    %jit3A_842 = arith.constant 1 : i32
    %jit3A_843 = arith.constant 0 : i32
    %select_n3A_844 = arith.select %lt3A_841, %jit3A_842, %jit3A_843 : i32
    %add3A_845 = arith.addi %add3A_838, %select_n3A_844 : i32
    %slice3A_846 = vector.extract_strided_slice %get3A_760 {offsets = [12], sizes = [1], strides = [1]} : vector<16xi32> to vector<1xi32>
    %squeeze3A_847 = vector.extract %slice3A_846[0] : i32 from vector<1xi32>
    %lt3A_848 = arith.cmpi slt, %squeeze3A_847, %add3A_722 : i32
    %jit3A_849 = arith.constant 1 : i32
    %jit3A_850 = arith.constant 0 : i32
    %select_n3A_851 = arith.select %lt3A_848, %jit3A_849, %jit3A_850 : i32
    %add3A_852 = arith.addi %add3A_845, %select_n3A_851 : i32
    %slice3A_853 = vector.extract_strided_slice %get3A_760 {offsets = [13], sizes = [1], strides = [1]} : vector<16xi32> to vector<1xi32>
    %squeeze3A_854 = vector.extract %slice3A_853[0] : i32 from vector<1xi32>
    %lt3A_855 = arith.cmpi slt, %squeeze3A_854, %add3A_722 : i32
    %jit3A_856 = arith.constant 1 : i32
    %jit3A_857 = arith.constant 0 : i32
    %select_n3A_858 = arith.select %lt3A_855, %jit3A_856, %jit3A_857 : i32
    %add3A_859 = arith.addi %add3A_852, %select_n3A_858 : i32
    %slice3A_860 = vector.extract_strided_slice %get3A_760 {offsets = [14], sizes = [1], strides = [1]} : vector<16xi32> to vector<1xi32>
    %squeeze3A_861 = vector.extract %slice3A_860[0] : i32 from vector<1xi32>
    %lt3A_862 = arith.cmpi slt, %squeeze3A_861, %add3A_722 : i32
    %jit3A_863 = arith.constant 1 : i32
    %jit3A_864 = arith.constant 0 : i32
    %select_n3A_865 = arith.select %lt3A_862, %jit3A_863, %jit3A_864 : i32
    %add3A_866 = arith.addi %add3A_859, %select_n3A_865 : i32
    %slice3A_867 = vector.extract_strided_slice %get3A_760 {offsets = [15], sizes = [1], strides = [1]} : vector<16xi32> to vector<1xi32>
    %squeeze3A_868 = vector.extract %slice3A_867[0] : i32 from vector<1xi32>
    %lt3A_869 = arith.cmpi slt, %squeeze3A_868, %add3A_722 : i32
    %jit3A_870 = arith.constant 1 : i32
    %jit3A_871 = arith.constant 0 : i32
    %select_n3A_872 = arith.select %lt3A_869, %jit3A_870, %jit3A_871 : i32
    %add3A_873 = arith.addi %add3A_866, %select_n3A_872 : i32
    %get3A_874 = arith.constant 16 : index
    %get3A_875 = tpu.vector_load %arg10[%get3A_874] {strides = array<i32>} : memref<96xi32, #tpu.memory_space<vmem>>, vector<16xi32>,
    %slice3A_876 = vector.extract_strided_slice %get3A_875 {offsets = [0], sizes = [1], strides = [1]} : vector<16xi32> to vector<1xi32>
    %squeeze3A_877 = vector.extract %slice3A_876[0] : i32 from vector<1xi32>
    %lt3A_878 = arith.cmpi slt, %squeeze3A_877, %add3A_722 : i32
    %jit3A_879 = arith.constant 1 : i32
    %jit3A_880 = arith.constant 0 : i32
    %select_n3A_881 = arith.select %lt3A_878, %jit3A_879, %jit3A_880 : i32
    %add3A_882 = arith.addi %add3A_873, %select_n3A_881 : i32
    %slice3A_883 = vector.extract_strided_slice %get3A_875 {offsets = [1], sizes = [1], strides = [1]} : vector<16xi32> to vector<1xi32>
    %squeeze3A_884 = vector.extract %slice3A_883[0] : i32 from vector<1xi32>
    %lt3A_885 = arith.cmpi slt, %squeeze3A_884, %add3A_722 : i32
    %jit3A_886 = arith.constant 1 : i32
    %jit3A_887 = arith.constant 0 : i32
    %select_n3A_888 = arith.select %lt3A_885, %jit3A_886, %jit3A_887 : i32
    %add3A_889 = arith.addi %add3A_882, %select_n3A_888 : i32
    %slice3A_890 = vector.extract_strided_slice %get3A_875 {offsets = [2], sizes = [1], strides = [1]} : vector<16xi32> to vector<1xi32>
    %squeeze3A_891 = vector.extract %slice3A_890[0] : i32 from vector<1xi32>
    %lt3A_892 = arith.cmpi slt, %squeeze3A_891, %add3A_722 : i32
    %jit3A_893 = arith.constant 1 : i32
    %jit3A_894 = arith.constant 0 : i32
    %select_n3A_895 = arith.select %lt3A_892, %jit3A_893, %jit3A_894 : i32
    %add3A_896 = arith.addi %add3A_889, %select_n3A_895 : i32
    %slice3A_897 = vector.extract_strided_slice %get3A_875 {offsets = [3], sizes = [1], strides = [1]} : vector<16xi32> to vector<1xi32>
    %squeeze3A_898 = vector.extract %slice3A_897[0] : i32 from vector<1xi32>
    %lt3A_899 = arith.cmpi slt, %squeeze3A_898, %add3A_722 : i32
    %jit3A_900 = arith.constant 1 : i32
    %jit3A_901 = arith.constant 0 : i32
    %select_n3A_902 = arith.select %lt3A_899, %jit3A_900, %jit3A_901 : i32
    %add3A_903 = arith.addi %add3A_896, %select_n3A_902 : i32
    %slice3A_904 = vector.extract_strided_slice %get3A_875 {offsets = [4], sizes = [1], strides = [1]} : vector<16xi32> to vector<1xi32>
    %squeeze3A_905 = vector.extract %slice3A_904[0] : i32 from vector<1xi32>
    %lt3A_906 = arith.cmpi slt, %squeeze3A_905, %add3A_722 : i32
    %jit3A_907 = arith.constant 1 : i32
    %jit3A_908 = arith.constant 0 : i32
    %select_n3A_909 = arith.select %lt3A_906, %jit3A_907, %jit3A_908 : i32
    %add3A_910 = arith.addi %add3A_903, %select_n3A_909 : i32
    %slice3A_911 = vector.extract_strided_slice %get3A_875 {offsets = [5], sizes = [1], strides = [1]} : vector<16xi32> to vector<1xi32>
    %squeeze3A_912 = vector.extract %slice3A_911[0] : i32 from vector<1xi32>
    %lt3A_913 = arith.cmpi slt, %squeeze3A_912, %add3A_722 : i32
    %jit3A_914 = arith.constant 1 : i32
    %jit3A_915 = arith.constant 0 : i32
    %select_n3A_916 = arith.select %lt3A_913, %jit3A_914, %jit3A_915 : i32
    %add3A_917 = arith.addi %add3A_910, %select_n3A_916 : i32
    %slice3A_918 = vector.extract_strided_slice %get3A_875 {offsets = [6], sizes = [1], strides = [1]} : vector<16xi32> to vector<1xi32>
    %squeeze3A_919 = vector.extract %slice3A_918[0] : i32 from vector<1xi32>
    %lt3A_920 = arith.cmpi slt, %squeeze3A_919, %add3A_722 : i32
    %jit3A_921 = arith.constant 1 : i32
    %jit3A_922 = arith.constant 0 : i32
    %select_n3A_923 = arith.select %lt3A_920, %jit3A_921, %jit3A_922 : i32
    %add3A_924 = arith.addi %add3A_917, %select_n3A_923 : i32
    %slice3A_925 = vector.extract_strided_slice %get3A_875 {offsets = [7], sizes = [1], strides = [1]} : vector<16xi32> to vector<1xi32>
    %squeeze3A_926 = vector.extract %slice3A_925[0] : i32 from vector<1xi32>
    %lt3A_927 = arith.cmpi slt, %squeeze3A_926, %add3A_722 : i32
    %jit3A_928 = arith.constant 1 : i32
    %jit3A_929 = arith.constant 0 : i32
    %select_n3A_930 = arith.select %lt3A_927, %jit3A_928, %jit3A_929 : i32
    %add3A_931 = arith.addi %add3A_924, %select_n3A_930 : i32
    %slice3A_932 = vector.extract_strided_slice %get3A_875 {offsets = [8], sizes = [1], strides = [1]} : vector<16xi32> to vector<1xi32>
    %squeeze3A_933 = vector.extract %slice3A_932[0] : i32 from vector<1xi32>
    %lt3A_934 = arith.cmpi slt, %squeeze3A_933, %add3A_722 : i32
    %jit3A_935 = arith.constant 1 : i32
    %jit3A_936 = arith.constant 0 : i32
    %select_n3A_937 = arith.select %lt3A_934, %jit3A_935, %jit3A_936 : i32
    %add3A_938 = arith.addi %add3A_931, %select_n3A_937 : i32
    %slice3A_939 = vector.extract_strided_slice %get3A_875 {offsets = [9], sizes = [1], strides = [1]} : vector<16xi32> to vector<1xi32>
    %squeeze3A_940 = vector.extract %slice3A_939[0] : i32 from vector<1xi32>
    %lt3A_941 = arith.cmpi slt, %squeeze3A_940, %add3A_722 : i32
    %jit3A_942 = arith.constant 1 : i32
    %jit3A_943 = arith.constant 0 : i32
    %select_n3A_944 = arith.select %lt3A_941, %jit3A_942, %jit3A_943 : i32
    %add3A_945 = arith.addi %add3A_938, %select_n3A_944 : i32
    %slice3A_946 = vector.extract_strided_slice %get3A_875 {offsets = [10], sizes = [1], strides = [1]} : vector<16xi32> to vector<1xi32>
    %squeeze3A_947 = vector.extract %slice3A_946[0] : i32 from vector<1xi32>
    %lt3A_948 = arith.cmpi slt, %squeeze3A_947, %add3A_722 : i32
    %jit3A_949 = arith.constant 1 : i32
    %jit3A_950 = arith.constant 0 : i32
    %select_n3A_951 = arith.select %lt3A_948, %jit3A_949, %jit3A_950 : i32
    %add3A_952 = arith.addi %add3A_945, %select_n3A_951 : i32
    %slice3A_953 = vector.extract_strided_slice %get3A_875 {offsets = [11], sizes = [1], strides = [1]} : vector<16xi32> to vector<1xi32>
    %squeeze3A_954 = vector.extract %slice3A_953[0] : i32 from vector<1xi32>
    %lt3A_955 = arith.cmpi slt, %squeeze3A_954, %add3A_722 : i32
    %jit3A_956 = arith.constant 1 : i32
    %jit3A_957 = arith.constant 0 : i32
    %select_n3A_958 = arith.select %lt3A_955, %jit3A_956, %jit3A_957 : i32
    %add3A_959 = arith.addi %add3A_952, %select_n3A_958 : i32
    %slice3A_960 = vector.extract_strided_slice %get3A_875 {offsets = [12], sizes = [1], strides = [1]} : vector<16xi32> to vector<1xi32>
    %squeeze3A_961 = vector.extract %slice3A_960[0] : i32 from vector<1xi32>
    %lt3A_962 = arith.cmpi slt, %squeeze3A_961, %add3A_722 : i32
    %jit3A_963 = arith.constant 1 : i32
    %jit3A_964 = arith.constant 0 : i32
    %select_n3A_965 = arith.select %lt3A_962, %jit3A_963, %jit3A_964 : i32
    %add3A_966 = arith.addi %add3A_959, %select_n3A_965 : i32
    %slice3A_967 = vector.extract_strided_slice %get3A_875 {offsets = [13], sizes = [1], strides = [1]} : vector<16xi32> to vector<1xi32>
    %squeeze3A_968 = vector.extract %slice3A_967[0] : i32 from vector<1xi32>
    %lt3A_969 = arith.cmpi slt, %squeeze3A_968, %add3A_722 : i32
    %jit3A_970 = arith.constant 1 : i32
    %jit3A_971 = arith.constant 0 : i32
    %select_n3A_972 = arith.select %lt3A_969, %jit3A_970, %jit3A_971 : i32
    %add3A_973 = arith.addi %add3A_966, %select_n3A_972 : i32
    %slice3A_974 = vector.extract_strided_slice %get3A_875 {offsets = [14], sizes = [1], strides = [1]} : vector<16xi32> to vector<1xi32>
    %squeeze3A_975 = vector.extract %slice3A_974[0] : i32 from vector<1xi32>
    %lt3A_976 = arith.cmpi slt, %squeeze3A_975, %add3A_722 : i32
    %jit3A_977 = arith.constant 1 : i32
    %jit3A_978 = arith.constant 0 : i32
    %select_n3A_979 = arith.select %lt3A_976, %jit3A_977, %jit3A_978 : i32
    %add3A_980 = arith.addi %add3A_973, %select_n3A_979 : i32
    %slice3A_981 = vector.extract_strided_slice %get3A_875 {offsets = [15], sizes = [1], strides = [1]} : vector<16xi32> to vector<1xi32>
    %squeeze3A_982 = vector.extract %slice3A_981[0] : i32 from vector<1xi32>
    %lt3A_983 = arith.cmpi slt, %squeeze3A_982, %add3A_722 : i32
    %jit3A_984 = arith.constant 1 : i32
    %jit3A_985 = arith.constant 0 : i32
    %select_n3A_986 = arith.select %lt3A_983, %jit3A_984, %jit3A_985 : i32
    %add3A_987 = arith.addi %add3A_980, %select_n3A_986 : i32
    %get3A_988 = arith.constant 32 : index
    %get3A_989 = tpu.vector_load %arg10[%get3A_988] {strides = array<i32>} : memref<96xi32, #tpu.memory_space<vmem>>, vector<16xi32>,
    %slice3A_990 = vector.extract_strided_slice %get3A_989 {offsets = [0], sizes = [1], strides = [1]} : vector<16xi32> to vector<1xi32>
    %squeeze3A_991 = vector.extract %slice3A_990[0] : i32 from vector<1xi32>
    %lt3A_992 = arith.cmpi slt, %squeeze3A_991, %add3A_722 : i32
    %jit3A_993 = arith.constant 1 : i32
    %jit3A_994 = arith.constant 0 : i32
    %select_n3A_995 = arith.select %lt3A_992, %jit3A_993, %jit3A_994 : i32
    %add3A_996 = arith.addi %add3A_987, %select_n3A_995 : i32
    %slice3A_997 = vector.extract_strided_slice %get3A_989 {offsets = [1], sizes = [1], strides = [1]} : vector<16xi32> to vector<1xi32>
    %squeeze3A_998 = vector.extract %slice3A_997[0] : i32 from vector<1xi32>
    %lt3A_999 = arith.cmpi slt, %squeeze3A_998, %add3A_722 : i32
    %jit3A_1000 = arith.constant 1 : i32
    %jit3A_1001 = arith.constant 0 : i32
    %select_n3A_1002 = arith.select %lt3A_999, %jit3A_1000, %jit3A_1001 : i32
    %add3A_1003 = arith.addi %add3A_996, %select_n3A_1002 : i32
    %slice3A_1004 = vector.extract_strided_slice %get3A_989 {offsets = [2], sizes = [1], strides = [1]} : vector<16xi32> to vector<1xi32>
    %squeeze3A_1005 = vector.extract %slice3A_1004[0] : i32 from vector<1xi32>
    %lt3A_1006 = arith.cmpi slt, %squeeze3A_1005, %add3A_722 : i32
    %jit3A_1007 = arith.constant 1 : i32
    %jit3A_1008 = arith.constant 0 : i32
    %select_n3A_1009 = arith.select %lt3A_1006, %jit3A_1007, %jit3A_1008 : i32
    %add3A_1010 = arith.addi %add3A_1003, %select_n3A_1009 : i32
    %slice3A_1011 = vector.extract_strided_slice %get3A_989 {offsets = [3], sizes = [1], strides = [1]} : vector<16xi32> to vector<1xi32>
    %squeeze3A_1012 = vector.extract %slice3A_1011[0] : i32 from vector<1xi32>
    %lt3A_1013 = arith.cmpi slt, %squeeze3A_1012, %add3A_722 : i32
    %jit3A_1014 = arith.constant 1 : i32
    %jit3A_1015 = arith.constant 0 : i32
    %select_n3A_1016 = arith.select %lt3A_1013, %jit3A_1014, %jit3A_1015 : i32
    %add3A_1017 = arith.addi %add3A_1010, %select_n3A_1016 : i32
    %slice3A_1018 = vector.extract_strided_slice %get3A_989 {offsets = [4], sizes = [1], strides = [1]} : vector<16xi32> to vector<1xi32>
    %squeeze3A_1019 = vector.extract %slice3A_1018[0] : i32 from vector<1xi32>
    %lt3A_1020 = arith.cmpi slt, %squeeze3A_1019, %add3A_722 : i32
    %jit3A_1021 = arith.constant 1 : i32
    %jit3A_1022 = arith.constant 0 : i32
    %select_n3A_1023 = arith.select %lt3A_1020, %jit3A_1021, %jit3A_1022 : i32
    %add3A_1024 = arith.addi %add3A_1017, %select_n3A_1023 : i32
    %slice3A_1025 = vector.extract_strided_slice %get3A_989 {offsets = [5], sizes = [1], strides = [1]} : vector<16xi32> to vector<1xi32>
    %squeeze3A_1026 = vector.extract %slice3A_1025[0] : i32 from vector<1xi32>
    %lt3A_1027 = arith.cmpi slt, %squeeze3A_1026, %add3A_722 : i32
    %jit3A_1028 = arith.constant 1 : i32
    %jit3A_1029 = arith.constant 0 : i32
    %select_n3A_1030 = arith.select %lt3A_1027, %jit3A_1028, %jit3A_1029 : i32
    %add3A_1031 = arith.addi %add3A_1024, %select_n3A_1030 : i32
    %slice3A_1032 = vector.extract_strided_slice %get3A_989 {offsets = [6], sizes = [1], strides = [1]} : vector<16xi32> to vector<1xi32>
    %squeeze3A_1033 = vector.extract %slice3A_1032[0] : i32 from vector<1xi32>
    %lt3A_1034 = arith.cmpi slt, %squeeze3A_1033, %add3A_722 : i32
    %jit3A_1035 = arith.constant 1 : i32
    %jit3A_1036 = arith.constant 0 : i32
    %select_n3A_1037 = arith.select %lt3A_1034, %jit3A_1035, %jit3A_1036 : i32
    %add3A_1038 = arith.addi %add3A_1031, %select_n3A_1037 : i32
    %slice3A_1039 = vector.extract_strided_slice %get3A_989 {offsets = [7], sizes = [1], strides = [1]} : vector<16xi32> to vector<1xi32>
    %squeeze3A_1040 = vector.extract %slice3A_1039[0] : i32 from vector<1xi32>
    %lt3A_1041 = arith.cmpi slt, %squeeze3A_1040, %add3A_722 : i32
    %jit3A_1042 = arith.constant 1 : i32
    %jit3A_1043 = arith.constant 0 : i32
    %select_n3A_1044 = arith.select %lt3A_1041, %jit3A_1042, %jit3A_1043 : i32
    %add3A_1045 = arith.addi %add3A_1038, %select_n3A_1044 : i32
    %slice3A_1046 = vector.extract_strided_slice %get3A_989 {offsets = [8], sizes = [1], strides = [1]} : vector<16xi32> to vector<1xi32>
    %squeeze3A_1047 = vector.extract %slice3A_1046[0] : i32 from vector<1xi32>
    %lt3A_1048 = arith.cmpi slt, %squeeze3A_1047, %add3A_722 : i32
    %jit3A_1049 = arith.constant 1 : i32
    %jit3A_1050 = arith.constant 0 : i32
    %select_n3A_1051 = arith.select %lt3A_1048, %jit3A_1049, %jit3A_1050 : i32
    %add3A_1052 = arith.addi %add3A_1045, %select_n3A_1051 : i32
    %slice3A_1053 = vector.extract_strided_slice %get3A_989 {offsets = [9], sizes = [1], strides = [1]} : vector<16xi32> to vector<1xi32>
    %squeeze3A_1054 = vector.extract %slice3A_1053[0] : i32 from vector<1xi32>
    %lt3A_1055 = arith.cmpi slt, %squeeze3A_1054, %add3A_722 : i32
    %jit3A_1056 = arith.constant 1 : i32
    %jit3A_1057 = arith.constant 0 : i32
    %select_n3A_1058 = arith.select %lt3A_1055, %jit3A_1056, %jit3A_1057 : i32
    %add3A_1059 = arith.addi %add3A_1052, %select_n3A_1058 : i32
    %slice3A_1060 = vector.extract_strided_slice %get3A_989 {offsets = [10], sizes = [1], strides = [1]} : vector<16xi32> to vector<1xi32>
    %squeeze3A_1061 = vector.extract %slice3A_1060[0] : i32 from vector<1xi32>
    %lt3A_1062 = arith.cmpi slt, %squeeze3A_1061, %add3A_722 : i32
    %jit3A_1063 = arith.constant 1 : i32
    %jit3A_1064 = arith.constant 0 : i32
    %select_n3A_1065 = arith.select %lt3A_1062, %jit3A_1063, %jit3A_1064 : i32
    %add3A_1066 = arith.addi %add3A_1059, %select_n3A_1065 : i32
    %slice3A_1067 = vector.extract_strided_slice %get3A_989 {offsets = [11], sizes = [1], strides = [1]} : vector<16xi32> to vector<1xi32>
    %squeeze3A_1068 = vector.extract %slice3A_1067[0] : i32 from vector<1xi32>
    %lt3A_1069 = arith.cmpi slt, %squeeze3A_1068, %add3A_722 : i32
    %jit3A_1070 = arith.constant 1 : i32
    %jit3A_1071 = arith.constant 0 : i32
    %select_n3A_1072 = arith.select %lt3A_1069, %jit3A_1070, %jit3A_1071 : i32
    %add3A_1073 = arith.addi %add3A_1066, %select_n3A_1072 : i32
    %slice3A_1074 = vector.extract_strided_slice %get3A_989 {offsets = [12], sizes = [1], strides = [1]} : vector<16xi32> to vector<1xi32>
    %squeeze3A_1075 = vector.extract %slice3A_1074[0] : i32 from vector<1xi32>
    %lt3A_1076 = arith.cmpi slt, %squeeze3A_1075, %add3A_722 : i32
    %jit3A_1077 = arith.constant 1 : i32
    %jit3A_1078 = arith.constant 0 : i32
    %select_n3A_1079 = arith.select %lt3A_1076, %jit3A_1077, %jit3A_1078 : i32
    %add3A_1080 = arith.addi %add3A_1073, %select_n3A_1079 : i32
    %slice3A_1081 = vector.extract_strided_slice %get3A_989 {offsets = [13], sizes = [1], strides = [1]} : vector<16xi32> to vector<1xi32>
    %squeeze3A_1082 = vector.extract %slice3A_1081[0] : i32 from vector<1xi32>
    %lt3A_1083 = arith.cmpi slt, %squeeze3A_1082, %add3A_722 : i32
    %jit3A_1084 = arith.constant 1 : i32
    %jit3A_1085 = arith.constant 0 : i32
    %select_n3A_1086 = arith.select %lt3A_1083, %jit3A_1084, %jit3A_1085 : i32
    %add3A_1087 = arith.addi %add3A_1080, %select_n3A_1086 : i32
    %slice3A_1088 = vector.extract_strided_slice %get3A_989 {offsets = [14], sizes = [1], strides = [1]} : vector<16xi32> to vector<1xi32>
    %squeeze3A_1089 = vector.extract %slice3A_1088[0] : i32 from vector<1xi32>
    %lt3A_1090 = arith.cmpi slt, %squeeze3A_1089, %add3A_722 : i32
    %jit3A_1091 = arith.constant 1 : i32
    %jit3A_1092 = arith.constant 0 : i32
    %select_n3A_1093 = arith.select %lt3A_1090, %jit3A_1091, %jit3A_1092 : i32
    %add3A_1094 = arith.addi %add3A_1087, %select_n3A_1093 : i32
    %slice3A_1095 = vector.extract_strided_slice %get3A_989 {offsets = [15], sizes = [1], strides = [1]} : vector<16xi32> to vector<1xi32>
    %squeeze3A_1096 = vector.extract %slice3A_1095[0] : i32 from vector<1xi32>
    %lt3A_1097 = arith.cmpi slt, %squeeze3A_1096, %add3A_722 : i32
    %jit3A_1098 = arith.constant 1 : i32
    %jit3A_1099 = arith.constant 0 : i32
    %select_n3A_1100 = arith.select %lt3A_1097, %jit3A_1098, %jit3A_1099 : i32
    %add3A_1101 = arith.addi %add3A_1094, %select_n3A_1100 : i32
    %get3A_1102 = arith.constant 48 : index
    %get3A_1103 = tpu.vector_load %arg10[%get3A_1102] {strides = array<i32>} : memref<96xi32, #tpu.memory_space<vmem>>, vector<16xi32>,
    %slice3A_1104 = vector.extract_strided_slice %get3A_1103 {offsets = [0], sizes = [1], strides = [1]} : vector<16xi32> to vector<1xi32>
    %squeeze3A_1105 = vector.extract %slice3A_1104[0] : i32 from vector<1xi32>
    %lt3A_1106 = arith.cmpi slt, %squeeze3A_1105, %add3A_722 : i32
    %jit3A_1107 = arith.constant 1 : i32
    %jit3A_1108 = arith.constant 0 : i32
    %select_n3A_1109 = arith.select %lt3A_1106, %jit3A_1107, %jit3A_1108 : i32
    %add3A_1110 = arith.addi %add3A_1101, %select_n3A_1109 : i32
    %slice3A_1111 = vector.extract_strided_slice %get3A_1103 {offsets = [1], sizes = [1], strides = [1]} : vector<16xi32> to vector<1xi32>
    %squeeze3A_1112 = vector.extract %slice3A_1111[0] : i32 from vector<1xi32>
    %lt3A_1113 = arith.cmpi slt, %squeeze3A_1112, %add3A_722 : i32
    %jit3A_1114 = arith.constant 1 : i32
    %jit3A_1115 = arith.constant 0 : i32
    %select_n3A_1116 = arith.select %lt3A_1113, %jit3A_1114, %jit3A_1115 : i32
    %add3A_1117 = arith.addi %add3A_1110, %select_n3A_1116 : i32
    %slice3A_1118 = vector.extract_strided_slice %get3A_1103 {offsets = [2], sizes = [1], strides = [1]} : vector<16xi32> to vector<1xi32>
    %squeeze3A_1119 = vector.extract %slice3A_1118[0] : i32 from vector<1xi32>
    %lt3A_1120 = arith.cmpi slt, %squeeze3A_1119, %add3A_722 : i32
    %jit3A_1121 = arith.constant 1 : i32
    %jit3A_1122 = arith.constant 0 : i32
    %select_n3A_1123 = arith.select %lt3A_1120, %jit3A_1121, %jit3A_1122 : i32
    %add3A_1124 = arith.addi %add3A_1117, %select_n3A_1123 : i32
    %slice3A_1125 = vector.extract_strided_slice %get3A_1103 {offsets = [3], sizes = [1], strides = [1]} : vector<16xi32> to vector<1xi32>
    %squeeze3A_1126 = vector.extract %slice3A_1125[0] : i32 from vector<1xi32>
    %lt3A_1127 = arith.cmpi slt, %squeeze3A_1126, %add3A_722 : i32
    %jit3A_1128 = arith.constant 1 : i32
    %jit3A_1129 = arith.constant 0 : i32
    %select_n3A_1130 = arith.select %lt3A_1127, %jit3A_1128, %jit3A_1129 : i32
    %add3A_1131 = arith.addi %add3A_1124, %select_n3A_1130 : i32
    %slice3A_1132 = vector.extract_strided_slice %get3A_1103 {offsets = [4], sizes = [1], strides = [1]} : vector<16xi32> to vector<1xi32>
    %squeeze3A_1133 = vector.extract %slice3A_1132[0] : i32 from vector<1xi32>
    %lt3A_1134 = arith.cmpi slt, %squeeze3A_1133, %add3A_722 : i32
    %jit3A_1135 = arith.constant 1 : i32
    %jit3A_1136 = arith.constant 0 : i32
    %select_n3A_1137 = arith.select %lt3A_1134, %jit3A_1135, %jit3A_1136 : i32
    %add3A_1138 = arith.addi %add3A_1131, %select_n3A_1137 : i32
    %slice3A_1139 = vector.extract_strided_slice %get3A_1103 {offsets = [5], sizes = [1], strides = [1]} : vector<16xi32> to vector<1xi32>
    %squeeze3A_1140 = vector.extract %slice3A_1139[0] : i32 from vector<1xi32>
    %lt3A_1141 = arith.cmpi slt, %squeeze3A_1140, %add3A_722 : i32
    %jit3A_1142 = arith.constant 1 : i32
    %jit3A_1143 = arith.constant 0 : i32
    %select_n3A_1144 = arith.select %lt3A_1141, %jit3A_1142, %jit3A_1143 : i32
    %add3A_1145 = arith.addi %add3A_1138, %select_n3A_1144 : i32
    %slice3A_1146 = vector.extract_strided_slice %get3A_1103 {offsets = [6], sizes = [1], strides = [1]} : vector<16xi32> to vector<1xi32>
    %squeeze3A_1147 = vector.extract %slice3A_1146[0] : i32 from vector<1xi32>
    %lt3A_1148 = arith.cmpi slt, %squeeze3A_1147, %add3A_722 : i32
    %jit3A_1149 = arith.constant 1 : i32
    %jit3A_1150 = arith.constant 0 : i32
    %select_n3A_1151 = arith.select %lt3A_1148, %jit3A_1149, %jit3A_1150 : i32
    %add3A_1152 = arith.addi %add3A_1145, %select_n3A_1151 : i32
    %slice3A_1153 = vector.extract_strided_slice %get3A_1103 {offsets = [7], sizes = [1], strides = [1]} : vector<16xi32> to vector<1xi32>
    %squeeze3A_1154 = vector.extract %slice3A_1153[0] : i32 from vector<1xi32>
    %lt3A_1155 = arith.cmpi slt, %squeeze3A_1154, %add3A_722 : i32
    %jit3A_1156 = arith.constant 1 : i32
    %jit3A_1157 = arith.constant 0 : i32
    %select_n3A_1158 = arith.select %lt3A_1155, %jit3A_1156, %jit3A_1157 : i32
    %add3A_1159 = arith.addi %add3A_1152, %select_n3A_1158 : i32
    %slice3A_1160 = vector.extract_strided_slice %get3A_1103 {offsets = [8], sizes = [1], strides = [1]} : vector<16xi32> to vector<1xi32>
    %squeeze3A_1161 = vector.extract %slice3A_1160[0] : i32 from vector<1xi32>
    %lt3A_1162 = arith.cmpi slt, %squeeze3A_1161, %add3A_722 : i32
    %jit3A_1163 = arith.constant 1 : i32
    %jit3A_1164 = arith.constant 0 : i32
    %select_n3A_1165 = arith.select %lt3A_1162, %jit3A_1163, %jit3A_1164 : i32
    %add3A_1166 = arith.addi %add3A_1159, %select_n3A_1165 : i32
    %slice3A_1167 = vector.extract_strided_slice %get3A_1103 {offsets = [9], sizes = [1], strides = [1]} : vector<16xi32> to vector<1xi32>
    %squeeze3A_1168 = vector.extract %slice3A_1167[0] : i32 from vector<1xi32>
    %lt3A_1169 = arith.cmpi slt, %squeeze3A_1168, %add3A_722 : i32
    %jit3A_1170 = arith.constant 1 : i32
    %jit3A_1171 = arith.constant 0 : i32
    %select_n3A_1172 = arith.select %lt3A_1169, %jit3A_1170, %jit3A_1171 : i32
    %add3A_1173 = arith.addi %add3A_1166, %select_n3A_1172 : i32
    %slice3A_1174 = vector.extract_strided_slice %get3A_1103 {offsets = [10], sizes = [1], strides = [1]} : vector<16xi32> to vector<1xi32>
    %squeeze3A_1175 = vector.extract %slice3A_1174[0] : i32 from vector<1xi32>
    %lt3A_1176 = arith.cmpi slt, %squeeze3A_1175, %add3A_722 : i32
    %jit3A_1177 = arith.constant 1 : i32
    %jit3A_1178 = arith.constant 0 : i32
    %select_n3A_1179 = arith.select %lt3A_1176, %jit3A_1177, %jit3A_1178 : i32
    %add3A_1180 = arith.addi %add3A_1173, %select_n3A_1179 : i32
    %slice3A_1181 = vector.extract_strided_slice %get3A_1103 {offsets = [11], sizes = [1], strides = [1]} : vector<16xi32> to vector<1xi32>
    %squeeze3A_1182 = vector.extract %slice3A_1181[0] : i32 from vector<1xi32>
    %lt3A_1183 = arith.cmpi slt, %squeeze3A_1182, %add3A_722 : i32
    %jit3A_1184 = arith.constant 1 : i32
    %jit3A_1185 = arith.constant 0 : i32
    %select_n3A_1186 = arith.select %lt3A_1183, %jit3A_1184, %jit3A_1185 : i32
    %add3A_1187 = arith.addi %add3A_1180, %select_n3A_1186 : i32
    %slice3A_1188 = vector.extract_strided_slice %get3A_1103 {offsets = [12], sizes = [1], strides = [1]} : vector<16xi32> to vector<1xi32>
    %squeeze3A_1189 = vector.extract %slice3A_1188[0] : i32 from vector<1xi32>
    %lt3A_1190 = arith.cmpi slt, %squeeze3A_1189, %add3A_722 : i32
    %jit3A_1191 = arith.constant 1 : i32
    %jit3A_1192 = arith.constant 0 : i32
    %select_n3A_1193 = arith.select %lt3A_1190, %jit3A_1191, %jit3A_1192 : i32
    %add3A_1194 = arith.addi %add3A_1187, %select_n3A_1193 : i32
    %slice3A_1195 = vector.extract_strided_slice %get3A_1103 {offsets = [13], sizes = [1], strides = [1]} : vector<16xi32> to vector<1xi32>
    %squeeze3A_1196 = vector.extract %slice3A_1195[0] : i32 from vector<1xi32>
    %lt3A_1197 = arith.cmpi slt, %squeeze3A_1196, %add3A_722 : i32
    %jit3A_1198 = arith.constant 1 : i32
    %jit3A_1199 = arith.constant 0 : i32
    %select_n3A_1200 = arith.select %lt3A_1197, %jit3A_1198, %jit3A_1199 : i32
    %add3A_1201 = arith.addi %add3A_1194, %select_n3A_1200 : i32
    %slice3A_1202 = vector.extract_strided_slice %get3A_1103 {offsets = [14], sizes = [1], strides = [1]} : vector<16xi32> to vector<1xi32>
    %squeeze3A_1203 = vector.extract %slice3A_1202[0] : i32 from vector<1xi32>
    %lt3A_1204 = arith.cmpi slt, %squeeze3A_1203, %add3A_722 : i32
    %jit3A_1205 = arith.constant 1 : i32
    %jit3A_1206 = arith.constant 0 : i32
    %select_n3A_1207 = arith.select %lt3A_1204, %jit3A_1205, %jit3A_1206 : i32
    %add3A_1208 = arith.addi %add3A_1201, %select_n3A_1207 : i32
    %slice3A_1209 = vector.extract_strided_slice %get3A_1103 {offsets = [15], sizes = [1], strides = [1]} : vector<16xi32> to vector<1xi32>
    %squeeze3A_1210 = vector.extract %slice3A_1209[0] : i32 from vector<1xi32>
    %lt3A_1211 = arith.cmpi slt, %squeeze3A_1210, %add3A_722 : i32
    %jit3A_1212 = arith.constant 1 : i32
    %jit3A_1213 = arith.constant 0 : i32
    %select_n3A_1214 = arith.select %lt3A_1211, %jit3A_1212, %jit3A_1213 : i32
    %add3A_1215 = arith.addi %add3A_1208, %select_n3A_1214 : i32
    %get3A_1216 = arith.constant 64 : index
    %get3A_1217 = tpu.vector_load %arg10[%get3A_1216] {strides = array<i32>} : memref<96xi32, #tpu.memory_space<vmem>>, vector<16xi32>,
    %slice3A_1218 = vector.extract_strided_slice %get3A_1217 {offsets = [0], sizes = [1], strides = [1]} : vector<16xi32> to vector<1xi32>
    %squeeze3A_1219 = vector.extract %slice3A_1218[0] : i32 from vector<1xi32>
    %lt3A_1220 = arith.cmpi slt, %squeeze3A_1219, %add3A_722 : i32
    %jit3A_1221 = arith.constant 1 : i32
    %jit3A_1222 = arith.constant 0 : i32
    %select_n3A_1223 = arith.select %lt3A_1220, %jit3A_1221, %jit3A_1222 : i32
    %add3A_1224 = arith.addi %add3A_1215, %select_n3A_1223 : i32
    %slice3A_1225 = vector.extract_strided_slice %get3A_1217 {offsets = [1], sizes = [1], strides = [1]} : vector<16xi32> to vector<1xi32>
    %squeeze3A_1226 = vector.extract %slice3A_1225[0] : i32 from vector<1xi32>
    %lt3A_1227 = arith.cmpi slt, %squeeze3A_1226, %add3A_722 : i32
    %jit3A_1228 = arith.constant 1 : i32
    %jit3A_1229 = arith.constant 0 : i32
    %select_n3A_1230 = arith.select %lt3A_1227, %jit3A_1228, %jit3A_1229 : i32
    %add3A_1231 = arith.addi %add3A_1224, %select_n3A_1230 : i32
    %slice3A_1232 = vector.extract_strided_slice %get3A_1217 {offsets = [2], sizes = [1], strides = [1]} : vector<16xi32> to vector<1xi32>
    %squeeze3A_1233 = vector.extract %slice3A_1232[0] : i32 from vector<1xi32>
    %lt3A_1234 = arith.cmpi slt, %squeeze3A_1233, %add3A_722 : i32
    %jit3A_1235 = arith.constant 1 : i32
    %jit3A_1236 = arith.constant 0 : i32
    %select_n3A_1237 = arith.select %lt3A_1234, %jit3A_1235, %jit3A_1236 : i32
    %add3A_1238 = arith.addi %add3A_1231, %select_n3A_1237 : i32
    %slice3A_1239 = vector.extract_strided_slice %get3A_1217 {offsets = [3], sizes = [1], strides = [1]} : vector<16xi32> to vector<1xi32>
    %squeeze3A_1240 = vector.extract %slice3A_1239[0] : i32 from vector<1xi32>
    %lt3A_1241 = arith.cmpi slt, %squeeze3A_1240, %add3A_722 : i32
    %jit3A_1242 = arith.constant 1 : i32
    %jit3A_1243 = arith.constant 0 : i32
    %select_n3A_1244 = arith.select %lt3A_1241, %jit3A_1242, %jit3A_1243 : i32
    %add3A_1245 = arith.addi %add3A_1238, %select_n3A_1244 : i32
    %slice3A_1246 = vector.extract_strided_slice %get3A_1217 {offsets = [4], sizes = [1], strides = [1]} : vector<16xi32> to vector<1xi32>
    %squeeze3A_1247 = vector.extract %slice3A_1246[0] : i32 from vector<1xi32>
    %lt3A_1248 = arith.cmpi slt, %squeeze3A_1247, %add3A_722 : i32
    %jit3A_1249 = arith.constant 1 : i32
    %jit3A_1250 = arith.constant 0 : i32
    %select_n3A_1251 = arith.select %lt3A_1248, %jit3A_1249, %jit3A_1250 : i32
    %add3A_1252 = arith.addi %add3A_1245, %select_n3A_1251 : i32
    %slice3A_1253 = vector.extract_strided_slice %get3A_1217 {offsets = [5], sizes = [1], strides = [1]} : vector<16xi32> to vector<1xi32>
    %squeeze3A_1254 = vector.extract %slice3A_1253[0] : i32 from vector<1xi32>
    %lt3A_1255 = arith.cmpi slt, %squeeze3A_1254, %add3A_722 : i32
    %jit3A_1256 = arith.constant 1 : i32
    %jit3A_1257 = arith.constant 0 : i32
    %select_n3A_1258 = arith.select %lt3A_1255, %jit3A_1256, %jit3A_1257 : i32
    %add3A_1259 = arith.addi %add3A_1252, %select_n3A_1258 : i32
    %slice3A_1260 = vector.extract_strided_slice %get3A_1217 {offsets = [6], sizes = [1], strides = [1]} : vector<16xi32> to vector<1xi32>
    %squeeze3A_1261 = vector.extract %slice3A_1260[0] : i32 from vector<1xi32>
    %lt3A_1262 = arith.cmpi slt, %squeeze3A_1261, %add3A_722 : i32
    %jit3A_1263 = arith.constant 1 : i32
    %jit3A_1264 = arith.constant 0 : i32
    %select_n3A_1265 = arith.select %lt3A_1262, %jit3A_1263, %jit3A_1264 : i32
    %add3A_1266 = arith.addi %add3A_1259, %select_n3A_1265 : i32
    %slice3A_1267 = vector.extract_strided_slice %get3A_1217 {offsets = [7], sizes = [1], strides = [1]} : vector<16xi32> to vector<1xi32>
    %squeeze3A_1268 = vector.extract %slice3A_1267[0] : i32 from vector<1xi32>
    %lt3A_1269 = arith.cmpi slt, %squeeze3A_1268, %add3A_722 : i32
    %jit3A_1270 = arith.constant 1 : i32
    %jit3A_1271 = arith.constant 0 : i32
    %select_n3A_1272 = arith.select %lt3A_1269, %jit3A_1270, %jit3A_1271 : i32
    %add3A_1273 = arith.addi %add3A_1266, %select_n3A_1272 : i32
    %slice3A_1274 = vector.extract_strided_slice %get3A_1217 {offsets = [8], sizes = [1], strides = [1]} : vector<16xi32> to vector<1xi32>
    %squeeze3A_1275 = vector.extract %slice3A_1274[0] : i32 from vector<1xi32>
    %lt3A_1276 = arith.cmpi slt, %squeeze3A_1275, %add3A_722 : i32
    %jit3A_1277 = arith.constant 1 : i32
    %jit3A_1278 = arith.constant 0 : i32
    %select_n3A_1279 = arith.select %lt3A_1276, %jit3A_1277, %jit3A_1278 : i32
    %add3A_1280 = arith.addi %add3A_1273, %select_n3A_1279 : i32
    %slice3A_1281 = vector.extract_strided_slice %get3A_1217 {offsets = [9], sizes = [1], strides = [1]} : vector<16xi32> to vector<1xi32>
    %squeeze3A_1282 = vector.extract %slice3A_1281[0] : i32 from vector<1xi32>
    %lt3A_1283 = arith.cmpi slt, %squeeze3A_1282, %add3A_722 : i32
    %jit3A_1284 = arith.constant 1 : i32
    %jit3A_1285 = arith.constant 0 : i32
    %select_n3A_1286 = arith.select %lt3A_1283, %jit3A_1284, %jit3A_1285 : i32
    %add3A_1287 = arith.addi %add3A_1280, %select_n3A_1286 : i32
    %slice3A_1288 = vector.extract_strided_slice %get3A_1217 {offsets = [10], sizes = [1], strides = [1]} : vector<16xi32> to vector<1xi32>
    %squeeze3A_1289 = vector.extract %slice3A_1288[0] : i32 from vector<1xi32>
    %lt3A_1290 = arith.cmpi slt, %squeeze3A_1289, %add3A_722 : i32
    %jit3A_1291 = arith.constant 1 : i32
    %jit3A_1292 = arith.constant 0 : i32
    %select_n3A_1293 = arith.select %lt3A_1290, %jit3A_1291, %jit3A_1292 : i32
    %add3A_1294 = arith.addi %add3A_1287, %select_n3A_1293 : i32
    %slice3A_1295 = vector.extract_strided_slice %get3A_1217 {offsets = [11], sizes = [1], strides = [1]} : vector<16xi32> to vector<1xi32>
    %squeeze3A_1296 = vector.extract %slice3A_1295[0] : i32 from vector<1xi32>
    %lt3A_1297 = arith.cmpi slt, %squeeze3A_1296, %add3A_722 : i32
    %jit3A_1298 = arith.constant 1 : i32
    %jit3A_1299 = arith.constant 0 : i32
    %select_n3A_1300 = arith.select %lt3A_1297, %jit3A_1298, %jit3A_1299 : i32
    %add3A_1301 = arith.addi %add3A_1294, %select_n3A_1300 : i32
    %slice3A_1302 = vector.extract_strided_slice %get3A_1217 {offsets = [12], sizes = [1], strides = [1]} : vector<16xi32> to vector<1xi32>
    %squeeze3A_1303 = vector.extract %slice3A_1302[0] : i32 from vector<1xi32>
    %lt3A_1304 = arith.cmpi slt, %squeeze3A_1303, %add3A_722 : i32
    %jit3A_1305 = arith.constant 1 : i32
    %jit3A_1306 = arith.constant 0 : i32
    %select_n3A_1307 = arith.select %lt3A_1304, %jit3A_1305, %jit3A_1306 : i32
    %add3A_1308 = arith.addi %add3A_1301, %select_n3A_1307 : i32
    %slice3A_1309 = vector.extract_strided_slice %get3A_1217 {offsets = [13], sizes = [1], strides = [1]} : vector<16xi32> to vector<1xi32>
    %squeeze3A_1310 = vector.extract %slice3A_1309[0] : i32 from vector<1xi32>
    %lt3A_1311 = arith.cmpi slt, %squeeze3A_1310, %add3A_722 : i32
    %jit3A_1312 = arith.constant 1 : i32
    %jit3A_1313 = arith.constant 0 : i32
    %select_n3A_1314 = arith.select %lt3A_1311, %jit3A_1312, %jit3A_1313 : i32
    %add3A_1315 = arith.addi %add3A_1308, %select_n3A_1314 : i32
    %slice3A_1316 = vector.extract_strided_slice %get3A_1217 {offsets = [14], sizes = [1], strides = [1]} : vector<16xi32> to vector<1xi32>
    %squeeze3A_1317 = vector.extract %slice3A_1316[0] : i32 from vector<1xi32>
    %lt3A_1318 = arith.cmpi slt, %squeeze3A_1317, %add3A_722 : i32
    %jit3A_1319 = arith.constant 1 : i32
    %jit3A_1320 = arith.constant 0 : i32
    %select_n3A_1321 = arith.select %lt3A_1318, %jit3A_1319, %jit3A_1320 : i32
    %add3A_1322 = arith.addi %add3A_1315, %select_n3A_1321 : i32
    %slice3A_1323 = vector.extract_strided_slice %get3A_1217 {offsets = [15], sizes = [1], strides = [1]} : vector<16xi32> to vector<1xi32>
    %squeeze3A_1324 = vector.extract %slice3A_1323[0] : i32 from vector<1xi32>
    %lt3A_1325 = arith.cmpi slt, %squeeze3A_1324, %add3A_722 : i32
    %jit3A_1326 = arith.constant 1 : i32
    %jit3A_1327 = arith.constant 0 : i32
    %select_n3A_1328 = arith.select %lt3A_1325, %jit3A_1326, %jit3A_1327 : i32
    %add3A_1329 = arith.addi %add3A_1322, %select_n3A_1328 : i32
    %get3A_1330 = arith.constant 80 : index
    %get3A_1331 = tpu.vector_load %arg10[%get3A_1330] {strides = array<i32>} : memref<96xi32, #tpu.memory_space<vmem>>, vector<16xi32>,
    %slice3A_1332 = vector.extract_strided_slice %get3A_1331 {offsets = [0], sizes = [1], strides = [1]} : vector<16xi32> to vector<1xi32>
    %squeeze3A_1333 = vector.extract %slice3A_1332[0] : i32 from vector<1xi32>
    %lt3A_1334 = arith.cmpi slt, %squeeze3A_1333, %add3A_722 : i32
    %jit3A_1335 = arith.constant 1 : i32
    %jit3A_1336 = arith.constant 0 : i32
    %select_n3A_1337 = arith.select %lt3A_1334, %jit3A_1335, %jit3A_1336 : i32
    %add3A_1338 = arith.addi %add3A_1329, %select_n3A_1337 : i32
    %slice3A_1339 = vector.extract_strided_slice %get3A_1331 {offsets = [1], sizes = [1], strides = [1]} : vector<16xi32> to vector<1xi32>
    %squeeze3A_1340 = vector.extract %slice3A_1339[0] : i32 from vector<1xi32>
    %lt3A_1341 = arith.cmpi slt, %squeeze3A_1340, %add3A_722 : i32
    %jit3A_1342 = arith.constant 1 : i32
    %jit3A_1343 = arith.constant 0 : i32
    %select_n3A_1344 = arith.select %lt3A_1341, %jit3A_1342, %jit3A_1343 : i32
    %add3A_1345 = arith.addi %add3A_1338, %select_n3A_1344 : i32
    %slice3A_1346 = vector.extract_strided_slice %get3A_1331 {offsets = [2], sizes = [1], strides = [1]} : vector<16xi32> to vector<1xi32>
    %squeeze3A_1347 = vector.extract %slice3A_1346[0] : i32 from vector<1xi32>
    %lt3A_1348 = arith.cmpi slt, %squeeze3A_1347, %add3A_722 : i32
    %jit3A_1349 = arith.constant 1 : i32
    %jit3A_1350 = arith.constant 0 : i32
    %select_n3A_1351 = arith.select %lt3A_1348, %jit3A_1349, %jit3A_1350 : i32
    %add3A_1352 = arith.addi %add3A_1345, %select_n3A_1351 : i32
    %slice3A_1353 = vector.extract_strided_slice %get3A_1331 {offsets = [3], sizes = [1], strides = [1]} : vector<16xi32> to vector<1xi32>
    %squeeze3A_1354 = vector.extract %slice3A_1353[0] : i32 from vector<1xi32>
    %lt3A_1355 = arith.cmpi slt, %squeeze3A_1354, %add3A_722 : i32
    %jit3A_1356 = arith.constant 1 : i32
    %jit3A_1357 = arith.constant 0 : i32
    %select_n3A_1358 = arith.select %lt3A_1355, %jit3A_1356, %jit3A_1357 : i32
    %add3A_1359 = arith.addi %add3A_1352, %select_n3A_1358 : i32
    %slice3A_1360 = vector.extract_strided_slice %get3A_1331 {offsets = [4], sizes = [1], strides = [1]} : vector<16xi32> to vector<1xi32>
    %squeeze3A_1361 = vector.extract %slice3A_1360[0] : i32 from vector<1xi32>
    %lt3A_1362 = arith.cmpi slt, %squeeze3A_1361, %add3A_722 : i32
    %jit3A_1363 = arith.constant 1 : i32
    %jit3A_1364 = arith.constant 0 : i32
    %select_n3A_1365 = arith.select %lt3A_1362, %jit3A_1363, %jit3A_1364 : i32
    %add3A_1366 = arith.addi %add3A_1359, %select_n3A_1365 : i32
    %slice3A_1367 = vector.extract_strided_slice %get3A_1331 {offsets = [5], sizes = [1], strides = [1]} : vector<16xi32> to vector<1xi32>
    %squeeze3A_1368 = vector.extract %slice3A_1367[0] : i32 from vector<1xi32>
    %lt3A_1369 = arith.cmpi slt, %squeeze3A_1368, %add3A_722 : i32
    %jit3A_1370 = arith.constant 1 : i32
    %jit3A_1371 = arith.constant 0 : i32
    %select_n3A_1372 = arith.select %lt3A_1369, %jit3A_1370, %jit3A_1371 : i32
    %add3A_1373 = arith.addi %add3A_1366, %select_n3A_1372 : i32
    %slice3A_1374 = vector.extract_strided_slice %get3A_1331 {offsets = [6], sizes = [1], strides = [1]} : vector<16xi32> to vector<1xi32>
    %squeeze3A_1375 = vector.extract %slice3A_1374[0] : i32 from vector<1xi32>
    %lt3A_1376 = arith.cmpi slt, %squeeze3A_1375, %add3A_722 : i32
    %jit3A_1377 = arith.constant 1 : i32
    %jit3A_1378 = arith.constant 0 : i32
    %select_n3A_1379 = arith.select %lt3A_1376, %jit3A_1377, %jit3A_1378 : i32
    %add3A_1380 = arith.addi %add3A_1373, %select_n3A_1379 : i32
    %slice3A_1381 = vector.extract_strided_slice %get3A_1331 {offsets = [7], sizes = [1], strides = [1]} : vector<16xi32> to vector<1xi32>
    %squeeze3A_1382 = vector.extract %slice3A_1381[0] : i32 from vector<1xi32>
    %lt3A_1383 = arith.cmpi slt, %squeeze3A_1382, %add3A_722 : i32
    %jit3A_1384 = arith.constant 1 : i32
    %jit3A_1385 = arith.constant 0 : i32
    %select_n3A_1386 = arith.select %lt3A_1383, %jit3A_1384, %jit3A_1385 : i32
    %add3A_1387 = arith.addi %add3A_1380, %select_n3A_1386 : i32
    %slice3A_1388 = vector.extract_strided_slice %get3A_1331 {offsets = [8], sizes = [1], strides = [1]} : vector<16xi32> to vector<1xi32>
    %squeeze3A_1389 = vector.extract %slice3A_1388[0] : i32 from vector<1xi32>
    %lt3A_1390 = arith.cmpi slt, %squeeze3A_1389, %add3A_722 : i32
    %jit3A_1391 = arith.constant 1 : i32
    %jit3A_1392 = arith.constant 0 : i32
    %select_n3A_1393 = arith.select %lt3A_1390, %jit3A_1391, %jit3A_1392 : i32
    %add3A_1394 = arith.addi %add3A_1387, %select_n3A_1393 : i32
    %slice3A_1395 = vector.extract_strided_slice %get3A_1331 {offsets = [9], sizes = [1], strides = [1]} : vector<16xi32> to vector<1xi32>
    %squeeze3A_1396 = vector.extract %slice3A_1395[0] : i32 from vector<1xi32>
    %lt3A_1397 = arith.cmpi slt, %squeeze3A_1396, %add3A_722 : i32
    %jit3A_1398 = arith.constant 1 : i32
    %jit3A_1399 = arith.constant 0 : i32
    %select_n3A_1400 = arith.select %lt3A_1397, %jit3A_1398, %jit3A_1399 : i32
    %add3A_1401 = arith.addi %add3A_1394, %select_n3A_1400 : i32
    %slice3A_1402 = vector.extract_strided_slice %get3A_1331 {offsets = [10], sizes = [1], strides = [1]} : vector<16xi32> to vector<1xi32>
    %squeeze3A_1403 = vector.extract %slice3A_1402[0] : i32 from vector<1xi32>
    %lt3A_1404 = arith.cmpi slt, %squeeze3A_1403, %add3A_722 : i32
    %jit3A_1405 = arith.constant 1 : i32
    %jit3A_1406 = arith.constant 0 : i32
    %select_n3A_1407 = arith.select %lt3A_1404, %jit3A_1405, %jit3A_1406 : i32
    %add3A_1408 = arith.addi %add3A_1401, %select_n3A_1407 : i32
    %slice3A_1409 = vector.extract_strided_slice %get3A_1331 {offsets = [11], sizes = [1], strides = [1]} : vector<16xi32> to vector<1xi32>
    %squeeze3A_1410 = vector.extract %slice3A_1409[0] : i32 from vector<1xi32>
    %lt3A_1411 = arith.cmpi slt, %squeeze3A_1410, %add3A_722 : i32
    %jit3A_1412 = arith.constant 1 : i32
    %jit3A_1413 = arith.constant 0 : i32
    %select_n3A_1414 = arith.select %lt3A_1411, %jit3A_1412, %jit3A_1413 : i32
    %add3A_1415 = arith.addi %add3A_1408, %select_n3A_1414 : i32
    %slice3A_1416 = vector.extract_strided_slice %get3A_1331 {offsets = [12], sizes = [1], strides = [1]} : vector<16xi32> to vector<1xi32>
    %squeeze3A_1417 = vector.extract %slice3A_1416[0] : i32 from vector<1xi32>
    %lt3A_1418 = arith.cmpi slt, %squeeze3A_1417, %add3A_722 : i32
    %jit3A_1419 = arith.constant 1 : i32
    %jit3A_1420 = arith.constant 0 : i32
    %select_n3A_1421 = arith.select %lt3A_1418, %jit3A_1419, %jit3A_1420 : i32
    %add3A_1422 = arith.addi %add3A_1415, %select_n3A_1421 : i32
    %slice3A_1423 = vector.extract_strided_slice %get3A_1331 {offsets = [13], sizes = [1], strides = [1]} : vector<16xi32> to vector<1xi32>
    %squeeze3A_1424 = vector.extract %slice3A_1423[0] : i32 from vector<1xi32>
    %lt3A_1425 = arith.cmpi slt, %squeeze3A_1424, %add3A_722 : i32
    %jit3A_1426 = arith.constant 1 : i32
    %jit3A_1427 = arith.constant 0 : i32
    %select_n3A_1428 = arith.select %lt3A_1425, %jit3A_1426, %jit3A_1427 : i32
    %add3A_1429 = arith.addi %add3A_1422, %select_n3A_1428 : i32
    %slice3A_1430 = vector.extract_strided_slice %get3A_1331 {offsets = [14], sizes = [1], strides = [1]} : vector<16xi32> to vector<1xi32>
    %squeeze3A_1431 = vector.extract %slice3A_1430[0] : i32 from vector<1xi32>
    %lt3A_1432 = arith.cmpi slt, %squeeze3A_1431, %add3A_722 : i32
    %jit3A_1433 = arith.constant 1 : i32
    %jit3A_1434 = arith.constant 0 : i32
    %select_n3A_1435 = arith.select %lt3A_1432, %jit3A_1433, %jit3A_1434 : i32
    %add3A_1436 = arith.addi %add3A_1429, %select_n3A_1435 : i32
    %slice3A_1437 = vector.extract_strided_slice %get3A_1331 {offsets = [15], sizes = [1], strides = [1]} : vector<16xi32> to vector<1xi32>
    %squeeze3A_1438 = vector.extract %slice3A_1437[0] : i32 from vector<1xi32>
    %lt3A_1439 = arith.cmpi slt, %squeeze3A_1438, %add3A_722 : i32
    %jit3A_1440 = arith.constant 1 : i32
    %jit3A_1441 = arith.constant 0 : i32
    %select_n3A_1442 = arith.select %lt3A_1439, %jit3A_1440, %jit3A_1441 : i32
    %add3A_1443 = arith.addi %add3A_1436, %select_n3A_1442 : i32
    %add3A_1444 = arith.addi %min3A_758, %add3A_1443 : i32
    %jit3A_1445 = arith.constant 8 : i32
    %div3A_1446 = arith.divsi %add3A_720, %jit3A_1445 : i32
    %sign3A_1447 = arith.constant 0 : i32
    %sign3A_1448 = arith.cmpi sgt, %add3A_720, %sign3A_1447 : i32
    %sign3A_1449 = arith.extui %sign3A_1448 : i1 to i32
    %sign3A_1450 = arith.constant 0 : i32
    %sign3A_1451 = arith.cmpi slt, %add3A_720, %sign3A_1450 : i32
    %sign3A_1452 = arith.extui %sign3A_1451 : i1 to i32
    %sign3A_1453 = arith.subi %sign3A_1449, %sign3A_1452 : i32
    %sign3A_1454 = arith.constant 0 : i32
    %sign3A_1455 = arith.cmpi sgt, %jit3A_1445, %sign3A_1454 : i32
    %sign3A_1456 = arith.extui %sign3A_1455 : i1 to i32
    %sign3A_1457 = arith.constant 0 : i32
    %sign3A_1458 = arith.cmpi slt, %jit3A_1445, %sign3A_1457 : i32
    %sign3A_1459 = arith.extui %sign3A_1458 : i1 to i32
    %sign3A_1460 = arith.subi %sign3A_1456, %sign3A_1459 : i32
    %ne3A_1461 = arith.cmpi ne, %sign3A_1453, %sign3A_1460 : i32
    %rem3A_1462 = arith.remsi %add3A_720, %jit3A_1445 : i32
    %ne3A_1463 = arith.constant 0 : i32
    %ne3A_1464 = arith.cmpi ne, %rem3A_1462, %ne3A_1463 : i32
    %and3A_1465 = arith.andi %ne3A_1461, %ne3A_1464 : i1
    %sub3A_1466 = arith.constant 1 : i32
    %sub3A_1467 = arith.subi %div3A_1446, %sub3A_1466 : i32
    %select_n3A_1468 = arith.select %and3A_1465, %sub3A_1467, %div3A_1446 : i32
    %mul3A_1469 = arith.constant 8 : i32
    %mul3A_1470 = arith.muli %select_n3A_1468, %mul3A_1469 : i32
    %sub3A_1471 = arith.subi %add3A_1444, %mul3A_1470 : i32
    %jit3A_1472 = arith.constant 4992 : i32
    %div3A_1473 = arith.divsi %sub3A_1471, %jit3A_1472 : i32
    %sign3A_1474 = arith.constant 0 : i32
    %sign3A_1475 = arith.cmpi sgt, %sub3A_1471, %sign3A_1474 : i32
    %sign3A_1476 = arith.extui %sign3A_1475 : i1 to i32
    %sign3A_1477 = arith.constant 0 : i32
    %sign3A_1478 = arith.cmpi slt, %sub3A_1471, %sign3A_1477 : i32
    %sign3A_1479 = arith.extui %sign3A_1478 : i1 to i32
    %sign3A_1480 = arith.subi %sign3A_1476, %sign3A_1479 : i32
    %sign3A_1481 = arith.constant 0 : i32
    %sign3A_1482 = arith.cmpi sgt, %jit3A_1472, %sign3A_1481 : i32
    %sign3A_1483 = arith.extui %sign3A_1482 : i1 to i32
    %sign3A_1484 = arith.constant 0 : i32
    %sign3A_1485 = arith.cmpi slt, %jit3A_1472, %sign3A_1484 : i32
    %sign3A_1486 = arith.extui %sign3A_1485 : i1 to i32
    %sign3A_1487 = arith.subi %sign3A_1483, %sign3A_1486 : i32
    %ne3A_1488 = arith.cmpi ne, %sign3A_1480, %sign3A_1487 : i32
    %rem3A_1489 = arith.remsi %sub3A_1471, %jit3A_1472 : i32
    %ne3A_1490 = arith.constant 0 : i32
    %ne3A_1491 = arith.cmpi ne, %rem3A_1489, %ne3A_1490 : i32
    %and3A_1492 = arith.andi %ne3A_1488, %ne3A_1491 : i1
    %sub3A_1493 = arith.constant 1 : i32
    %sub3A_1494 = arith.subi %div3A_1473, %sub3A_1493 : i32
    %select_n3A_1495 = arith.select %and3A_1492, %sub3A_1494, %div3A_1473 : i32
    %mul3A_1496 = arith.constant 4992 : i32
    %mul3A_1497 = arith.muli %select_n3A_1495, %mul3A_1496 : i32
    %add3A_1498 = arith.addi %mul3A_1470, %mul3A_1497 : i32
    %min3A_1499 = arith.constant 6395008 : i32
    %min3A_1500 = arith.minsi %add3A_1498, %min3A_1499 : i32
    %gt3A = arith.constant 0 : i32
    %gt3A_1501 = arith.cmpi sgt, %select_n3A_1495, %gt3A : i32
    %select_n3A_1502 = arith.select %gt3A_1501, %mul3A_1470, %min3A_1500 : i32
    %dma_start3A = arith.constant 0 : i32
    %dma_start3A_1503 = arith.constant 0 : i32
    %dma_start3A_1504 = tpu.memref_slice %arg8[%dma_start3A_1503] : memref<9984xi32, #tpu.memory_space<vmem>> -> memref<4992xi32, #tpu.memory_space<vmem>>
    %dma_start3A_1505 = tpu.memref_slice %arg3[%select_n3A_1502] : memref<6400000xi32, #tpu.memory_space<hbm>> -> memref<4992xi32, #tpu.memory_space<hbm>>
    %dma_start3A_1506 = tpu.memref_slice %arg11[%dma_start3A] : memref<2x!tpu.dma_semaphore, #tpu.memory_space<semaphore_mem>> -> memref<1x!tpu.dma_semaphore, #tpu.memory_space<semaphore_mem>>
    %dma_start3A_1507 = tpu.memref_squeeze %dma_start3A_1506 : memref<1x!tpu.dma_semaphore, #tpu.memory_space<semaphore_mem>> -> memref<!tpu.dma_semaphore, #tpu.memory_space<semaphore_mem>>
    %dma_start3A_1508 = arith.constant 0 : i32
    %dma_start3A_1509 = tpu.memref_slice %arg8[%dma_start3A_1508] : memref<9984xi32, #tpu.memory_space<vmem>> -> memref<4992xi32, #tpu.memory_space<vmem>>
    %dma_start3A_1510 = tpu.memref_slice %arg3[%select_n3A_1502] : memref<6400000xi32, #tpu.memory_space<hbm>> -> memref<4992xi32, #tpu.memory_space<hbm>>
    tpu.enqueue_dma source(%dma_start3A_1510 : memref<4992xi32, #tpu.memory_space<hbm>>) target(%dma_start3A_1509 : memref<4992xi32, #tpu.memory_space<vmem>>) target_semaphore(%dma_start3A_1507 : memref<!tpu.dma_semaphore, #tpu.memory_space<semaphore_mem>>)
    %dma_start3A_1511 = arith.constant 0 : i32
    %dma_start3A_1512 = arith.constant 0 : i32
    %dma_start3A_1513 = tpu.memref_slice %arg9[%dma_start3A_1512] : memref<10000xi32, #tpu.memory_space<vmem>> -> memref<4992xi32, #tpu.memory_space<vmem>>
    %dma_start3A_1514 = tpu.memref_slice %arg4[%select_n3A_1502] : memref<6400000xi32, #tpu.memory_space<hbm>> -> memref<4992xi32, #tpu.memory_space<hbm>>
    %dma_start3A_1515 = tpu.memref_slice %arg11[%dma_start3A_1511] : memref<2x!tpu.dma_semaphore, #tpu.memory_space<semaphore_mem>> -> memref<1x!tpu.dma_semaphore, #tpu.memory_space<semaphore_mem>>
    %dma_start3A_1516 = tpu.memref_squeeze %dma_start3A_1515 : memref<1x!tpu.dma_semaphore, #tpu.memory_space<semaphore_mem>> -> memref<!tpu.dma_semaphore, #tpu.memory_space<semaphore_mem>>
    %dma_start3A_1517 = arith.constant 0 : i32
    %dma_start3A_1518 = tpu.memref_slice %arg9[%dma_start3A_1517] : memref<10000xi32, #tpu.memory_space<vmem>> -> memref<4992xi32, #tpu.memory_space<vmem>>
    %dma_start3A_1519 = tpu.memref_slice %arg4[%select_n3A_1502] : memref<6400000xi32, #tpu.memory_space<hbm>> -> memref<4992xi32, #tpu.memory_space<hbm>>
    tpu.enqueue_dma source(%dma_start3A_1519 : memref<4992xi32, #tpu.memory_space<hbm>>) target(%dma_start3A_1518 : memref<4992xi32, #tpu.memory_space<vmem>>) target_semaphore(%dma_start3A_1516 : memref<!tpu.dma_semaphore, #tpu.memory_space<semaphore_mem>>)
    %while3A = arith.constant 0 : i32
    %while3A_1520 = arith.constant 0 : i32
    %while3A_1521 = arith.subi %select_n3A_1495, %while3A_1520 : i32
    %while3A_1522 = arith.addi %while3A_1520, %while3A_1521 : i32
    %while3A_1523 = arith.constant 1 : i32
    %while3A_1524 = arith.divsi %while3A_1521, %while3A_1523 : i32
    %while3A_1525 = arith.muli %while3A_1524, %while3A_1523 : i32
    %while3A_1526 = arith.addi %while3A_1520, %while3A_1525 : i32
    %while3A_1527 = arith.constant 1 : i32
    scf.for %while3A_1548 = %while3A_1520 to %while3A_1526 step %while3A_1527  : i32 {
      %rem3A_1549 = arith.constant 2 : i32
      %rem3A_1550 = arith.remsi %while3A_1548, %rem3A_1549 : i32
      %mul3A_1551 = arith.constant 4992 : i32
      %mul3A_1552 = arith.muli %while3A_1548, %mul3A_1551 : i32
      %add3A_1553 = arith.addi %mul3A_1470, %mul3A_1552 : i32
      %mul3A_1554 = arith.constant 4992 : i32
      %mul3A_1555 = arith.muli %rem3A_1550, %mul3A_1554 : i32
      %dma_wait3A_1556 = tpu.memref_slice %arg8[%mul3A_1555] : memref<9984xi32, #tpu.memory_space<vmem>> -> memref<4992xi32, #tpu.memory_space<vmem>>
      %dma_wait3A_1557 = tpu.memref_slice %arg3[%add3A_1553] : memref<6400000xi32, #tpu.memory_space<hbm>> -> memref<4992xi32, #tpu.memory_space<hbm>>
      %dma_wait3A_1558 = tpu.memref_slice %arg11[%rem3A_1550] : memref<2x!tpu.dma_semaphore, #tpu.memory_space<semaphore_mem>> -> memref<1x!tpu.dma_semaphore, #tpu.memory_space<semaphore_mem>>
      %dma_wait3A_1559 = tpu.memref_squeeze %dma_wait3A_1558 : memref<1x!tpu.dma_semaphore, #tpu.memory_space<semaphore_mem>> -> memref<!tpu.dma_semaphore, #tpu.memory_space<semaphore_mem>>
      %dma_wait3A_1560 = tpu.memref_slice %arg8[%mul3A_1555] : memref<9984xi32, #tpu.memory_space<vmem>> -> memref<4992xi32, #tpu.memory_space<vmem>>
      %dma_wait3A_1561 = tpu.memref_slice %arg3[%add3A_1553] : memref<6400000xi32, #tpu.memory_space<hbm>> -> memref<4992xi32, #tpu.memory_space<hbm>>
      tpu.wait_dma2 semaphore(%dma_wait3A_1559 : memref<!tpu.dma_semaphore, #tpu.memory_space<semaphore_mem>>) src(%dma_wait3A_1561 : memref<4992xi32, #tpu.memory_space<hbm>>) dst(%dma_wait3A_1560 : memref<4992xi32, #tpu.memory_space<vmem>>)
      %dma_wait3A_1562 = tpu.memref_slice %arg9[%mul3A_1555] : memref<10000xi32, #tpu.memory_space<vmem>> -> memref<4992xi32, #tpu.memory_space<vmem>>
      %dma_wait3A_1563 = tpu.memref_slice %arg4[%add3A_1553] : memref<6400000xi32, #tpu.memory_space<hbm>> -> memref<4992xi32, #tpu.memory_space<hbm>>
      %dma_wait3A_1564 = tpu.memref_slice %arg11[%rem3A_1550] : memref<2x!tpu.dma_semaphore, #tpu.memory_space<semaphore_mem>> -> memref<1x!tpu.dma_semaphore, #tpu.memory_space<semaphore_mem>>
      %dma_wait3A_1565 = tpu.memref_squeeze %dma_wait3A_1564 : memref<1x!tpu.dma_semaphore, #tpu.memory_space<semaphore_mem>> -> memref<!tpu.dma_semaphore, #tpu.memory_space<semaphore_mem>>
      %dma_wait3A_1566 = tpu.memref_slice %arg9[%mul3A_1555] : memref<10000xi32, #tpu.memory_space<vmem>> -> memref<4992xi32, #tpu.memory_space<vmem>>
      %dma_wait3A_1567 = tpu.memref_slice %arg4[%add3A_1553] : memref<6400000xi32, #tpu.memory_space<hbm>> -> memref<4992xi32, #tpu.memory_space<hbm>>
      tpu.wait_dma2 semaphore(%dma_wait3A_1565 : memref<!tpu.dma_semaphore, #tpu.memory_space<semaphore_mem>>) src(%dma_wait3A_1567 : memref<4992xi32, #tpu.memory_space<hbm>>) dst(%dma_wait3A_1566 : memref<4992xi32, #tpu.memory_space<vmem>>)
      %add3A_1568 = arith.constant 1 : i32
      %add3A_1569 = arith.addi %while3A_1548, %add3A_1568 : i32
      %lt3A_1570 = arith.cmpi slt, %add3A_1569, %select_n3A_1495 : i32
      %add3A_1571 = arith.constant 1 : i32
      %add3A_1572 = arith.addi %while3A_1548, %add3A_1571 : i32
      %mul3A_1573 = arith.constant 4992 : i32
      %mul3A_1574 = arith.muli %add3A_1572, %mul3A_1573 : i32
      %add3A_1575 = arith.addi %mul3A_1470, %mul3A_1574 : i32
      %select_n3A_1576 = arith.select %lt3A_1570, %add3A_1575, %min3A_1500 : i32
      %sub3A_1577 = arith.constant 1 : i32
      %sub3A_1578 = arith.subi %sub3A_1577, %rem3A_1550 : i32
      %mul3A_1579 = arith.constant 4992 : i32
      %mul3A_1580 = arith.muli %sub3A_1578, %mul3A_1579 : i32
      %dma_start3A_1581 = tpu.memref_slice %arg8[%mul3A_1580] : memref<9984xi32, #tpu.memory_space<vmem>> -> memref<4992xi32, #tpu.memory_space<vmem>>
      %dma_start3A_1582 = tpu.memref_slice %arg3[%select_n3A_1576] : memref<6400000xi32, #tpu.memory_space<hbm>> -> memref<4992xi32, #tpu.memory_space<hbm>>
      %dma_start3A_1583 = tpu.memref_slice %arg11[%sub3A_1578] : memref<2x!tpu.dma_semaphore, #tpu.memory_space<semaphore_mem>> -> memref<1x!tpu.dma_semaphore, #tpu.memory_space<semaphore_mem>>
      %dma_start3A_1584 = tpu.memref_squeeze %dma_start3A_1583 : memref<1x!tpu.dma_semaphore, #tpu.memory_space<semaphore_mem>> -> memref<!tpu.dma_semaphore, #tpu.memory_space<semaphore_mem>>
      %dma_start3A_1585 = tpu.memref_slice %arg8[%mul3A_1580] : memref<9984xi32, #tpu.memory_space<vmem>> -> memref<4992xi32, #tpu.memory_space<vmem>>
      %dma_start3A_1586 = tpu.memref_slice %arg3[%select_n3A_1576] : memref<6400000xi32, #tpu.memory_space<hbm>> -> memref<4992xi32, #tpu.memory_space<hbm>>
      tpu.enqueue_dma source(%dma_start3A_1586 : memref<4992xi32, #tpu.memory_space<hbm>>) target(%dma_start3A_1585 : memref<4992xi32, #tpu.memory_space<vmem>>) target_semaphore(%dma_start3A_1584 : memref<!tpu.dma_semaphore, #tpu.memory_space<semaphore_mem>>)
      %dma_start3A_1587 = tpu.memref_slice %arg9[%mul3A_1580] : memref<10000xi32, #tpu.memory_space<vmem>> -> memref<4992xi32, #tpu.memory_space<vmem>>
      %dma_start3A_1588 = tpu.memref_slice %arg4[%select_n3A_1576] : memref<6400000xi32, #tpu.memory_space<hbm>> -> memref<4992xi32, #tpu.memory_space<hbm>>
      %dma_start3A_1589 = tpu.memref_slice %arg11[%sub3A_1578] : memref<2x!tpu.dma_semaphore, #tpu.memory_space<semaphore_mem>> -> memref<1x!tpu.dma_semaphore, #tpu.memory_space<semaphore_mem>>
      %dma_start3A_1590 = tpu.memref_squeeze %dma_start3A_1589 : memref<1x!tpu.dma_semaphore, #tpu.memory_space<semaphore_mem>> -> memref<!tpu.dma_semaphore, #tpu.memory_space<semaphore_mem>>
      %dma_start3A_1591 = tpu.memref_slice %arg9[%mul3A_1580] : memref<10000xi32, #tpu.memory_space<vmem>> -> memref<4992xi32, #tpu.memory_space<vmem>>
      %dma_start3A_1592 = tpu.memref_slice %arg4[%select_n3A_1576] : memref<6400000xi32, #tpu.memory_space<hbm>> -> memref<4992xi32, #tpu.memory_space<hbm>>
      tpu.enqueue_dma source(%dma_start3A_1592 : memref<4992xi32, #tpu.memory_space<hbm>>) target(%dma_start3A_1591 : memref<4992xi32, #tpu.memory_space<vmem>>) target_semaphore(%dma_start3A_1590 : memref<!tpu.dma_semaphore, #tpu.memory_space<semaphore_mem>>)
      %mul3A_1593 = arith.constant 4992 : i32
      %mul3A_1594 = arith.muli %rem3A_1550, %mul3A_1593 : i32
      %parallel_loop3A_1595 = arith.constant 0 : i32
      %parallel_loop3A_1596 = arith.constant 312 : i32
      %parallel_loop3A_1597 = arith.constant 1 : i32
      scf.for %parallel_loop3A_1598 = %parallel_loop3A_1595 to %parallel_loop3A_1596 step %parallel_loop3A_1597  : i32 {
        %parallel_loop3A_1599 = arith.constant 16 : i32
        %parallel_loop3A_1600 = arith.muli %parallel_loop3A_1598, %parallel_loop3A_1599 : i32
        %parallel_loop3A_1601 = arith.addi %mul3A_1594, %parallel_loop3A_1600 : i32
        %parallel_loop3A_1602 = arith.index_cast %parallel_loop3A_1601 : i32 to index
        %parallel_loop3A_1603 = tpu.vector_load %arg9[%parallel_loop3A_1602] {strides = array<i32>} : memref<10000xi32, #tpu.memory_space<vmem>>, vector<16xi32>,
        %parallel_loop3A_1604 = arith.constant 1 : i32
        %parallel_loop3A_1605 = arith.addi %parallel_loop3A_1601, %parallel_loop3A_1604 : i32
        %parallel_loop3A_1606 = arith.index_cast %parallel_loop3A_1605 : i32 to index
        %parallel_loop3A_1607 = tpu.vector_load %arg9[%parallel_loop3A_1606] {strides = array<i32>} : memref<10000xi32, #tpu.memory_space<vmem>>, vector<16xi32>,
        %parallel_loop3A_1608 = arith.index_cast %parallel_loop3A_1601 : i32 to index
        %parallel_loop3A_1609 = tpu.vector_load %arg8[%parallel_loop3A_1608] {strides = array<i32>} : memref<9984xi32, #tpu.memory_space<vmem>>, vector<16xi32>,
        %parallel_loop3A_1610 = tpu.vector_load_idx %arg6[%parallel_loop3A_1609] : memref<100000xf32, #tpu.memory_space<vmem>>[vector<16xi32>], vector<16xf32>,
        %parallel_loop3A_1611 = arith.constant 16 : i32
        %parallel_loop3A_1612 = arith.muli %parallel_loop3A_1598, %parallel_loop3A_1611 : i32
        %parallel_loop3A_1613 = arith.addi %add3A_1553, %parallel_loop3A_1612 : i32
        %parallel_loop3A_1614 = vector.broadcast %parallel_loop3A_1613 : i32 to vector<16xi32>
        %parallel_loop3A_1615 = arith.addi %parallel_loop3A_1614, %iota3A : vector<16xi32>
        %parallel_loop3A_1616 = vector.broadcast %add3A_720 : i32 to vector<16xi32>
        %parallel_loop3A_1617 = arith.cmpi sge, %parallel_loop3A_1615, %parallel_loop3A_1616 : vector<16xi32>
        %parallel_loop3A_1618 = vector.broadcast %add3A_1444 : i32 to vector<16xi32>
        %parallel_loop3A_1619 = arith.cmpi slt, %parallel_loop3A_1615, %parallel_loop3A_1618 : vector<16xi32>
        %parallel_loop3A_1620 = arith.andi %parallel_loop3A_1617, %parallel_loop3A_1619 : vector<16xi1>
        %parallel_loop3A_1621 = arith.constant 0.000000e+00 : f32
        %parallel_loop3A_1622 = vector.broadcast %parallel_loop3A_1621 : f32 to vector<16xf32>
        %parallel_loop3A_1623 = arith.select %parallel_loop3A_1620, %parallel_loop3A_1610, %parallel_loop3A_1622 : vector<16xi1>, vector<16xf32>
        %parallel_loop3A_1624 = arith.constant true
        %parallel_loop3A_1625 = vector.broadcast %parallel_loop3A_1624 : i1 to vector<16xi1>
        %parallel_loop3A_1626 = tpu.scan <sum>, %parallel_loop3A_1623 masked %parallel_loop3A_1625 : vector<16xf32>, vector<16xi1> -> vector<16xf32>
        %parallel_loop3A_1627 = arith.cmpi ne, %parallel_loop3A_1603, %parallel_loop3A_1607 : vector<16xi32>
        %parallel_loop3A_1628 = arith.constant 15 : i32
        %parallel_loop3A_1629 = vector.broadcast %parallel_loop3A_1628 : i32 to vector<16xi32>
        %parallel_loop3A_1630 = arith.cmpi eq, %iota3A, %parallel_loop3A_1629 : vector<16xi32>
        %parallel_loop3A_1631 = arith.ori %parallel_loop3A_1627, %parallel_loop3A_1630 : vector<16xi1>
        %parallel_loop3A_1632 = vector.broadcast %mul3A_2 : i32 to vector<16xi32>
        %parallel_loop3A_1633 = arith.subi %parallel_loop3A_1603, %parallel_loop3A_1632 : vector<16xi32>
        %parallel_loop3A_1634 = arith.constant 0 : i32
        %parallel_loop3A_1635 = arith.constant 3135 : i32
        %parallel_loop3A_1636 = vector.broadcast %parallel_loop3A_1634 : i32 to vector<16xi32>
        %parallel_loop3A_1637 = arith.maxsi %parallel_loop3A_1636, %parallel_loop3A_1633 : vector<16xi32>
        %parallel_loop3A_1638 = vector.broadcast %parallel_loop3A_1635 : i32 to vector<16xi32>
        %parallel_loop3A_1639 = arith.minsi %parallel_loop3A_1638, %parallel_loop3A_1637 : vector<16xi32>
        %parallel_loop3A_1640 = vector.broadcast %mul3A_2 : i32 to vector<16xi32>
        %parallel_loop3A_1641 = arith.subi %parallel_loop3A_1607, %parallel_loop3A_1640 : vector<16xi32>
        %parallel_loop3A_1642 = arith.constant 0 : i32
        %parallel_loop3A_1643 = arith.constant 3135 : i32
        %parallel_loop3A_1644 = vector.broadcast %parallel_loop3A_1642 : i32 to vector<16xi32>
        %parallel_loop3A_1645 = arith.maxsi %parallel_loop3A_1644, %parallel_loop3A_1641 : vector<16xi32>
        %parallel_loop3A_1646 = vector.broadcast %parallel_loop3A_1643 : i32 to vector<16xi32>
        %parallel_loop3A_1647 = arith.minsi %parallel_loop3A_1646, %parallel_loop3A_1645 : vector<16xi32>
        %parallel_loop3A_1648 = arith.andi %parallel_loop3A_1631, %parallel_loop3A_1620 : vector<16xi1>
        %parallel_loop3A_1649 = arith.constant 1 : i32
        %parallel_loop3A_1650 = arith.subi %add3A_720, %parallel_loop3A_1649 : i32
        %parallel_loop3A_1651 = vector.broadcast %parallel_loop3A_1650 : i32 to vector<16xi32>
        %parallel_loop3A_1652 = arith.cmpi sge, %parallel_loop3A_1615, %parallel_loop3A_1651 : vector<16xi32>
        %parallel_loop3A_1653 = arith.constant 1 : i32
        %parallel_loop3A_1654 = arith.subi %add3A_1444, %parallel_loop3A_1653 : i32
        %parallel_loop3A_1655 = vector.broadcast %parallel_loop3A_1654 : i32 to vector<16xi32>
        %parallel_loop3A_1656 = arith.cmpi slt, %parallel_loop3A_1615, %parallel_loop3A_1655 : vector<16xi32>
        %parallel_loop3A_1657 = arith.andi %parallel_loop3A_1652, %parallel_loop3A_1656 : vector<16xi1>
        %parallel_loop3A_1658 = arith.andi %parallel_loop3A_1631, %parallel_loop3A_1657 : vector<16xi1>
        %parallel_loop3A_1659 = arith.andi %parallel_loop3A_1658, %lt3A_4 : vector<16xi1>
        tpu.vector_store_idx %arg7[%parallel_loop3A_1639], %parallel_loop3A_1626 masked %parallel_loop3A_1648 {add = true} : memref<3136xf32, #tpu.memory_space<vmem>>[vector<16xi32>], vector<16xf32>, vector<16xi1>
        %parallel_loop3A_1660 = arith.constant 0.000000e+00 : f32
        %parallel_loop3A_1661 = vector.broadcast %parallel_loop3A_1660 : f32 to vector<16xf32>
        %parallel_loop3A_1662 = arith.subf %parallel_loop3A_1661, %parallel_loop3A_1626 : vector<16xf32>
        tpu.vector_store_idx %arg7[%parallel_loop3A_1647], %parallel_loop3A_1662 masked %parallel_loop3A_1659 {add = true} : memref<3136xf32, #tpu.memory_space<vmem>>[vector<16xi32>], vector<16xf32>, vector<16xi1>
      } {sc.loop_unroll_factor = 12 : i64, sc.parallel_access}
    }
    %while3A_1528 = arith.constant 1 : i32
    scf.for %while3A_1548 = %while3A_1526 to %while3A_1522 step %while3A_1528  : i32 {
      %rem3A_1549 = arith.constant 2 : i32
      %rem3A_1550 = arith.remsi %while3A_1548, %rem3A_1549 : i32
      %mul3A_1551 = arith.constant 4992 : i32
      %mul3A_1552 = arith.muli %while3A_1548, %mul3A_1551 : i32
      %add3A_1553 = arith.addi %mul3A_1470, %mul3A_1552 : i32
      %mul3A_1554 = arith.constant 4992 : i32
      %mul3A_1555 = arith.muli %rem3A_1550, %mul3A_1554 : i32
      %dma_wait3A_1556 = tpu.memref_slice %arg8[%mul3A_1555] : memref<9984xi32, #tpu.memory_space<vmem>> -> memref<4992xi32, #tpu.memory_space<vmem>>
      %dma_wait3A_1557 = tpu.memref_slice %arg3[%add3A_1553] : memref<6400000xi32, #tpu.memory_space<hbm>> -> memref<4992xi32, #tpu.memory_space<hbm>>
      %dma_wait3A_1558 = tpu.memref_slice %arg11[%rem3A_1550] : memref<2x!tpu.dma_semaphore, #tpu.memory_space<semaphore_mem>> -> memref<1x!tpu.dma_semaphore, #tpu.memory_space<semaphore_mem>>
      %dma_wait3A_1559 = tpu.memref_squeeze %dma_wait3A_1558 : memref<1x!tpu.dma_semaphore, #tpu.memory_space<semaphore_mem>> -> memref<!tpu.dma_semaphore, #tpu.memory_space<semaphore_mem>>
      %dma_wait3A_1560 = tpu.memref_slice %arg8[%mul3A_1555] : memref<9984xi32, #tpu.memory_space<vmem>> -> memref<4992xi32, #tpu.memory_space<vmem>>
      %dma_wait3A_1561 = tpu.memref_slice %arg3[%add3A_1553] : memref<6400000xi32, #tpu.memory_space<hbm>> -> memref<4992xi32, #tpu.memory_space<hbm>>
      tpu.wait_dma2 semaphore(%dma_wait3A_1559 : memref<!tpu.dma_semaphore, #tpu.memory_space<semaphore_mem>>) src(%dma_wait3A_1561 : memref<4992xi32, #tpu.memory_space<hbm>>) dst(%dma_wait3A_1560 : memref<4992xi32, #tpu.memory_space<vmem>>)
      %dma_wait3A_1562 = tpu.memref_slice %arg9[%mul3A_1555] : memref<10000xi32, #tpu.memory_space<vmem>> -> memref<4992xi32, #tpu.memory_space<vmem>>
      %dma_wait3A_1563 = tpu.memref_slice %arg4[%add3A_1553] : memref<6400000xi32, #tpu.memory_space<hbm>> -> memref<4992xi32, #tpu.memory_space<hbm>>
      %dma_wait3A_1564 = tpu.memref_slice %arg11[%rem3A_1550] : memref<2x!tpu.dma_semaphore, #tpu.memory_space<semaphore_mem>> -> memref<1x!tpu.dma_semaphore, #tpu.memory_space<semaphore_mem>>
      %dma_wait3A_1565 = tpu.memref_squeeze %dma_wait3A_1564 : memref<1x!tpu.dma_semaphore, #tpu.memory_space<semaphore_mem>> -> memref<!tpu.dma_semaphore, #tpu.memory_space<semaphore_mem>>
      %dma_wait3A_1566 = tpu.memref_slice %arg9[%mul3A_1555] : memref<10000xi32, #tpu.memory_space<vmem>> -> memref<4992xi32, #tpu.memory_space<vmem>>
      %dma_wait3A_1567 = tpu.memref_slice %arg4[%add3A_1553] : memref<6400000xi32, #tpu.memory_space<hbm>> -> memref<4992xi32, #tpu.memory_space<hbm>>
      tpu.wait_dma2 semaphore(%dma_wait3A_1565 : memref<!tpu.dma_semaphore, #tpu.memory_space<semaphore_mem>>) src(%dma_wait3A_1567 : memref<4992xi32, #tpu.memory_space<hbm>>) dst(%dma_wait3A_1566 : memref<4992xi32, #tpu.memory_space<vmem>>)
      %add3A_1568 = arith.constant 1 : i32
      %add3A_1569 = arith.addi %while3A_1548, %add3A_1568 : i32
      %lt3A_1570 = arith.cmpi slt, %add3A_1569, %select_n3A_1495 : i32
      %add3A_1571 = arith.constant 1 : i32
      %add3A_1572 = arith.addi %while3A_1548, %add3A_1571 : i32
      %mul3A_1573 = arith.constant 4992 : i32
      %mul3A_1574 = arith.muli %add3A_1572, %mul3A_1573 : i32
      %add3A_1575 = arith.addi %mul3A_1470, %mul3A_1574 : i32
      %select_n3A_1576 = arith.select %lt3A_1570, %add3A_1575, %min3A_1500 : i32
      %sub3A_1577 = arith.constant 1 : i32
      %sub3A_1578 = arith.subi %sub3A_1577, %rem3A_1550 : i32
      %mul3A_1579 = arith.constant 4992 : i32
      %mul3A_1580 = arith.muli %sub3A_1578, %mul3A_1579 : i32
      %dma_start3A_1581 = tpu.memref_slice %arg8[%mul3A_1580] : memref<9984xi32, #tpu.memory_space<vmem>> -> memref<4992xi32, #tpu.memory_space<vmem>>
      %dma_start3A_1582 = tpu.memref_slice %arg3[%select_n3A_1576] : memref<6400000xi32, #tpu.memory_space<hbm>> -> memref<4992xi32, #tpu.memory_space<hbm>>
      %dma_start3A_1583 = tpu.memref_slice %arg11[%sub3A_1578] : memref<2x!tpu.dma_semaphore, #tpu.memory_space<semaphore_mem>> -> memref<1x!tpu.dma_semaphore, #tpu.memory_space<semaphore_mem>>
      %dma_start3A_1584 = tpu.memref_squeeze %dma_start3A_1583 : memref<1x!tpu.dma_semaphore, #tpu.memory_space<semaphore_mem>> -> memref<!tpu.dma_semaphore, #tpu.memory_space<semaphore_mem>>
      %dma_start3A_1585 = tpu.memref_slice %arg8[%mul3A_1580] : memref<9984xi32, #tpu.memory_space<vmem>> -> memref<4992xi32, #tpu.memory_space<vmem>>
      %dma_start3A_1586 = tpu.memref_slice %arg3[%select_n3A_1576] : memref<6400000xi32, #tpu.memory_space<hbm>> -> memref<4992xi32, #tpu.memory_space<hbm>>
      tpu.enqueue_dma source(%dma_start3A_1586 : memref<4992xi32, #tpu.memory_space<hbm>>) target(%dma_start3A_1585 : memref<4992xi32, #tpu.memory_space<vmem>>) target_semaphore(%dma_start3A_1584 : memref<!tpu.dma_semaphore, #tpu.memory_space<semaphore_mem>>)
      %dma_start3A_1587 = tpu.memref_slice %arg9[%mul3A_1580] : memref<10000xi32, #tpu.memory_space<vmem>> -> memref<4992xi32, #tpu.memory_space<vmem>>
      %dma_start3A_1588 = tpu.memref_slice %arg4[%select_n3A_1576] : memref<6400000xi32, #tpu.memory_space<hbm>> -> memref<4992xi32, #tpu.memory_space<hbm>>
      %dma_start3A_1589 = tpu.memref_slice %arg11[%sub3A_1578] : memref<2x!tpu.dma_semaphore, #tpu.memory_space<semaphore_mem>> -> memref<1x!tpu.dma_semaphore, #tpu.memory_space<semaphore_mem>>
      %dma_start3A_1590 = tpu.memref_squeeze %dma_start3A_1589 : memref<1x!tpu.dma_semaphore, #tpu.memory_space<semaphore_mem>> -> memref<!tpu.dma_semaphore, #tpu.memory_space<semaphore_mem>>
      %dma_start3A_1591 = tpu.memref_slice %arg9[%mul3A_1580] : memref<10000xi32, #tpu.memory_space<vmem>> -> memref<4992xi32, #tpu.memory_space<vmem>>
      %dma_start3A_1592 = tpu.memref_slice %arg4[%select_n3A_1576] : memref<6400000xi32, #tpu.memory_space<hbm>> -> memref<4992xi32, #tpu.memory_space<hbm>>
      tpu.enqueue_dma source(%dma_start3A_1592 : memref<4992xi32, #tpu.memory_space<hbm>>) target(%dma_start3A_1591 : memref<4992xi32, #tpu.memory_space<vmem>>) target_semaphore(%dma_start3A_1590 : memref<!tpu.dma_semaphore, #tpu.memory_space<semaphore_mem>>)
      %mul3A_1593 = arith.constant 4992 : i32
      %mul3A_1594 = arith.muli %rem3A_1550, %mul3A_1593 : i32
      %parallel_loop3A_1595 = arith.constant 0 : i32
      %parallel_loop3A_1596 = arith.constant 312 : i32
      %parallel_loop3A_1597 = arith.constant 1 : i32
      scf.for %parallel_loop3A_1598 = %parallel_loop3A_1595 to %parallel_loop3A_1596 step %parallel_loop3A_1597  : i32 {
        %parallel_loop3A_1599 = arith.constant 16 : i32
        %parallel_loop3A_1600 = arith.muli %parallel_loop3A_1598, %parallel_loop3A_1599 : i32
        %parallel_loop3A_1601 = arith.addi %mul3A_1594, %parallel_loop3A_1600 : i32
        %parallel_loop3A_1602 = arith.index_cast %parallel_loop3A_1601 : i32 to index
        %parallel_loop3A_1603 = tpu.vector_load %arg9[%parallel_loop3A_1602] {strides = array<i32>} : memref<10000xi32, #tpu.memory_space<vmem>>, vector<16xi32>,
        %parallel_loop3A_1604 = arith.constant 1 : i32
        %parallel_loop3A_1605 = arith.addi %parallel_loop3A_1601, %parallel_loop3A_1604 : i32
        %parallel_loop3A_1606 = arith.index_cast %parallel_loop3A_1605 : i32 to index
        %parallel_loop3A_1607 = tpu.vector_load %arg9[%parallel_loop3A_1606] {strides = array<i32>} : memref<10000xi32, #tpu.memory_space<vmem>>, vector<16xi32>,
        %parallel_loop3A_1608 = arith.index_cast %parallel_loop3A_1601 : i32 to index
        %parallel_loop3A_1609 = tpu.vector_load %arg8[%parallel_loop3A_1608] {strides = array<i32>} : memref<9984xi32, #tpu.memory_space<vmem>>, vector<16xi32>,
        %parallel_loop3A_1610 = tpu.vector_load_idx %arg6[%parallel_loop3A_1609] : memref<100000xf32, #tpu.memory_space<vmem>>[vector<16xi32>], vector<16xf32>,
        %parallel_loop3A_1611 = arith.constant 16 : i32
        %parallel_loop3A_1612 = arith.muli %parallel_loop3A_1598, %parallel_loop3A_1611 : i32
        %parallel_loop3A_1613 = arith.addi %add3A_1553, %parallel_loop3A_1612 : i32
        %parallel_loop3A_1614 = vector.broadcast %parallel_loop3A_1613 : i32 to vector<16xi32>
        %parallel_loop3A_1615 = arith.addi %parallel_loop3A_1614, %iota3A : vector<16xi32>
        %parallel_loop3A_1616 = vector.broadcast %add3A_720 : i32 to vector<16xi32>
        %parallel_loop3A_1617 = arith.cmpi sge, %parallel_loop3A_1615, %parallel_loop3A_1616 : vector<16xi32>
        %parallel_loop3A_1618 = vector.broadcast %add3A_1444 : i32 to vector<16xi32>
        %parallel_loop3A_1619 = arith.cmpi slt, %parallel_loop3A_1615, %parallel_loop3A_1618 : vector<16xi32>
        %parallel_loop3A_1620 = arith.andi %parallel_loop3A_1617, %parallel_loop3A_1619 : vector<16xi1>
        %parallel_loop3A_1621 = arith.constant 0.000000e+00 : f32
        %parallel_loop3A_1622 = vector.broadcast %parallel_loop3A_1621 : f32 to vector<16xf32>
        %parallel_loop3A_1623 = arith.select %parallel_loop3A_1620, %parallel_loop3A_1610, %parallel_loop3A_1622 : vector<16xi1>, vector<16xf32>
        %parallel_loop3A_1624 = arith.constant true
        %parallel_loop3A_1625 = vector.broadcast %parallel_loop3A_1624 : i1 to vector<16xi1>
        %parallel_loop3A_1626 = tpu.scan <sum>, %parallel_loop3A_1623 masked %parallel_loop3A_1625 : vector<16xf32>, vector<16xi1> -> vector<16xf32>
        %parallel_loop3A_1627 = arith.cmpi ne, %parallel_loop3A_1603, %parallel_loop3A_1607 : vector<16xi32>
        %parallel_loop3A_1628 = arith.constant 15 : i32
        %parallel_loop3A_1629 = vector.broadcast %parallel_loop3A_1628 : i32 to vector<16xi32>
        %parallel_loop3A_1630 = arith.cmpi eq, %iota3A, %parallel_loop3A_1629 : vector<16xi32>
        %parallel_loop3A_1631 = arith.ori %parallel_loop3A_1627, %parallel_loop3A_1630 : vector<16xi1>
        %parallel_loop3A_1632 = vector.broadcast %mul3A_2 : i32 to vector<16xi32>
        %parallel_loop3A_1633 = arith.subi %parallel_loop3A_1603, %parallel_loop3A_1632 : vector<16xi32>
        %parallel_loop3A_1634 = arith.constant 0 : i32
        %parallel_loop3A_1635 = arith.constant 3135 : i32
        %parallel_loop3A_1636 = vector.broadcast %parallel_loop3A_1634 : i32 to vector<16xi32>
        %parallel_loop3A_1637 = arith.maxsi %parallel_loop3A_1636, %parallel_loop3A_1633 : vector<16xi32>
        %parallel_loop3A_1638 = vector.broadcast %parallel_loop3A_1635 : i32 to vector<16xi32>
        %parallel_loop3A_1639 = arith.minsi %parallel_loop3A_1638, %parallel_loop3A_1637 : vector<16xi32>
        %parallel_loop3A_1640 = vector.broadcast %mul3A_2 : i32 to vector<16xi32>
        %parallel_loop3A_1641 = arith.subi %parallel_loop3A_1607, %parallel_loop3A_1640 : vector<16xi32>
        %parallel_loop3A_1642 = arith.constant 0 : i32
        %parallel_loop3A_1643 = arith.constant 3135 : i32
        %parallel_loop3A_1644 = vector.broadcast %parallel_loop3A_1642 : i32 to vector<16xi32>
        %parallel_loop3A_1645 = arith.maxsi %parallel_loop3A_1644, %parallel_loop3A_1641 : vector<16xi32>
        %parallel_loop3A_1646 = vector.broadcast %parallel_loop3A_1643 : i32 to vector<16xi32>
        %parallel_loop3A_1647 = arith.minsi %parallel_loop3A_1646, %parallel_loop3A_1645 : vector<16xi32>
        %parallel_loop3A_1648 = arith.andi %parallel_loop3A_1631, %parallel_loop3A_1620 : vector<16xi1>
        %parallel_loop3A_1649 = arith.constant 1 : i32
        %parallel_loop3A_1650 = arith.subi %add3A_720, %parallel_loop3A_1649 : i32
        %parallel_loop3A_1651 = vector.broadcast %parallel_loop3A_1650 : i32 to vector<16xi32>
        %parallel_loop3A_1652 = arith.cmpi sge, %parallel_loop3A_1615, %parallel_loop3A_1651 : vector<16xi32>
        %parallel_loop3A_1653 = arith.constant 1 : i32
        %parallel_loop3A_1654 = arith.subi %add3A_1444, %parallel_loop3A_1653 : i32
        %parallel_loop3A_1655 = vector.broadcast %parallel_loop3A_1654 : i32 to vector<16xi32>
        %parallel_loop3A_1656 = arith.cmpi slt, %parallel_loop3A_1615, %parallel_loop3A_1655 : vector<16xi32>
        %parallel_loop3A_1657 = arith.andi %parallel_loop3A_1652, %parallel_loop3A_1656 : vector<16xi1>
        %parallel_loop3A_1658 = arith.andi %parallel_loop3A_1631, %parallel_loop3A_1657 : vector<16xi1>
        %parallel_loop3A_1659 = arith.andi %parallel_loop3A_1658, %lt3A_4 : vector<16xi1>
        tpu.vector_store_idx %arg7[%parallel_loop3A_1639], %parallel_loop3A_1626 masked %parallel_loop3A_1648 {add = true} : memref<3136xf32, #tpu.memory_space<vmem>>[vector<16xi32>], vector<16xf32>, vector<16xi1>
        %parallel_loop3A_1660 = arith.constant 0.000000e+00 : f32
        %parallel_loop3A_1661 = vector.broadcast %parallel_loop3A_1660 : f32 to vector<16xf32>
        %parallel_loop3A_1662 = arith.subf %parallel_loop3A_1661, %parallel_loop3A_1626 : vector<16xf32>
        tpu.vector_store_idx %arg7[%parallel_loop3A_1647], %parallel_loop3A_1662 masked %parallel_loop3A_1659 {add = true} : memref<3136xf32, #tpu.memory_space<vmem>>[vector<16xi32>], vector<16xf32>, vector<16xi1>
      } {sc.loop_unroll_factor = 12 : i64, sc.parallel_access}
    }
    %rem3A_1529 = arith.constant 2 : i32
    %rem3A_1530 = arith.remsi %select_n3A_1495, %rem3A_1529 : i32
    %mul3A_1531 = arith.constant 4992 : i32
    %mul3A_1532 = arith.muli %rem3A_1530, %mul3A_1531 : i32
    %dma_wait3A = tpu.memref_slice %arg8[%mul3A_1532] : memref<9984xi32, #tpu.memory_space<vmem>> -> memref<4992xi32, #tpu.memory_space<vmem>>
    %dma_wait3A_1533 = tpu.memref_slice %arg3[%min3A_1500] : memref<6400000xi32, #tpu.memory_space<hbm>> -> memref<4992xi32, #tpu.memory_space<hbm>>
    %dma_wait3A_1534 = tpu.memref_slice %arg11[%rem3A_1530] : memref<2x!tpu.dma_semaphore, #tpu.memory_space<semaphore_mem>> -> memref<1x!tpu.dma_semaphore, #tpu.memory_space<semaphore_mem>>
    %dma_wait3A_1535 = tpu.memref_squeeze %dma_wait3A_1534 : memref<1x!tpu.dma_semaphore, #tpu.memory_space<semaphore_mem>> -> memref<!tpu.dma_semaphore, #tpu.memory_space<semaphore_mem>>
    %dma_wait3A_1536 = tpu.memref_slice %arg8[%mul3A_1532] : memref<9984xi32, #tpu.memory_space<vmem>> -> memref<4992xi32, #tpu.memory_space<vmem>>
    %dma_wait3A_1537 = tpu.memref_slice %arg3[%min3A_1500] : memref<6400000xi32, #tpu.memory_space<hbm>> -> memref<4992xi32, #tpu.memory_space<hbm>>
    tpu.wait_dma2 semaphore(%dma_wait3A_1535 : memref<!tpu.dma_semaphore, #tpu.memory_space<semaphore_mem>>) src(%dma_wait3A_1537 : memref<4992xi32, #tpu.memory_space<hbm>>) dst(%dma_wait3A_1536 : memref<4992xi32, #tpu.memory_space<vmem>>)
    %dma_wait3A_1538 = tpu.memref_slice %arg9[%mul3A_1532] : memref<10000xi32, #tpu.memory_space<vmem>> -> memref<4992xi32, #tpu.memory_space<vmem>>
    %dma_wait3A_1539 = tpu.memref_slice %arg4[%min3A_1500] : memref<6400000xi32, #tpu.memory_space<hbm>> -> memref<4992xi32, #tpu.memory_space<hbm>>
    %dma_wait3A_1540 = tpu.memref_slice %arg11[%rem3A_1530] : memref<2x!tpu.dma_semaphore, #tpu.memory_space<semaphore_mem>> -> memref<1x!tpu.dma_semaphore, #tpu.memory_space<semaphore_mem>>
    %dma_wait3A_1541 = tpu.memref_squeeze %dma_wait3A_1540 : memref<1x!tpu.dma_semaphore, #tpu.memory_space<semaphore_mem>> -> memref<!tpu.dma_semaphore, #tpu.memory_space<semaphore_mem>>
    %dma_wait3A_1542 = tpu.memref_slice %arg9[%mul3A_1532] : memref<10000xi32, #tpu.memory_space<vmem>> -> memref<4992xi32, #tpu.memory_space<vmem>>
    %dma_wait3A_1543 = tpu.memref_slice %arg4[%min3A_1500] : memref<6400000xi32, #tpu.memory_space<hbm>> -> memref<4992xi32, #tpu.memory_space<hbm>>
    tpu.wait_dma2 semaphore(%dma_wait3A_1541 : memref<!tpu.dma_semaphore, #tpu.memory_space<semaphore_mem>>) src(%dma_wait3A_1543 : memref<4992xi32, #tpu.memory_space<hbm>>) dst(%dma_wait3A_1542 : memref<4992xi32, #tpu.memory_space<vmem>>)
    %max3A = arith.maxsi %add3A_1498, %add3A_720 : i32
    %mul3A_1544 = arith.constant 4992 : i32
    %mul3A_1545 = arith.muli %rem3A_1530, %mul3A_1544 : i32
    %parallel_loop3A = arith.constant 0 : i32
    %parallel_loop3A_1546 = arith.constant 312 : i32
    %parallel_loop3A_1547 = arith.constant 1 : i32
    scf.for %parallel_loop3A_1548 = %parallel_loop3A to %parallel_loop3A_1546 step %parallel_loop3A_1547  : i32 {
      %parallel_loop3A_1549 = arith.constant 16 : i32
      %parallel_loop3A_1550 = arith.muli %parallel_loop3A_1548, %parallel_loop3A_1549 : i32
      %parallel_loop3A_1551 = arith.addi %mul3A_1545, %parallel_loop3A_1550 : i32
      %parallel_loop3A_1552 = arith.index_cast %parallel_loop3A_1551 : i32 to index
      %parallel_loop3A_1553 = tpu.vector_load %arg9[%parallel_loop3A_1552] {strides = array<i32>} : memref<10000xi32, #tpu.memory_space<vmem>>, vector<16xi32>,
      %parallel_loop3A_1554 = arith.constant 1 : i32
      %parallel_loop3A_1555 = arith.addi %parallel_loop3A_1551, %parallel_loop3A_1554 : i32
      %parallel_loop3A_1556 = arith.index_cast %parallel_loop3A_1555 : i32 to index
      %parallel_loop3A_1557 = tpu.vector_load %arg9[%parallel_loop3A_1556] {strides = array<i32>} : memref<10000xi32, #tpu.memory_space<vmem>>, vector<16xi32>,
      %parallel_loop3A_1558 = arith.index_cast %parallel_loop3A_1551 : i32 to index
      %parallel_loop3A_1559 = tpu.vector_load %arg8[%parallel_loop3A_1558] {strides = array<i32>} : memref<9984xi32, #tpu.memory_space<vmem>>, vector<16xi32>,
      %parallel_loop3A_1560 = tpu.vector_load_idx %arg6[%parallel_loop3A_1559] : memref<100000xf32, #tpu.memory_space<vmem>>[vector<16xi32>], vector<16xf32>,
      %parallel_loop3A_1561 = arith.constant 16 : i32
      %parallel_loop3A_1562 = arith.muli %parallel_loop3A_1548, %parallel_loop3A_1561 : i32
      %parallel_loop3A_1563 = arith.addi %min3A_1500, %parallel_loop3A_1562 : i32
      %parallel_loop3A_1564 = vector.broadcast %parallel_loop3A_1563 : i32 to vector<16xi32>
      %parallel_loop3A_1565 = arith.addi %parallel_loop3A_1564, %iota3A : vector<16xi32>
      %parallel_loop3A_1566 = vector.broadcast %max3A : i32 to vector<16xi32>
      %parallel_loop3A_1567 = arith.cmpi sge, %parallel_loop3A_1565, %parallel_loop3A_1566 : vector<16xi32>
      %parallel_loop3A_1568 = vector.broadcast %add3A_1444 : i32 to vector<16xi32>
      %parallel_loop3A_1569 = arith.cmpi slt, %parallel_loop3A_1565, %parallel_loop3A_1568 : vector<16xi32>
      %parallel_loop3A_1570 = arith.andi %parallel_loop3A_1567, %parallel_loop3A_1569 : vector<16xi1>
      %parallel_loop3A_1571 = arith.constant 0.000000e+00 : f32
      %parallel_loop3A_1572 = vector.broadcast %parallel_loop3A_1571 : f32 to vector<16xf32>
      %parallel_loop3A_1573 = arith.select %parallel_loop3A_1570, %parallel_loop3A_1560, %parallel_loop3A_1572 : vector<16xi1>, vector<16xf32>
      %parallel_loop3A_1574 = arith.constant true
      %parallel_loop3A_1575 = vector.broadcast %parallel_loop3A_1574 : i1 to vector<16xi1>
      %parallel_loop3A_1576 = tpu.scan <sum>, %parallel_loop3A_1573 masked %parallel_loop3A_1575 : vector<16xf32>, vector<16xi1> -> vector<16xf32>
      %parallel_loop3A_1577 = arith.cmpi ne, %parallel_loop3A_1553, %parallel_loop3A_1557 : vector<16xi32>
      %parallel_loop3A_1578 = arith.constant 15 : i32
      %parallel_loop3A_1579 = vector.broadcast %parallel_loop3A_1578 : i32 to vector<16xi32>
      %parallel_loop3A_1580 = arith.cmpi eq, %iota3A, %parallel_loop3A_1579 : vector<16xi32>
      %parallel_loop3A_1581 = arith.ori %parallel_loop3A_1577, %parallel_loop3A_1580 : vector<16xi1>
      %parallel_loop3A_1582 = vector.broadcast %mul3A_2 : i32 to vector<16xi32>
      %parallel_loop3A_1583 = arith.subi %parallel_loop3A_1553, %parallel_loop3A_1582 : vector<16xi32>
      %parallel_loop3A_1584 = arith.constant 0 : i32
      %parallel_loop3A_1585 = arith.constant 3135 : i32
      %parallel_loop3A_1586 = vector.broadcast %parallel_loop3A_1584 : i32 to vector<16xi32>
      %parallel_loop3A_1587 = arith.maxsi %parallel_loop3A_1586, %parallel_loop3A_1583 : vector<16xi32>
      %parallel_loop3A_1588 = vector.broadcast %parallel_loop3A_1585 : i32 to vector<16xi32>
      %parallel_loop3A_1589 = arith.minsi %parallel_loop3A_1588, %parallel_loop3A_1587 : vector<16xi32>
      %parallel_loop3A_1590 = vector.broadcast %mul3A_2 : i32 to vector<16xi32>
      %parallel_loop3A_1591 = arith.subi %parallel_loop3A_1557, %parallel_loop3A_1590 : vector<16xi32>
      %parallel_loop3A_1592 = arith.constant 0 : i32
      %parallel_loop3A_1593 = arith.constant 3135 : i32
      %parallel_loop3A_1594 = vector.broadcast %parallel_loop3A_1592 : i32 to vector<16xi32>
      %parallel_loop3A_1595 = arith.maxsi %parallel_loop3A_1594, %parallel_loop3A_1591 : vector<16xi32>
      %parallel_loop3A_1596 = vector.broadcast %parallel_loop3A_1593 : i32 to vector<16xi32>
      %parallel_loop3A_1597 = arith.minsi %parallel_loop3A_1596, %parallel_loop3A_1595 : vector<16xi32>
      %parallel_loop3A_1598 = arith.andi %parallel_loop3A_1581, %parallel_loop3A_1570 : vector<16xi1>
      %parallel_loop3A_1599 = arith.constant 1 : i32
      %parallel_loop3A_1600 = arith.subi %max3A, %parallel_loop3A_1599 : i32
      %parallel_loop3A_1601 = vector.broadcast %parallel_loop3A_1600 : i32 to vector<16xi32>
      %parallel_loop3A_1602 = arith.cmpi sge, %parallel_loop3A_1565, %parallel_loop3A_1601 : vector<16xi32>
      %parallel_loop3A_1603 = arith.constant 1 : i32
      %parallel_loop3A_1604 = arith.subi %add3A_1444, %parallel_loop3A_1603 : i32
      %parallel_loop3A_1605 = vector.broadcast %parallel_loop3A_1604 : i32 to vector<16xi32>
      %parallel_loop3A_1606 = arith.cmpi slt, %parallel_loop3A_1565, %parallel_loop3A_1605 : vector<16xi32>
      %parallel_loop3A_1607 = arith.andi %parallel_loop3A_1602, %parallel_loop3A_1606 : vector<16xi1>
      %parallel_loop3A_1608 = arith.andi %parallel_loop3A_1581, %parallel_loop3A_1607 : vector<16xi1>
      %parallel_loop3A_1609 = arith.andi %parallel_loop3A_1608, %lt3A_4 : vector<16xi1>
      tpu.vector_store_idx %arg7[%parallel_loop3A_1589], %parallel_loop3A_1576 masked %parallel_loop3A_1598 {add = true} : memref<3136xf32, #tpu.memory_space<vmem>>[vector<16xi32>], vector<16xf32>, vector<16xi1>
      %parallel_loop3A_1610 = arith.constant 0.000000e+00 : f32
      %parallel_loop3A_1611 = vector.broadcast %parallel_loop3A_1610 : f32 to vector<16xf32>
      %parallel_loop3A_1612 = arith.subf %parallel_loop3A_1611, %parallel_loop3A_1576 : vector<16xf32>
      tpu.vector_store_idx %arg7[%parallel_loop3A_1597], %parallel_loop3A_1612 masked %parallel_loop3A_1609 {add = true} : memref<3136xf32, #tpu.memory_space<vmem>>[vector<16xi32>], vector<16xf32>, vector<16xi1>
    } {sc.loop_unroll_factor = 12 : i64, sc.parallel_access}
    "tpu.region"() ({
      %run_scoped3A = tpu.sem_alloc : memref<!tpu.dma_semaphore, #tpu.memory_space<semaphore_mem>>
      %dma_start3A_1548 = arith.constant 0 : i32
      %dma_start3A_1549 = tpu.memref_slice %arg7[%dma_start3A_1548] : memref<3136xf32, #tpu.memory_space<vmem>> -> memref<3128xf32, #tpu.memory_space<vmem>>
      %dma_start3A_1550 = tpu.memref_slice %arg5[%mul3A_2] : memref<100096xf32, #tpu.memory_space<hbm>> -> memref<3128xf32, #tpu.memory_space<hbm>>
      %dma_start3A_1551 = tpu.memref_slice %arg5[%mul3A_2] : memref<100096xf32, #tpu.memory_space<hbm>> -> memref<3128xf32, #tpu.memory_space<hbm>>
      %dma_start3A_1552 = arith.constant 0 : i32
      %dma_start3A_1553 = tpu.memref_slice %arg7[%dma_start3A_1552] : memref<3136xf32, #tpu.memory_space<vmem>> -> memref<3128xf32, #tpu.memory_space<vmem>>
      tpu.enqueue_dma source(%dma_start3A_1553 : memref<3128xf32, #tpu.memory_space<vmem>>) target(%dma_start3A_1551 : memref<3128xf32, #tpu.memory_space<hbm>>) target_semaphore(%run_scoped3A : memref<!tpu.dma_semaphore, #tpu.memory_space<semaphore_mem>>)
      %dma_wait3A_1554 = arith.constant 0 : i32
      %dma_wait3A_1555 = tpu.memref_slice %arg7[%dma_wait3A_1554] : memref<3136xf32, #tpu.memory_space<vmem>> -> memref<3128xf32, #tpu.memory_space<vmem>>
      %dma_wait3A_1556 = tpu.memref_slice %arg5[%mul3A_2] : memref<100096xf32, #tpu.memory_space<hbm>> -> memref<3128xf32, #tpu.memory_space<hbm>>
      %dma_wait3A_1557 = tpu.memref_slice %arg5[%mul3A_2] : memref<100096xf32, #tpu.memory_space<hbm>> -> memref<3128xf32, #tpu.memory_space<hbm>>
      %dma_wait3A_1558 = arith.constant 0 : i32
      %dma_wait3A_1559 = tpu.memref_slice %arg7[%dma_wait3A_1558] : memref<3136xf32, #tpu.memory_space<vmem>> -> memref<3128xf32, #tpu.memory_space<vmem>>
      tpu.wait_dma2 semaphore(%run_scoped3A : memref<!tpu.dma_semaphore, #tpu.memory_space<semaphore_mem>>) src(%dma_wait3A_1559 : memref<3128xf32, #tpu.memory_space<vmem>>) dst(%dma_wait3A_1557 : memref<3128xf32, #tpu.memory_space<hbm>>)
      tpu.yield
    }) : () -> ()
    return
  }
}

</mosaic_0001>

<sc_bundles>
// kernel: kernel.3.cloned.1.call-start
scs
__scs_entry_jumppad:
0x0: {  	(pc) =	sbr.rel $0x88, $3  }
0x1: {  	(tag) =	ssettag $0x0;
	lr =	simm.s32 $0x1  }
0x2: {  	[smem:$0x3F9E] =	sst lr;
	_ =	strace $0xD0000000  }
0x3: {  	_ = 	snop  }
0x4: {  	_ = 	snop  }
0x5: {  	_ = 	snop  }
0x6: {  	_ = 	snop  }
0x7: {  	_ = 	snop  }
__scs_overlays_trampoline_lowered:
0x8: {  	[smem:$0x3FAD] =	sst s0  }
0x9: {  	[smem:$0x3FAE] =	sst s1  }
0xa: {  	[smem:$0x3FAF] =	sst s2  }
0xb: {  	[smem:$0x3FB0] =	sst s3  }
0xc: {  	[smem:$0x3FB1] =	sst s4  }
0xd: {  	[smem:$0x3FB2] =	sst s5  }
0xe: {  	[smem:$0x3FB3] =	sst s6  }
0xf: {  	[smem:$0x3FB4] =	sst s7  }
0x10: {  	[smem:$0x3FB5] =	sst s8  }
0x11: {  	[smem:$0x3FB6] =	sst s9;
	s0 =	simm.s32 @!p0 $0x0  }
0x12: {  	s1 =	sld [smem:$0x3F9C];
	s0 =	simm.s32 @p0 $0x1  }
0x13: {  	[smem:$0x3FB7] =	sst s0;
	s0 =	simm.s32 @!p1 $0x0  }
0x14: {  	s2 =	sld [smem:$0x3F9B];
	s0 =	simm.s32 @p1 $0x1  }
0x15: {  	[smem:$0x3FB8] =	sst s0;
	s0 =	simm.s32 @!p2 $0x0  }
0x16: {  	s3 =	sld [smem:$0x3FDB];
	s0 =	simm.s32 @p2 $0x1  }
0x17: {  	s4 =	simm.s32 $0x1BF5;
	[smem:$0x3FBA] =	sst s0  }
0x18: {  	s0 =	sld [smem:$0x3F9D];
	_ =	swait.ge [sflag:s4], $0x0  }
0x19: {  	s7 =	sld [smem:$0x3F9E]  }
0x1a: {  	s8 =	sadd.s32 $0xFFFFE003, lr  }
0x1b: {  	s9 =	sadd.s32 $0xFFFFFEF7, lr;
	s5 =	simm.s32 $0xFFFFFFFF;
	p2 =	slt.u32 s8, $0xFFFFF086  }
0x1c: {  	p1 =	slt.u32 s9, $0xF7A;
	s5 =	simm.s32 @!p2 $0x0  }
0x1d: {  	s5 =	simm.s32 @p1 $0x1;
	p0 =	seq.s32 s7, s2  }
0x1e: {  	s7 =	smul.u32 @!p0 $0xF7A, s2;
	p2 =	seq.s32 @!p0 s5, $0x0  }
0x1f: {  	s9 =	smul.u32 $0xF7A, s1;
	s8 =	simm.s32 @!p0 $0x1BF5;
	p2 =	por !p2, p0  }
0x20: {  	[sflag:s8] =	ssyncset.s32 @!p0 $0xFFFFF086;
	s6 =	sadd.s32 @!p0 s3, s7;
	s7 =	simm.s32 @!p0 $0x108  }
0x21: {  	s3 =	sadd.s32 s3, s9;
	s6 =	sadd.s32 @!p0 $0x88, s6;
	s7 =	simm.s32 @p2 $0x1082  }
0x22: {  	[simem:s7], [sflag:s8] =	dma.local @!p0 [hbm:s6], $0xF7A  }
0x23: {  	s9 =	sor.u32 $0xD0000000, s2;
	s6 =	simm.s32 $0x108;
	_ =	swait.ge @!p0 [sflag:s8], $0x0  }
0x24: {  	s3 =	sadd.s32 $0x88, s3;
	s6 =	simm.s32 @!p1 $0x1082;
	[sflag:s4] =	ssyncset.s32 $0xFFFFF086  }
0x25: {  	[simem:s6], [sflag:s4] =	dma.local [hbm:s3], $0xF7A  }
0x26: {  	[smem:$0x3F9E] =	sst s1;
	(tag) =	ssettag s2;
	_ =	strace s9  }
0x27: {  	s1 =	sld [smem:$0x3FAE]  }
0x28: {  	s2 =	sld [smem:$0x3FAF]  }
0x29: {  	s4 =	sld [smem:$0x3FB1]  }
0x2a: {  	p0 =	seq.s32 s5, $0x0;
	s5 =	sld [smem:$0x3FB2]  }
0x2b: {  	s6 =	sld [smem:$0x3FB3]  }
0x2c: {  	s7 =	sld [smem:$0x3FB4]  }
0x2d: {  	s3 =	simm.s32 $0x108;
	s8 =	sld [smem:$0x3FB5]  }
0x2e: {  	s3 =	simm.s32 @!p0 $0x1082;
	s9 =	sld [smem:$0x3FB6]  }
0x2f: {  	lr =	sadd.s32 s0, s3;
	s0 =	sld [smem:$0x3FAD]  }
0x30: {  	s3 =	sld [smem:$0x3FB0]  }
0x31: {  	[smem:$0x3FB9] =	sst s10  }
0x32: {  	s10 =	sld [smem:$0x3FB7];
	_ =	sdelay $0x3  }
0x33: {  	p0 =	seq.s32 s10, $0x1;
	s10 =	sld [smem:$0x3FB9];
	_ =	sdelay $0x3  }
0x34: {  	[smem:$0x3FB9] =	sst s10  }
0x35: {  	s10 =	sld [smem:$0x3FB8];
	_ =	sdelay $0x3  }
0x36: {  	p1 =	seq.s32 s10, $0x1;
	s10 =	sld [smem:$0x3FB9];
	_ =	sdelay $0x3  }
0x37: {  	[smem:$0x3FB9] =	sst s10  }
0x38: {  	s10 =	sld [smem:$0x3FBA]  }
0x39: {  	_ = 	snop;
	(pc) =	sbr.ind lr, $3  }
0x3a: {  	_ = 	snop  }
0x3b: {  	_ = 	snop  }
0x3c: {  	p2 =	seq.s32 s10, $0x1;
	s10 =	sld [smem:$0x3FB9]  }
0x3d: {  	_ =	shalt  }
0x3e: {  	_ =	shalt  }
0x3f: {  	_ =	shalt  }
0x40: {  	_ =	shalt  }
0x41: {  	_ =	shalt  }
0x42: {  	_ =	shalt  }
0x43: {  	_ =	shalt  }
0x44: {  	_ =	shalt  }
0x45: {  	_ =	shalt  }
0x46: {  	_ =	shalt  }
0x47: {  	_ =	shalt  }
0x48: {  	_ =	shalt  }
0x49: {  	_ =	shalt  }
0x4a: {  	_ =	shalt  }
0x4b: {  	_ =	shalt  }
0x4c: {  	_ =	shalt  }
0x4d: {  	_ =	shalt  }
0x4e: {  	_ =	shalt  }
0x4f: {  	_ =	shalt  }
0x50: {  	_ =	shalt  }
0x51: {  	_ =	shalt  }
0x52: {  	_ =	shalt  }
0x53: {  	_ =	shalt  }
0x54: {  	_ =	shalt  }
0x55: {  	_ =	shalt  }
0x56: {  	_ =	shalt  }
0x57: {  	_ =	shalt  }
0x58: {  	_ =	shalt  }
0x59: {  	_ =	shalt  }
0x5a: {  	_ =	shalt  }
0x5b: {  	_ =	shalt  }
0x5c: {  	_ =	shalt  }
0x5d: {  	_ =	shalt  }
0x5e: {  	_ =	shalt  }
0x5f: {  	_ =	shalt  }
0x60: {  	_ =	shalt  }
0x61: {  	_ =	shalt  }
0x62: {  	_ =	shalt  }
0x63: {  	_ =	shalt  }
0x64: {  	_ =	shalt  }
0x65: {  	_ =	shalt  }
0x66: {  	_ =	shalt  }
0x67: {  	_ =	shalt  }
0x68: {  	_ =	shalt  }
0x69: {  	_ =	shalt  }
0x6a: {  	_ =	shalt  }
0x6b: {  	_ =	shalt  }
0x6c: {  	_ =	shalt  }
0x6d: {  	_ =	shalt  }
0x6e: {  	_ =	shalt  }
0x6f: {  	_ =	shalt  }
0x70: {  	_ =	shalt  }
0x71: {  	_ =	shalt  }
0x72: {  	_ =	shalt  }
0x73: {  	_ =	shalt  }
0x74: {  	_ =	shalt  }
0x75: {  	_ =	shalt  }
0x76: {  	_ =	shalt  }
0x77: {  	_ =	shalt  }
0x78: {  	_ =	shalt  }
0x79: {  	_ =	shalt  }
0x7a: {  	_ =	shalt  }
0x7b: {  	_ =	shalt  }
0x7c: {  	_ =	shalt  }
0x7d: {  	_ =	shalt  }
0x7e: {  	_ =	shalt  }
0x7f: {  	_ =	shalt  }
0x80: {  	_ =	shalt  }
0x81: {  	_ =	shalt  }
0x82: {  	_ =	shalt  }
0x83: {  	_ =	shalt  }
0x84: {  	_ =	shalt  }
0x85: {  	_ =	shalt  }
0x86: {  	_ =	shalt  }
0x87: {  	_ =	shalt  }
.Lfunc_end0:
.L_simem_size_0:
called_computation_lowered:
.L_overlay_start_0:
0x88: {  	s2 =	sld [smem:$0x3FD9]  }
0x89: {  	s3 =	sld [smem:$0x3FFE];
	_ =	sdelay $0x1  }
0x8a: {  	s1 =	srdreg.scid  }
0x8b: {  	s0 =	sand.u32 $0x1, s1  }
0x8c: {  	s18 =	sshll.u32 s0, $0xA;
	s2 =	sadd.s32 s3, s2  }
0x8d: {  	s2 =	sadd.s32 s2, s18  }
0x8e: {  	[smem:$0x3FC5] =	sst s2  }
0x8f: {  	_ = 	snop  }
0x90: {  	s2 =	sld [smem:$0x3FC9]  }
0x91: {  	s19 =	sld [smem:$0x3FC8]  }
0x92: {  	s4 =	sld [smem:$0x3FC7]  }
0x93: {  	s5 =	sld [smem:$0x3FD0];
	(tm) =	ssettm $0x1  }
0x94: {  	s6 =	sld [smem:$0x3FFB];
	_ =	sdelay $0x3  }
0x95: {  	_ =	strace s6  }
0x96: {  	s6 =	sld [smem:$0x3FFC];
	_ =	sdelay $0x3  }
0x97: {  	_ =	strace s6  }
0x98: {  	s6 =	sld [smem:$0x3FFD];
	_ =	sdelay $0x3  }
0x99: {  	_ =	strace s6  }
0x9a: {  	_ =	strace $0x8FFFFFFF  }
0x9b: {  	s20 =	sld [smem:$0x3FDB];
	_ =	sdelay $0x1  }
0x9c: {  	s7 =	simm.s32 $_scs_section_size  }
0x9d: {  	s8 =	simm.s32 $_size__tile_overlayer_lowered;
	s9 =	simm.s32 $_tile_overlayer_lowered  }
0x9e: {  	s23 =	simm.s32 $0x1BFF;
	s22 =	sshll.u32 s9, $0x1;
	s6 =	sadd.s32 s7, s20  }
0x9f: {  	s10 =	simm.s32 $0x0;
	s21 =	sshll.u32 s8, $0x1;
	s8 =	sadd.s32 s22, s6  }
0xa0: {  	[timem:s10], [sflag:s23] =	dma.local [hbm:s8], s21  }
0xa1: {  	_ =	swait.ge [sflag:s23], s21  }
0xa2: {  	s7 =	ssub.s32 $0x0, s21;
	[sflag:s23] =	ssyncset.done $0x0  }
0xa3: {  	[sflag:s23] =	ssyncadd.s32 s7;
	_ =	sdelay $0x1  }
0xa4: {  	s24 =	simm.s32 $0x1B8B  }
0xa5: {  	_ =	swait.ge [sflag:s24], $0x1  }
0xa6: {  	[sflag:s24] =	ssyncset.done $0x0  }
0xa7: {  	s25 =	simm.s32 $0x1B8E;
	[sflag:s24] =	ssyncadd.s32 $0xFFFFFFFF  }
0xa8: {  	s26 =	simm.s32 $execute0_lowered;
	[smem:$0x3FD2] =	sst s25  }
0xa9: {  	s7 =	sshll.u32 s26, $0x1;
	_ =	strace $0x80000046;
	[dreg:$0x1] =	wrdreg $0xFFFFFFFF  }
0xaa: {  	s28 =	simm.s32 $_size_execute0_lowered;
	s6 =	sadd.s32 s6, s7;
	[dreg:$0x0] =	wrdreg $0x0  }
0xab: {  	s7 =	sshll.u32 s28, $0x1;
	[dreg:$0x2] =	wrdreg s6  }
0xac: {  	[dreg:$0x3] =	wrdreg s7  }
0xad: {  	[dreg:$0x4] =	wrdreg $0xC0  }
0xae: {  	_ =	task [dreg:s10], $0x5FFFF  }
0xaf: {  	[dreg:$0x1] =	wrdreg $0xFFFFFFFF  }
0xb0: {  	[dreg:$0x0] =	wrdreg $0x60  }
0xb1: {  	[dreg:$0x2] =	wrdreg s2  }
0xb2: {  	[dreg:$0x3] =	wrdreg s19  }
0xb3: {  	[dreg:$0x4] =	wrdreg s4  }
0xb4: {  	[dreg:$0x5] =	wrdreg s5  }
0xb5: {  	[dreg:$0x6] =	wrdreg $0x9  }
0xb6: {  	_ =	task.clear_ibuf [dreg:s10], $0x7FFFF;
	_ =	strace $0x90000046  }
0xb7: {  	s29 =	simm.s32 $0x9;
	_ =	strace $0x80000048  }
0xb8: {  	_ =	swait.ge [sflag:s29], $0x1  }
0xb9: {  	[sflag:s29] =	ssyncadd.s32 $0xFFFFFFFF  }
0xba: {  	_ =	strace $0x90000048  }
0xbb: {  	_ =	sfence  }
0xbc: {  	s30 =	sld [smem:$0x0];
	_ =	sdelay $0x2  }
0xbd: {  	s31 =	sshll.u32 s1, $0xD;
	s1 =	sshrl.u32 s1, $0x2  }
0xbe: {  	s3 =	sand.u32 $0x4000, s31;
	s1 =	sadd.s32 s1, s30  }
0xbf: {  	s0 =	sor.u32 s3, s0;
	s1 =	sshll.u32 s1, $0x11  }
0xc0: {  	s0 =	sor.u32 s1, s0  }
0xc1: {  	s0 =	sadd.s32 $0x8F2B, s0  }
0xc2: {  	[sflag:s0] =	ssyncadd.remote.s32 $0x1  }
0xc3: {  	_ =	sfence.sel $0xFFFF  }
0xc4: {  	[dreg:$0x0] =	wrdreg $0xFFFFFFFF;
	(pc) =	sbr.abs _section_cstart, $3  }
0xc5: {  	[dreg:$0x1] =	wrdreg $0xFFFFFFFF  }
0xc6: {  	_ =	task.clear_ibuf [dreg:s10], $0x2FFFF;
	_ =	strace $0x9FFFFFFF  }
0xc7: {  	(tm) =	ssettm $0x7FFFFFFF  }
tec
execute0_lowered:
.L_overlay_start_1:
0x0: {  	(tag) =	ssettag $0x1  }
0x1: {  	s4 =	rddreg [dreg:$0x2]  }
0x2: {  	s0 =	srdreg.scid;
	s2 =	stileid.u32  }
0x3: {  	s1 =	rddreg [dreg:$0x3];
	s0 =	sand.u32 $0x1, s0;
	s2 =	sshll.u32 s2, $0x1  }
0x4: {  	s5 =	simm.s32 $0x0;
	s2 =	sor.u32 s0, s2;
	s0 =	ssub.s32 $0x2, s0  }
0x5: {  	s10 =	simm.s32 $0x3;
	s6 =	smul.u32 $0xC38, s2;
	s30 =	sshrl.u32 s0, $0x1  }
0x6: {  	s11 =	simm.s32 $0x1E200;
	s14 =	simm.s32 $0x18700;
	s0 =	ssub.s32 s0, s30  }
0x7: {  	vm0 =	vmmov $0x7fff;
	v3 =	vimm.s32 $0x0;
	[smem:$0x7FF] =	sst s5;
	s31 =	sshrl.u32 s6, $0x3;
	s0 =	smax.u32 s0, $0x1  }
0x8: {  	v1 =	vimm.f32 $0.0e+00;
	v3 =	vsel vm0, $0xFFFFFFFF, v3;
	_ =	strace $0x80000047;
	s1 =	sadd.s32 s1, s31;
	[dreg:$0x8] =	wrdreg s0  }
0x9: {  	v2 =	vlaneseq.u32;
	vm10 =	vcmask $0x3F3C;
	[tilespmem:$0x1FFF0] =	vst v3;
	s7 =	sadd.s32 $0xC38, s6;
	v0 =	vmov s6;
	[dreg:$0x7] =	wrdreg s1;
	s1 =	simm.s32 $0x0  }
.LBB2_1:
0xa: {  	[dreg:$0x9] =	wrdreg s1  }
0xb: {  	s0 =	rddreg [dreg:$0x0]  }
0xc: {  	[tilespmem:s5], [sflag:$0x3] =	stream.linear.gather [hbm4b:s0+s5], $0x18700, $0x38;
	[tilespmem:$0x1E280] =	vst v63  }
0xd: {  	_ =	swait.ge [sflag:s10], $0x18700  }
0xe: {  	[sflag:s10] =	ssyncset.done $0x0  }
0xf: {  	s0 =	simm.s32 $0x0;
	[sflag:s10] =	ssyncadd.s32 $0xFFFE7900  }
.LBB2_2:
0x10: {  	p0 =	sne.s32 s0, $0x30C0  }
.Ltmp0:
0x11: {  	_ = 	snop;
	(pc) =	sbr.rel @p0 .LBB2_2-.Ltmp0, $3  }
0x12: {  	_ =	sdelay $0x1  }
0x13: {  	s1 =	sshra.s32 s0, $0x2  }
0x14: {  	s0 =	sadd.s32 $0x40, s0;
	[tilespmem:s1+$0x18700] =	vst v1  }
0x15: {  	s0 =	simm.s32 $0x61A800  }
0x16: {  	s0 =	sand.u32 $0x1, s0  }
0x17: {  	p0 =	por $0x0, $0x0;
	p1 =	seq.s32 s0, $0x1  }
0x18: {  	p0 =	por !p0, !p1  }
0x19: {  	s0 =	simm.s32 $0x1;
	p0 =	por !p0, !p0  }
0x1a: {  	s0 =	simm.s32 @!p0 $0x0  }
0x1b: {  	s0 =	ssub.s32 $0x30D400, s0  }
0x1c: {  	s1 =	sand.u32 $0xF, s0  }
0x1d: {  	s2 =	sshra.s32 s0, $0x1F;
	p5 =	slt.s32 s0, $0x1;
	p6 =	sne.s32 s1, $0x0  }
0x1e: {  	s29 =	sshrl.u32 s2, $0x1C;
	p0 =	por !p5, !p6  }
0x1f: {  	s1 =	simm.s32 $0x1;
	s0 =	sadd.s32 s29, s0;
	p0 =	por !p0, !p0  }
0x20: {  	s0 =	sshrl.u32 s0, $0x4;
	s1 =	simm.s32 @!p0 $0x0  }
0x21: {  	s0 =	ssub.s32 s0, s1  }
0x22: {  	s9 =	sshll.u32 s0, $0x4  }
0x23: {  	p0 =	slt.s32 s9, $0x61A7F0  }
0x24: {  	s9 =	simm.s32 @!p0 $0x61A7F0  }
0x25: {  	s30 =	sshrl.u32 s9, $0x3  }
0x26: {  	s0 =	sadd.s32 s4, s30  }
0x27: {  	[tilespmem:s11], [sflag:$0x3] =	stream.linear.gather [hbm4b:s0+s5], $0x10, $0x38;
	[tilespmem:$0x1E280] =	vst v63  }
0x28: {  	_ =	swait.ge [sflag:s10], $0x10  }
0x29: {  	[sflag:s10] =	ssyncset.done $0x0  }
0x2a: {  	[sflag:s10] =	ssyncadd.s32 $0xFFFFFFF0  }
0x2b: {  	v3 =	vld [tilespmem:$0x1E200];
	_ =	sdelay $0x4  }
0x2c: {  	(v2sf) =	vpush v3, $0x0;
	_ =	sdelay $0xd  }
0x2d: {  	s3 =	simm.s32 $0x61A800  }
0x2e: {  	p1 =	por $0x0, $0x0;
	s2 =	simm.s32 $0x61A800;
	s31 =	spop (v2sf)  }
0x2f: {  	s8 =	sor.u32 $0x1, s9;
	s0 =	simm.s32 $0x0;
	p0 =	sge.s32 s31, s6  }
0x30: {  	s1 =	simm.s32 $0x17;
	s8 =	smov.u32 @p0 s0;
	s2 =	smov.u32 @p0 s9  }
.LBB2_4:
0x31: {  	s9 =	smov.u32 s0;
	s0 =	smov.u32 s8  }
0x32: {  	p0 =	sne.s32 s1, $0x1;
	s2 =	smov.u32 @p1 s3;
	s0 =	smov.u32 @p1 s9  }
0x33: {  	s1 =	sadd.s32 $0xFFFFFFFF, s1;
	s8 =	sadd.s32 s0, s2;
	s3 =	ssub.s32 s2, s0  }
0x34: {  	s9 =	sshrl.u32 s8, $0x1F;
	s12 =	sand.u32 $0x1, s8  }
0x35: {  	p1 =	slt.s32 s8, $0x1;
	s9 =	sadd.s32 s9, s8;
	p2 =	seq.s32 s12, $0x1  }
0x36: {  	p1 =	por !p1, !p2  }
0x37: {  	s8 =	sshra.s32 s9, $0x1;
	s9 =	simm.s32 $0x1;
	p1 =	por !p1, !p1  }
0x38: {  	s9 =	simm.s32 @!p1 $0x0  }
0x39: {  	s8 =	ssub.s32 s8, s9  }
0x3a: {  	s9 =	sshra.s32 s8, $0x1F;
	s12 =	sand.u32 $0xF, s8  }
0x3b: {  	p1 =	slt.s32 s8, $0x1;
	s9 =	sshrl.u32 s9, $0x1C;
	p2 =	sne.s32 s12, $0x0  }
0x3c: {  	s8 =	sadd.s32 s9, s8;
	p1 =	por !p1, !p2  }
0x3d: {  	s9 =	simm.s32 $0x1;
	p1 =	por !p1, !p1  }
0x3e: {  	s8 =	sshrl.u32 s8, $0x4;
	s9 =	simm.s32 @!p1 $0x0  }
0x3f: {  	s8 =	ssub.s32 s8, s9  }
0x40: {  	s9 =	sshll.u32 s8, $0x4  }
0x41: {  	p1 =	slt.s32 s9, $0x61A7F0  }
0x42: {  	s9 =	simm.s32 @!p1 $0x61A7F0  }
0x43: {  	s8 =	sshrl.u32 s9, $0x3  }
0x44: {  	s8 =	sadd.s32 s4, s8  }
0x45: {  	[tilespmem:s11], [sflag:$0x3] =	stream.linear.gather [hbm4b:s8+s5], $0x10, $0x38;
	[tilespmem:$0x1E280] =	vst v63  }
0x46: {  	_ =	swait.ge [sflag:s10], $0x10  }
0x47: {  	[sflag:s10] =	ssyncset.done $0x0  }
0x48: {  	[sflag:s10] =	ssyncadd.s32 $0xFFFFFFF0  }
0x49: {  	v3 =	vld [tilespmem:$0x1E200];
	_ =	sdelay $0x4  }
0x4a: {  	(v2sf) =	vpush v3, $0x0;
	_ =	sdelay $0xd  }
.Ltmp1:
0x4b: {  	(pc) =	sbr.rel @p0 .LBB2_4-.Ltmp1, $4  }
0x4c: {  	s8 =	spop (v2sf)  }
0x4d: {  	s12 =	smov.u32 s2;
	p2 =	sge.s32 s8, s6  }
0x4e: {  	p1 =	slt.s32 s3, $0x41;
	s8 =	sor.u32 $0x1, s9;
	s12 =	smov.u32 @p2 s9  }
0x4f: {  	s3 =	smov.u32 s2;
	s8 =	smov.u32 @p2 s0;
	s2 =	smov.u32 s12  }
0x50: {  	s8 =	smov.u32 @p1 s0  }
0x51: {  	s0 =	sand.u32 $0xF, s8  }
0x52: {  	s1 =	sshra.s32 s8, $0x1F;
	p0 =	slt.s32 s8, $0x1;
	p2 =	sne.s32 s0, $0x0  }
0x53: {  	s25 =	sshrl.u32 s1, $0x1C;
	p0 =	por !p0, !p2  }
0x54: {  	s1 =	simm.s32 $0x1;
	s0 =	sadd.s32 s25, s8;
	p0 =	por !p0, !p0  }
0x55: {  	s0 =	sshrl.u32 s0, $0x4;
	s1 =	simm.s32 @!p0 $0x0  }
0x56: {  	s0 =	ssub.s32 s0, s1  }
0x57: {  	s0 =	sshll.u32 s0, $0x4  }
0x58: {  	p0 =	slt.s32 s0, $0x61A7A0  }
0x59: {  	s0 =	simm.s32 @!p0 $0x61A7A0  }
0x5a: {  	[dreg:$0xa] =	wrdreg s0;
	s0 =	sshrl.u32 s0, $0x3  }
0x5b: {  	s17 =	simm.s32 $0x0;
	s26 =	simm.s32 $0x61A800;
	s0 =	sadd.s32 s4, s0  }
0x5c: {  	[tilespmem:s11], [sflag:$0x3] =	stream.linear.gather [hbm4b:s0+s17], $0x60, $0x38;
	[tilespmem:$0x1E280] =	vst v63  }
0x5d: {  	s0 =	sand.u32 $0x1, s26  }
0x5e: {  	p3 =	por $0x0, $0x0;
	p4 =	seq.s32 s0, $0x1  }
0x5f: {  	p0 =	por !p3, !p4  }
0x60: {  	s0 =	simm.s32 $0x1;
	p0 =	por !p0, !p0  }
0x61: {  	s0 =	simm.s32 @!p0 $0x0  }
0x62: {  	s0 =	ssub.s32 $0x30D400, s0  }
0x63: {  	s28 =	sand.u32 $0xF, s0  }
0x64: {  	s2 =	sshra.s32 s0, $0x1F;
	p5 =	slt.s32 s0, $0x1;
	p6 =	sne.s32 s28, $0x0  }
0x65: {  	s1 =	simm.s32 $0x1;
	s29 =	sshrl.u32 s2, $0x1C;
	p0 =	por !p5, !p6  }
0x66: {  	_ =	swait.ge [sflag:s10], $0x60;
	s0 =	sadd.s32 s29, s0;
	p0 =	por !p0, !p0  }
0x67: {  	[sflag:s10] =	ssyncset.done $0x0;
	s0 =	sshrl.u32 s0, $0x4;
	s1 =	simm.s32 @!p0 $0x0  }
0x68: {  	[sflag:s10] =	ssyncadd.s32 $0xFFFFFFA0;
	s0 =	ssub.s32 s0, s1  }
0x69: {  	v8 =	vld [tilespmem:$0x1E200];
	s3 =	sshll.u32 s0, $0x4  }
0x6a: {  	v7 =	vld [tilespmem:$0x1E210];
	p0 =	slt.s32 s3, $0x61A7F0  }
0x6b: {  	v6 =	vld [tilespmem:$0x1E220];
	s3 =	simm.s32 @!p0 $0x61A7F0  }
0x6c: {  	v5 =	vld [tilespmem:$0x1E230];
	s30 =	sshrl.u32 s3, $0x3  }
0x6d: {  	v4 =	vld [tilespmem:$0x1E240];
	s0 =	sadd.s32 s4, s30  }
0x6e: {  	v3 =	vld [tilespmem:$0x1E250];
	[tilespmem:s11], [sflag:$0x3] =	stream.linear.gather [hbm4b:s0+s5], $0x10, $0x38  }
0x6f: {  	_ =	swait.ge [sflag:s10], $0x10  }
0x70: {  	[sflag:s10] =	ssyncset.done $0x0  }
0x71: {  	[sflag:s10] =	ssyncadd.s32 $0xFFFFFFF0  }
0x72: {  	v9 =	vld [tilespmem:$0x1E200];
	_ =	sdelay $0x4  }
0x73: {  	(v2sf) =	vpush v9, $0x0;
	_ =	sdelay $0xe  }
0x74: {  	s2 =	simm.s32 $0x61A800;
	s1 =	simm.s32 $0x61A800;
	s31 =	spop (v2sf)  }
0x75: {  	p0 =	por $0x0, $0x0;
	s18 =	sor.u32 $0x1, s3;
	p1 =	sge.s32 s31, s7  }
0x76: {  	s0 =	simm.s32 $0x17;
	s18 =	smov.u32 @p1 s17;
	s1 =	smov.u32 @p1 s3  }
.LBB2_6:
0x77: {  	s3 =	smov.u32 s17;
	s17 =	smov.u32 s18  }
0x78: {  	p1 =	sne.s32 s0, $0x1;
	s1 =	smov.u32 @p0 s2;
	s17 =	smov.u32 @p0 s3  }
0x79: {  	s0 =	sadd.s32 $0xFFFFFFFF, s0;
	s3 =	sadd.s32 s17, s1;
	s2 =	ssub.s32 s1, s17  }
0x7a: {  	s8 =	sshrl.u32 s3, $0x1F;
	s9 =	sand.u32 $0x1, s3  }
0x7b: {  	p0 =	slt.s32 s3, $0x1;
	s8 =	sadd.s32 s8, s3;
	p2 =	seq.s32 s9, $0x1  }
0x7c: {  	p0 =	por !p0, !p2  }
0x7d: {  	s3 =	sshra.s32 s8, $0x1;
	s8 =	simm.s32 $0x1;
	p0 =	por !p0, !p0  }
0x7e: {  	s8 =	simm.s32 @!p0 $0x0  }
0x7f: {  	s3 =	ssub.s32 s3, s8  }
0x80: {  	s8 =	sshra.s32 s3, $0x1F;
	s9 =	sand.u32 $0xF, s3  }
0x81: {  	p0 =	slt.s32 s3, $0x1;
	s8 =	sshrl.u32 s8, $0x1C;
	p2 =	sne.s32 s9, $0x0  }
0x82: {  	s3 =	sadd.s32 s8, s3;
	p0 =	por !p0, !p2  }
0x83: {  	s8 =	simm.s32 $0x1;
	p0 =	por !p0, !p0  }
0x84: {  	s3 =	sshrl.u32 s3, $0x4;
	s8 =	simm.s32 @!p0 $0x0  }
0x85: {  	s3 =	ssub.s32 s3, s8  }
0x86: {  	s3 =	sshll.u32 s3, $0x4  }
0x87: {  	p0 =	slt.s32 s3, $0x61A7F0  }
0x88: {  	s3 =	simm.s32 @!p0 $0x61A7F0  }
0x89: {  	s8 =	sshrl.u32 s3, $0x3  }
0x8a: {  	s8 =	sadd.s32 s4, s8  }
0x8b: {  	[tilespmem:s11], [sflag:$0x3] =	stream.linear.gather [hbm4b:s8+s5], $0x10, $0x38;
	[tilespmem:$0x1E280] =	vst v63  }
0x8c: {  	_ =	swait.ge [sflag:s10], $0x10  }
0x8d: {  	[sflag:s10] =	ssyncset.done $0x0  }
0x8e: {  	[sflag:s10] =	ssyncadd.s32 $0xFFFFFFF0  }
0x8f: {  	v9 =	vld [tilespmem:$0x1E200];
	_ =	sdelay $0x4  }
0x90: {  	(v2sf) =	vpush v9, $0x0;
	_ =	sdelay $0xd  }
.Ltmp2:
0x91: {  	(pc) =	sbr.rel @p1 .LBB2_6-.Ltmp2, $4  }
0x92: {  	s8 =	spop (v2sf)  }
0x93: {  	p2 =	sge.s32 s8, s7;
	s8 =	smov.u32 s1  }
0x94: {  	p0 =	slt.s32 s2, $0x41;
	s18 =	sor.u32 $0x1, s3;
	s8 =	smov.u32 @p2 s3  }
0x95: {  	s2 =	smov.u32 s1;
	s18 =	smov.u32 @p2 s17;
	s1 =	smov.u32 s8  }
0x96: {  	(v2sf) =	vpush v8, $0x0  }
0x97: {  	(v2sf) =	vpush v8, $0x1;
	_ =	sdelay $0x1  }
0x98: {  	(v2sf) =	vpush v8, $0x2  }
0x99: {  	(v2sf) =	vpush v8, $0x3  }
0x9a: {  	(v2sf) =	vpush v8, $0x4  }
0x9b: {  	(v2sf) =	vpush v8, $0x5  }
0x9c: {  	(v2sf) =	vpush v8, $0x6;
	_ =	sdelay $0x3  }
0x9d: {  	(v2sf) =	vpush v8, $0x7  }
0x9e: {  	(v2sf) =	vpush v8, $0x8  }
0x9f: {  	(v2sf) =	vpush v8, $0x9;
	_ =	sdelay $0x1  }
0xa0: {  	(v2sf) =	vpush v8, $0xA;
	s0 =	spop (v2sf)  }
0xa1: {  	p1 =	slt.s32 s0, s6;
	s0 =	simm.s32 $0x1;
	s1 =	spop (v2sf)  }
0xa2: {  	s0 =	simm.s32 @!p1 $0x0;
	p1 =	slt.s32 s1, s6;
	s1 =	simm.s32 $0x1  }
0xa3: {  	(v2sf) =	vpush v8, $0xB;
	s2 =	spop (v2sf);
	s1 =	simm.s32 @!p1 $0x0  }
0xa4: {  	p1 =	slt.s32 s2, s6;
	s2 =	simm.s32 $0x1;
	s12 =	spop (v2sf)  }
0xa5: {  	(v2sf) =	vpush v8, $0xC;
	s0 =	sadd.s32 s1, s0;
	s2 =	simm.s32 @!p1 $0x0;
	s13 =	spop (v2sf)  }
0xa6: {  	p1 =	slt.s32 s12, s6;
	s1 =	simm.s32 $0x1;
	s15 =	spop (v2sf)  }
0xa7: {  	s0 =	sadd.s32 s2, s0;
	s1 =	simm.s32 @!p1 $0x0;
	s16 =	spop (v2sf);
	(v2sf) =	vpush v8, $0xD  }
0xa8: {  	p1 =	slt.s32 s13, s6;
	s2 =	simm.s32 $0x1;
	s0 =	sadd.s32 s1, s0;
	(v2sf) =	vpush v8, $0xE  }
0xa9: {  	s2 =	simm.s32 @!p1 $0x0;
	p1 =	slt.s32 s15, s6;
	s1 =	simm.s32 $0x1  }
0xaa: {  	s0 =	sadd.s32 s2, s0;
	s1 =	simm.s32 @!p1 $0x0;
	(v2sf) =	vpush v8, $0xF  }
0xab: {  	p1 =	slt.s32 s16, s6;
	s2 =	simm.s32 $0x1;
	s19 =	spop (v2sf)  }
0xac: {  	s0 =	sadd.s32 s1, s0;
	s2 =	simm.s32 @!p1 $0x0;
	s20 =	spop (v2sf);
	(v2sf) =	vpush v7, $0x0  }
0xad: {  	p1 =	slt.s32 s19, s6;
	s1 =	simm.s32 $0x1;
	s21 =	spop (v2sf);
	(v2sf) =	vpush v7, $0x1  }
0xae: {  	s0 =	sadd.s32 s2, s0;
	s1 =	simm.s32 @!p1 $0x0;
	p1 =	slt.s32 s20, s6  }
0xaf: {  	s2 =	simm.s32 $0x1;
	s0 =	sadd.s32 s1, s0;
	s22 =	spop (v2sf);
	(v2sf) =	vpush v7, $0x2  }
0xb0: {  	s2 =	simm.s32 @!p1 $0x0;
	p1 =	slt.s32 s21, s6;
	s1 =	simm.s32 $0x1  }
0xb1: {  	s0 =	sadd.s32 s2, s0;
	s1 =	simm.s32 @!p1 $0x0  }
0xb2: {  	p1 =	slt.s32 s22, s6;
	s2 =	simm.s32 $0x1;
	s23 =	spop (v2sf);
	(v2sf) =	vpush v7, $0x3  }
0xb3: {  	s0 =	sadd.s32 s1, s0;
	s2 =	simm.s32 @!p1 $0x0;
	p1 =	slt.s32 s23, s6  }
0xb4: {  	s1 =	simm.s32 $0x1;
	s24 =	spop (v2sf);
	s0 =	sadd.s32 s2, s0;
	(v2sf) =	vpush v7, $0x4  }
0xb5: {  	s1 =	simm.s32 @!p1 $0x0;
	p1 =	slt.s32 s24, s6;
	s2 =	simm.s32 $0x1  }
0xb6: {  	s0 =	sadd.s32 s1, s0;
	s2 =	simm.s32 @!p1 $0x0;
	s25 =	spop (v2sf);
	(v2sf) =	vpush v7, $0x5  }
0xb7: {  	s1 =	simm.s32 $0x1;
	p1 =	slt.s32 s25, s6;
	s26 =	spop (v2sf);
	(v2sf) =	vpush v7, $0x6  }
0xb8: {  	s0 =	sadd.s32 s2, s0;
	s2 =	simm.s32 $0x1;
	s1 =	simm.s32 @!p1 $0x0  }
0xb9: {  	p1 =	slt.s32 s26, s6;
	s28 =	spop (v2sf);
	s0 =	sadd.s32 s1, s0  }
0xba: {  	(v2sf) =	vpush v7, $0x7;
	s2 =	simm.s32 @!p1 $0x0;
	p1 =	slt.s32 s28, s6;
	s1 =	simm.s32 $0x1  }
0xbb: {  	s29 =	spop (v2sf);
	s0 =	sadd.s32 s2, s0;
	s1 =	simm.s32 @!p1 $0x0  }
0xbc: {  	(v2sf) =	vpush v7, $0x8;
	p1 =	slt.s32 s29, s6;
	s2 =	simm.s32 $0x1;
	s30 =	spop (v2sf)  }
0xbd: {  	s0 =	sadd.s32 s1, s0;
	s2 =	simm.s32 @!p1 $0x0;
	p1 =	slt.s32 s30, s6  }
0xbe: {  	(v2sf) =	vpush v7, $0x9;
	s1 =	simm.s32 $0x1;
	s31 =	spop (v2sf);
	s0 =	sadd.s32 s2, s0  }
0xbf: {  	(v2sf) =	vpush v7, $0xA;
	s1 =	simm.s32 @!p1 $0x0;
	p1 =	slt.s32 s31, s6;
	s2 =	simm.s32 $0x1  }
0xc0: {  	s0 =	sadd.s32 s1, s0;
	s2 =	simm.s32 @!p1 $0x0  }
0xc1: {  	s0 =	sadd.s32 s2, s0;
	s2 =	spop (v2sf);
	(v2sf) =	vpush v7, $0xB;
	_ =	sdelay $0x1  }
0xc2: {  	s3 =	spop (v2sf);
	(v2sf) =	vpush v7, $0xC;
	_ =	sdelay $0x1  }
0xc3: {  	s8 =	spop (v2sf);
	(v2sf) =	vpush v7, $0xD  }
0xc4: {  	s18 =	smov.u32 @p0 s17;
	s9 =	spop (v2sf);
	(v2sf) =	vpush v7, $0xE  }
0xc5: {  	s17 =	sshra.s32 s18, $0x1F;
	p6 =	slt.s32 s18, $0x1  }
0xc6: {  	s1 =	simm.s32 $0x1;
	p1 =	slt.s32 s2, s6;
	s2 =	simm.s32 $0x1  }
0xc7: {  	s1 =	simm.s32 @!p1 $0x0;
	p1 =	slt.s32 s3, s6;
	s12 =	spop (v2sf);
	(v2sf) =	vpush v7, $0xF  }
0xc8: {  	s0 =	sadd.s32 s1, s0;
	s2 =	simm.s32 @!p1 $0x0;
	s1 =	simm.s32 $0x1  }
0xc9: {  	s0 =	sadd.s32 s2, s0;
	p1 =	slt.s32 s8, s6;
	s13 =	spop (v2sf);
	(v2sf) =	vpush v6, $0x0  }
0xca: {  	s2 =	simm.s32 $0x1;
	s1 =	simm.s32 @!p1 $0x0;
	p1 =	slt.s32 s9, s6  }
0xcb: {  	s0 =	sadd.s32 s1, s0;
	s2 =	simm.s32 @!p1 $0x0;
	s15 =	spop (v2sf);
	(v2sf) =	vpush v6, $0x1  }
0xcc: {  	p1 =	slt.s32 s12, s6;
	s1 =	simm.s32 $0x1;
	s16 =	spop (v2sf);
	(v2sf) =	vpush v6, $0x2  }
0xcd: {  	s0 =	sadd.s32 s2, s0;
	s1 =	simm.s32 @!p1 $0x0;
	p1 =	slt.s32 s13, s6  }
0xce: {  	s2 =	simm.s32 $0x1;
	s0 =	sadd.s32 s1, s0;
	s19 =	spop (v2sf);
	(v2sf) =	vpush v6, $0x3  }
0xcf: {  	s2 =	simm.s32 @!p1 $0x0;
	p1 =	slt.s32 s15, s6;
	s1 =	simm.s32 $0x1  }
0xd0: {  	s0 =	sadd.s32 s2, s0;
	s1 =	simm.s32 @!p1 $0x0;
	s20 =	spop (v2sf);
	(v2sf) =	vpush v6, $0x4  }
0xd1: {  	p1 =	slt.s32 s16, s6;
	s2 =	simm.s32 $0x1;
	s0 =	sadd.s32 s1, s0  }
0xd2: {  	s2 =	simm.s32 @!p1 $0x0;
	s1 =	simm.s32 $0x1;
	s21 =	spop (v2sf);
	(v2sf) =	vpush v6, $0x5  }
0xd3: {  	s0 =	sadd.s32 s2, s0;
	p1 =	slt.s32 s19, s6;
	s22 =	spop (v2sf);
	(v2sf) =	vpush v6, $0x6  }
0xd4: {  	s2 =	simm.s32 $0x1;
	s1 =	simm.s32 @!p1 $0x0;
	p1 =	slt.s32 s20, s6  }
0xd5: {  	s17 =	sshrl.u32 s17, $0x1C;
	s0 =	sadd.s32 s1, s0;
	s2 =	simm.s32 @!p1 $0x0  }
0xd6: {  	s1 =	simm.s32 $0x1;
	p1 =	slt.s32 s21, s6;
	s23 =	spop (v2sf);
	(v2sf) =	vpush v6, $0x7  }
0xd7: {  	s0 =	sadd.s32 s2, s0;
	s2 =	simm.s32 $0x1;
	s1 =	simm.s32 @!p1 $0x0  }
0xd8: {  	p1 =	slt.s32 s22, s6;
	s0 =	sadd.s32 s1, s0;
	s24 =	spop (v2sf);
	(v2sf) =	vpush v6, $0x8  }
0xd9: {  	s2 =	simm.s32 @!p1 $0x0;
	p1 =	slt.s32 s23, s6;
	s1 =	simm.s32 $0x1  }
0xda: {  	s0 =	sadd.s32 s2, s0;
	s1 =	simm.s32 @!p1 $0x0;
	s25 =	spop (v2sf);
	(v2sf) =	vpush v6, $0x9  }
0xdb: {  	p1 =	slt.s32 s24, s6;
	s2 =	simm.s32 $0x1;
	s26 =	spop (v2sf);
	(v2sf) =	vpush v6, $0xA  }
0xdc: {  	s0 =	sadd.s32 s1, s0;
	s2 =	simm.s32 @!p1 $0x0;
	p1 =	slt.s32 s25, s6  }
0xdd: {  	s1 =	simm.s32 $0x1;
	s0 =	sadd.s32 s2, s0;
	s28 =	spop (v2sf);
	(v2sf) =	vpush v6, $0xB  }
0xde: {  	s1 =	simm.s32 @!p1 $0x0;
	p1 =	slt.s32 s26, s6;
	s2 =	simm.s32 $0x1  }
0xdf: {  	s0 =	sadd.s32 s1, s0;
	s2 =	simm.s32 @!p1 $0x0;
	s29 =	spop (v2sf);
	(v2sf) =	vpush v6, $0xC  }
0xe0: {  	s17 =	sadd.s32 s17, s18;
	s1 =	simm.s32 $0x1;
	s0 =	sadd.s32 s2, s0  }
0xe1: {  	s2 =	simm.s32 $0x1;
	p1 =	slt.s32 s28, s6;
	s30 =	spop (v2sf);
	(v2sf) =	vpush v6, $0xD  }
0xe2: {  	s1 =	simm.s32 @!p1 $0x0;
	p1 =	slt.s32 s29, s6;
	s31 =	spop (v2sf);
	(v2sf) =	vpush v6, $0xE  }
0xe3: {  	s0 =	sadd.s32 s1, s0;
	s2 =	simm.s32 @!p1 $0x0;
	s1 =	simm.s32 $0x1  }
0xe4: {  	s0 =	sadd.s32 s2, s0;
	s2 =	simm.s32 $0x1;
	p1 =	slt.s32 s30, s6;
	(v2sf) =	vpush v6, $0xF  }
0xe5: {  	s1 =	simm.s32 @!p1 $0x0;
	p1 =	slt.s32 s31, s6;
	s3 =	spop (v2sf);
	(v2sf) =	vpush v5, $0x0  }
0xe6: {  	s0 =	sadd.s32 s1, s0;
	s2 =	simm.s32 @!p1 $0x0;
	p1 =	slt.s32 s3, s6;
	(v2sf) =	vpush v5, $0x1  }
0xe7: {  	s1 =	simm.s32 $0x1;
	s8 =	spop (v2sf);
	s0 =	sadd.s32 s2, s0;
	(v2sf) =	vpush v5, $0x2  }
0xe8: {  	s1 =	simm.s32 @!p1 $0x0;
	p1 =	slt.s32 s8, s6;
	s2 =	simm.s32 $0x1;
	(v2sf) =	vpush v5, $0x3  }
0xe9: {  	s9 =	spop (v2sf);
	s0 =	sadd.s32 s1, s0;
	s2 =	simm.s32 @!p1 $0x0;
	(v2sf) =	vpush v5, $0x4  }
0xea: {  	p1 =	slt.s32 s9, s6;
	s1 =	simm.s32 $0x1;
	s12 =	spop (v2sf);
	(v2sf) =	vpush v5, $0x5  }
0xeb: {  	s0 =	sadd.s32 s2, s0;
	s1 =	simm.s32 @!p1 $0x0;
	p1 =	slt.s32 s12, s6;
	(v2sf) =	vpush v5, $0x6  }
0xec: {  	s2 =	simm.s32 $0x1;
	s0 =	sadd.s32 s1, s0;
	s13 =	spop (v2sf);
	(v2sf) =	vpush v5, $0x7  }
0xed: {  	s2 =	simm.s32 @!p1 $0x0;
	s1 =	simm.s32 $0x1;
	p1 =	slt.s32 s13, s6;
	(v2sf) =	vpush v5, $0x8  }
0xee: {  	s0 =	sadd.s32 s2, s0;
	s15 =	spop (v2sf);
	s1 =	simm.s32 @!p1 $0x0;
	(v2sf) =	vpush v5, $0x9  }
0xef: {  	s2 =	simm.s32 $0x1;
	p1 =	slt.s32 s15, s6;
	s0 =	sadd.s32 s1, s0;
	(v2sf) =	vpush v5, $0xA  }
0xf0: {  	s2 =	simm.s32 @!p1 $0x0;
	s1 =	simm.s32 $0x1;
	(v2sf) =	vpush v5, $0xB;
	s16 =	spop (v2sf)  }
0xf1: {  	s0 =	sadd.s32 s2, s0;
	(v2sf) =	vpush v5, $0xC;
	p1 =	slt.s32 s16, s6;
	s19 =	spop (v2sf)  }
0xf2: {  	s2 =	simm.s32 $0x1;
	(v2sf) =	vpush v5, $0xD;
	s1 =	simm.s32 @!p1 $0x0;
	p1 =	slt.s32 s19, s6  }
0xf3: {  	s20 =	spop (v2sf);
	(v2sf) =	vpush v5, $0xE;
	s0 =	sadd.s32 s1, s0;
	s2 =	simm.s32 @!p1 $0x0  }
0xf4: {  	p1 =	slt.s32 s20, s6;
	s1 =	simm.s32 $0x1;
	s3 =	spop (v2sf);
	(v2sf) =	vpush v5, $0xF  }
0xf5: {  	s0 =	sadd.s32 s2, s0;
	s1 =	simm.s32 @!p1 $0x0;
	s21 =	spop (v2sf);
	(v2sf) =	vpush v4, $0x0  }
0xf6: {  	p1 =	slt.s32 s3, s6;
	s3 =	simm.s32 $0x1;
	s8 =	spop (v2sf);
	(v2sf) =	vpush v4, $0x1  }
0xf7: {  	s2 =	simm.s32 $0x1;
	s0 =	sadd.s32 s1, s0;
	s22 =	spop (v2sf);
	(v2sf) =	vpush v4, $0x2  }
0xf8: {  	s3 =	simm.s32 @!p1 $0x0;
	p1 =	slt.s32 s21, s6;
	s9 =	spop (v2sf);
	(v2sf) =	vpush v4, $0x3  }
0xf9: {  	s1 =	simm.s32 $0x1;
	s0 =	sadd.s32 s3, s0;
	s23 =	spop (v2sf);
	(v2sf) =	vpush v4, $0x4  }
0xfa: {  	s2 =	simm.s32 @!p1 $0x0;
	p1 =	slt.s32 s8, s6;
	s12 =	spop (v2sf);
	(v2sf) =	vpush v4, $0x5  }
0xfb: {  	s8 =	simm.s32 $0x1;
	s3 =	simm.s32 $0x1;
	s24 =	spop (v2sf);
	(v2sf) =	vpush v4, $0x6  }
0xfc: {  	s0 =	sadd.s32 s2, s0;
	s8 =	simm.s32 @!p1 $0x0;
	s13 =	spop (v2sf)  }
0xfd: {  	p1 =	slt.s32 s22, s6;
	s0 =	sadd.s32 s8, s0;
	(v2sf) =	vpush v4, $0x7;
	s15 =	spop (v2sf)  }
0xfe: {  	s1 =	simm.s32 @!p1 $0x0;
	p1 =	slt.s32 s9, s6;
	(v2sf) =	vpush v4, $0x8;
	s19 =	spop (v2sf)  }
0xff: {  	s8 =	simm.s32 $0x1;
	s0 =	sadd.s32 s1, s0;
	(v2sf) =	vpush v4, $0x9;
	s20 =	spop (v2sf)  }
0x100: {  	s8 =	simm.s32 @!p1 $0x0;
	p1 =	slt.s32 s23, s6;
	(v2sf) =	vpush v4, $0xA;
	s25 =	spop (v2sf)  }
0x101: {  	s1 =	simm.s32 $0x1;
	s0 =	sadd.s32 s8, s0;
	(v2sf) =	vpush v4, $0xB;
	s21 =	spop (v2sf)  }
0x102: {  	s1 =	simm.s32 @!p1 $0x0;
	p1 =	slt.s32 s12, s6;
	s26 =	spop (v2sf);
	(v2sf) =	vpush v4, $0xC  }
0x103: {  	s8 =	simm.s32 $0x1;
	s0 =	sadd.s32 s1, s0;
	s30 =	spop (v2sf);
	(v2sf) =	vpush v4, $0xD  }
0x104: {  	s8 =	simm.s32 @!p1 $0x0;
	p1 =	slt.s32 s24, s6;
	s31 =	spop (v2sf);
	(v2sf) =	vpush v4, $0xE  }
0x105: {  	s1 =	simm.s32 $0x1;
	s0 =	sadd.s32 s8, s0;
	s8 =	spop (v2sf);
	(v2sf) =	vpush v4, $0xF  }
0x106: {  	s2 =	simm.s32 $0x1;
	s1 =	simm.s32 @!p1 $0x0;
	s22 =	spop (v2sf);
	(v2sf) =	vpush v3, $0x0  }
0x107: {  	s12 =	simm.s32 $0x1;
	s1 =	sadd.s32 s1, s0;
	s0 =	spop (v2sf);
	(v2sf) =	vpush v3, $0x1  }
0x108: {  	p1 =	slt.s32 s13, s6;
	s13 =	simm.s32 $0x1;
	s16 =	spop (v2sf);
	(v2sf) =	vpush v3, $0x2  }
0x109: {  	s2 =	simm.s32 @!p1 $0x0;
	p1 =	slt.s32 s15, s6;
	s9 =	spop (v2sf);
	(v2sf) =	vpush v3, $0x3  }
0x10a: {  	s15 =	simm.s32 $0x1;
	s29 =	sadd.s32 s2, s1;
	s23 =	spop (v2sf);
	(v2sf) =	vpush v3, $0x4  }
0x10b: {  	s13 =	simm.s32 @!p1 $0x0;
	p1 =	slt.s32 s19, s6;
	s19 =	simm.s32 $0x1  }
0x10c: {  	s1 =	sand.u32 $0xF, s18;
	s13 =	sadd.s32 s13, s29;
	s2 =	spop (v2sf);
	(v2sf) =	vpush v3, $0x5  }
0x10d: {  	s19 =	simm.s32 @!p1 $0x0;
	p1 =	slt.s32 s20, s6;
	s29 =	spop (v2sf)  }
0x10e: {  	s13 =	sadd.s32 s19, s13;
	s15 =	simm.s32 @!p1 $0x0;
	s28 =	spop (v2sf)  }
0x10f: {  	p1 =	slt.s32 s25, s6;
	s13 =	sadd.s32 s15, s13;
	s19 =	spop (v2sf)  }
0x110: {  	s3 =	simm.s32 @!p1 $0x0;
	p1 =	slt.s32 s21, s6;
	s24 =	spop (v2sf)  }
0x111: {  	s15 =	simm.s32 $0x1;
	s3 =	sadd.s32 s3, s13;
	s25 =	spop (v2sf)  }
0x112: {  	s15 =	simm.s32 @!p1 $0x0;
	p1 =	slt.s32 s26, s6;
	(v2sf) =	vpush v3, $0x6;
	s26 =	spop (v2sf)  }
0x113: {  	s20 =	simm.s32 $0x1;
	s3 =	sadd.s32 s15, s3;
	(v2sf) =	vpush v3, $0x7;
	s13 =	spop (v2sf)  }
0x114: {  	s12 =	simm.s32 @!p1 $0x0;
	p1 =	slt.s32 s30, s6;
	s21 =	spop (v2sf)  }
0x115: {  	s3 =	sadd.s32 s12, s3;
	s20 =	simm.s32 @!p1 $0x0;
	(v2sf) =	vpush v3, $0x8;
	s15 =	spop (v2sf)  }
0x116: {  	p1 =	slt.s32 s31, s6;
	s12 =	simm.s32 $0x1;
	(v2sf) =	vpush v3, $0x9;
	s30 =	spop (v2sf)  }
0x117: {  	s20 =	sadd.s32 s20, s3;
	s12 =	simm.s32 @!p1 $0x0;
	(v2sf) =	vpush v3, $0xA;
	s31 =	spop (v2sf)  }
0x118: {  	p2 =	sne.s32 s1, $0x0;
	s3 =	sadd.s32 s12, s20;
	(v2sf) =	vpush v3, $0xB;
	s12 =	spop (v2sf)  }
0x119: {  	p1 =	por !p6, !p2;
	[dreg:$0x13] =	wrdreg s31;
	s31 =	spop (v2sf);
	(v2sf) =	vpush v3, $0xC  }
0x11a: {  	s17 =	sshrl.u32 s17, $0x4;
	s18 =	simm.s32 $0x1;
	p1 =	por !p1, !p1;
	(v2sf) =	vpush v3, $0xD  }
0x11b: {  	p0 =	slt.s32 s8, s6;
	s18 =	simm.s32 @!p1 $0x0;
	s8 =	spop (v2sf);
	(v2sf) =	vpush v3, $0xE  }
0x11c: {  	s17 =	ssub.s32 s17, s18;
	(v2sf) =	vpush v3, $0xF  }
0x11d: {  	s18 =	simm.s32 $0x1;
	[dreg:$0x12] =	wrdreg s31;
	s31 =	simm.s32 $0x1  }
0x11e: {  	s1 =	sshll.u32 s17, $0x4;
	s31 =	simm.s32 @!p0 $0x0;
	p0 =	slt.s32 s22, s6  }
0x11f: {  	s18 =	simm.s32 @!p0 $0x0;
	p0 =	slt.s32 s1, $0x61A7A0  }
0x120: {  	p1 =	slt.s32 s0, s6;
	s0 =	simm.s32 $0x1;
	s1 =	simm.s32 @!p0 $0x61A7A0  }
0x121: {  	s3 =	sadd.s32 s31, s3;
	s20 =	spop (v2sf);
	s17 =	sshrl.u32 s1, $0x3  }
0x122: {  	s18 =	sadd.s32 s18, s3;
	s31 =	sadd.s32 s4, s17;
	s3 =	spop (v2sf)  }
0x123: {  	[tilespmem:s11], [sflag:$0x3] =	stream.linear.gather [hbm4b:s31+s5], $0x60, $0x38;
	[tilespmem:$0x1E280] =	vst v63  }
0x124: {  	[dreg:$0x14] =	wrdreg s30;
	s22 =	simm.s32 $0x1;
	s30 =	spop (v2sf)  }
0x125: {  	s22 =	simm.s32 @!p1 $0x0;
	p0 =	slt.s32 s16, s6;
	s31 =	spop (v2sf)  }
0x126: {  	s18 =	sadd.s32 s22, s18;
	s0 =	simm.s32 @!p0 $0x0;
	s22 =	spop (v2sf)  }
0x127: {  	p0 =	slt.s32 s9, s6;
	s9 =	simm.s32 $0x1;
	s16 =	spop (v2sf)  }
0x128: {  	s0 =	sadd.s32 s0, s18;
	s9 =	simm.s32 @!p0 $0x0;
	s18 =	spop (v2sf)  }
0x129: {  	[dreg:$0xc] =	wrdreg s1;
	s1 =	sadd.s32 s9, s0;
	s9 =	spop (v2sf)  }
0x12a: {  	p1 =	slt.s32 s2, s6;
	s2 =	spop (v2sf)  }
0x12b: {  	p0 =	slt.s32 s23, s6;
	s23 =	simm.s32 $0x1;
	s17 =	spop (v2sf)  }
0x12c: {  	s0 =	simm.s32 $0x1;
	s23 =	simm.s32 @!p1 $0x0;
	_ =	swait.ge [sflag:s10], $0x60  }
0x12d: {  	s0 =	simm.s32 @!p0 $0x0;
	p0 =	slt.s32 s29, s6;
	[sflag:s10] =	ssyncset.done $0x0  }
0x12e: {  	s0 =	sadd.s32 s0, s1;
	s1 =	simm.s32 $0x1;
	[sflag:s10] =	ssyncadd.s32 $0xFFFFFFA0  }
0x12f: {  	p1 =	slt.s32 s28, s6;
	s0 =	sadd.s32 s23, s0;
	s1 =	simm.s32 @!p0 $0x0;
	v3 =	vld [tilespmem:$0x1E200]  }
0x130: {  	s23 =	simm.s32 $0x1;
	p0 =	slt.s32 s19, s6;
	s19 =	simm.s32 $0x1  }
0x131: {  	s0 =	sadd.s32 s1, s0;
	s23 =	simm.s32 @!p1 $0x0;
	s1 =	simm.s32 $0x1  }
0x132: {  	s0 =	sadd.s32 s23, s0;
	s1 =	simm.s32 @!p0 $0x0;
	p0 =	slt.s32 s24, s6  }
0x133: {  	s0 =	sadd.s32 s1, s0;
	s19 =	simm.s32 @!p0 $0x0  }
0x134: {  	p0 =	slt.s32 s25, s6;
	s1 =	simm.s32 $0x1;
	s0 =	sadd.s32 s19, s0;
	(v2sf) =	vpush v3, $0x0  }
0x135: {  	s1 =	simm.s32 @!p0 $0x0;
	p0 =	slt.s32 s26, s6;
	s19 =	simm.s32 $0x1;
	(v2sf) =	vpush v3, $0x1  }
0x136: {  	s0 =	sadd.s32 s1, s0;
	s19 =	simm.s32 @!p0 $0x0;
	(v2sf) =	vpush v3, $0x2  }
0x137: {  	p0 =	slt.s32 s13, s6;
	s1 =	simm.s32 $0x1;
	s13 =	simm.s32 $0x1  }
0x138: {  	s0 =	sadd.s32 s19, s0;
	s1 =	simm.s32 @!p0 $0x0;
	p0 =	slt.s32 s21, s6  }
0x139: {  	p1 =	slt.s32 s30, s6;
	s0 =	sadd.s32 s1, s0;
	s13 =	simm.s32 @!p0 $0x0  }
0x13a: {  	p0 =	slt.s32 s15, s6;
	s1 =	simm.s32 $0x1;
	s0 =	sadd.s32 s13, s0;
	(v2sf) =	vpush v3, $0x3  }
0x13b: {  	s1 =	simm.s32 @!p0 $0x0;
	s13 =	simm.s32 $0x1;
	s26 =	rddreg [dreg:$0x14]  }
0x13c: {  	s0 =	sadd.s32 s1, s0;
	s28 =	rddreg [dreg:$0x13];
	p0 =	slt.s32 s26, s6;
	(v2sf) =	vpush v3, $0x4  }
0x13d: {  	s1 =	simm.s32 $0x1;
	s13 =	simm.s32 @!p0 $0x0;
	p0 =	slt.s32 s28, s6;
	(v2sf) =	vpush v3, $0x5  }
0x13e: {  	s29 =	rddreg [dreg:$0x12];
	s0 =	sadd.s32 s13, s0;
	s1 =	simm.s32 @!p0 $0x0  }
0x13f: {  	p0 =	slt.s32 s12, s6;
	s12 =	simm.s32 $0x1;
	s0 =	sadd.s32 s1, s0  }
0x140: {  	s12 =	simm.s32 @!p0 $0x0;
	p0 =	slt.s32 s29, s6;
	s1 =	simm.s32 $0x1;
	(v2sf) =	vpush v3, $0x6  }
0x141: {  	s15 =	simm.s32 $0x1;
	s0 =	sadd.s32 s12, s0;
	s1 =	simm.s32 @!p0 $0x0;
	(v2sf) =	vpush v3, $0x7  }
0x142: {  	p0 =	slt.s32 s8, s6;
	s8 =	simm.s32 $0x1;
	s0 =	sadd.s32 s1, s0;
	(v2sf) =	vpush v3, $0x8  }
0x143: {  	s8 =	simm.s32 @!p0 $0x0;
	p0 =	slt.s32 s20, s6;
	s12 =	spop (v2sf);
	(v2sf) =	vpush v3, $0x9  }
0x144: {  	s0 =	sadd.s32 s8, s0;
	s8 =	simm.s32 $0x1;
	s20 =	spop (v2sf);
	(v2sf) =	vpush v3, $0xA  }
0x145: {  	s8 =	simm.s32 @!p0 $0x0;
	p0 =	slt.s32 s3, s6;
	s3 =	spop (v2sf);
	(v2sf) =	vpush v3, $0xB  }
0x146: {  	s19 =	simm.s32 $0x1;
	s15 =	simm.s32 @!p1 $0x0;
	p1 =	slt.s32 s17, s6  }
0x147: {  	s17 =	simm.s32 $0x1;
	s26 =	simm.s32 $0x1;
	s13 =	simm.s32 $0x1  }
0x148: {  	s29 =	simm.s32 $0x1;
	s0 =	sadd.s32 s8, s0;
	s13 =	simm.s32 @!p0 $0x0  }
0x149: {  	p0 =	slt.s32 s31, s6;
	s8 =	simm.s32 $0x1;
	s21 =	spop (v2sf);
	(v2sf) =	vpush v3, $0xC  }
0x14a: {  	s0 =	sadd.s32 s13, s0;
	s8 =	simm.s32 @!p0 $0x0;
	p0 =	slt.s32 s22, s6  }
0x14b: {  	v4 =	vld [tilespmem:$0x1E210];
	s19 =	simm.s32 @!p0 $0x0;
	p0 =	slt.s32 s16, s6;
	s25 =	spop (v2sf);
	(v2sf) =	vpush v3, $0xD  }
0x14c: {  	s16 =	simm.s32 $0x1;
	s15 =	sadd.s32 s15, s0;
	s22 =	spop (v2sf);
	(v2sf) =	vpush v3, $0xE  }
0x14d: {  	s16 =	simm.s32 @!p0 $0x0;
	p0 =	slt.s32 s18, s6;
	s18 =	simm.s32 $0x1  }
0x14e: {  	s0 =	simm.s32 $0x1;
	s28 =	sadd.s32 s8, s15;
	s18 =	simm.s32 @!p0 $0x0  }
0x14f: {  	p0 =	slt.s32 s9, s6;
	s9 =	simm.s32 $0x1;
	s23 =	spop (v2sf);
	(v2sf) =	vpush v3, $0xF  }
0x150: {  	s0 =	simm.s32 @!p1 $0x0;
	s9 =	simm.s32 @!p0 $0x0;
	s24 =	spop (v2sf);
	(v2sf) =	vpush v4, $0x0  }
0x151: {  	p0 =	slt.s32 s2, s6;
	s2 =	sadd.s32 s19, s28;
	s30 =	spop (v2sf);
	(v2sf) =	vpush v4, $0x1  }
0x152: {  	s19 =	simm.s32 $0x1;
	s26 =	simm.s32 @!p0 $0x0;
	s8 =	spop (v2sf);
	(v2sf) =	vpush v4, $0x2  }
0x153: {  	s16 =	sadd.s32 s16, s2;
	s2 =	simm.s32 $0x1;
	s15 =	spop (v2sf);
	(v2sf) =	vpush v4, $0x3  }
0x154: {  	p0 =	slt.s32 s12, s7;
	s12 =	simm.s32 $0x1;
	s31 =	spop (v2sf);
	(v2sf) =	vpush v4, $0x4  }
0x155: {  	s17 =	simm.s32 @!p0 $0x0;
	p0 =	slt.s32 s20, s7;
	s20 =	simm.s32 $0x1  }
0x156: {  	s20 =	simm.s32 @!p0 $0x0;
	p0 =	slt.s32 s3, s7;
	s3 =	sadd.s32 s18, s16  }
0x157: {  	s16 =	simm.s32 $0x1;
	s18 =	simm.s32 $0x1;
	s19 =	simm.s32 @!p0 $0x0  }
0x158: {  	p0 =	slt.s32 s21, s7;
	s21 =	simm.s32 $0x1;
	s13 =	spop (v2sf);
	(v2sf) =	vpush v4, $0x5  }
0x159: {  	s3 =	sadd.s32 s9, s3;
	s12 =	simm.s32 @!p0 $0x0;
	p0 =	slt.s32 s25, s7  }
0x15a: {  	s21 =	simm.s32 @!p0 $0x0;
	p0 =	slt.s32 s22, s7;
	s25 =	spop (v2sf);
	(v2sf) =	vpush v4, $0x6  }
0x15b: {  	s22 =	simm.s32 $0x1;
	p1 =	slt.s32 s23, s7;
	s1 =	spop (v2sf);
	(v2sf) =	vpush v4, $0x7  }
0x15c: {  	s22 =	simm.s32 @!p0 $0x0;
	s2 =	simm.s32 @!p1 $0x0;
	p0 =	slt.s32 s24, s7  }
0x15d: {  	s29 =	simm.s32 @!p0 $0x0;
	p0 =	slt.s32 s30, s7;
	s30 =	simm.s32 $0x1  }
0x15e: {  	s30 =	simm.s32 @!p0 $0x0;
	p0 =	slt.s32 s8, s7;
	s23 =	spop (v2sf);
	(v2sf) =	vpush v4, $0x8  }
0x15f: {  	s8 =	sadd.s32 s26, s3;
	s3 =	simm.s32 $0x1;
	s9 =	spop (v2sf);
	(v2sf) =	vpush v4, $0x9  }
0x160: {  	s16 =	simm.s32 @!p0 $0x0;
	p0 =	slt.s32 s15, s7;
	s24 =	spop (v2sf);
	(v2sf) =	vpush v4, $0xA  }
0x161: {  	s0 =	sadd.s32 s0, s8;
	s18 =	simm.s32 @!p0 $0x0;
	s15 =	spop (v2sf);
	(v2sf) =	vpush v4, $0xB  }
0x162: {  	p0 =	slt.s32 s31, s7;
	s31 =	simm.s32 $0x1;
	s26 =	spop (v2sf);
	(v2sf) =	vpush v4, $0xC  }
0x163: {  	s8 =	simm.s32 $0x1;
	s31 =	simm.s32 @!p0 $0x0;
	s28 =	spop (v2sf);
	(v2sf) =	vpush v4, $0xD  }
0x164: {  	p0 =	slt.s32 s13, s7;
	s13 =	simm.s32 $0x1;
	p1 =	slt.s32 s25, s7  }
0x165: {  	v3 =	vld [tilespmem:$0x1E220];
	s3 =	simm.s32 @!p0 $0x0;
	s25 =	simm.s32 $0x1;
	p0 =	slt.s32 s1, s7  }
0x166: {  	[dreg:$0xb] =	wrdreg s0;
	s13 =	simm.s32 @!p1 $0x0;
	s25 =	simm.s32 @!p0 $0x0  }
0x167: {  	p0 =	slt.s32 s23, s7;
	s23 =	simm.s32 $0x1;
	s1 =	spop (v2sf);
	(v2sf) =	vpush v4, $0xE  }
0x168: {  	p1 =	slt.s32 s9, s7;
	s23 =	simm.s32 @!p0 $0x0;
	p0 =	slt.s32 s24, s7  }
0x169: {  	s24 =	simm.s32 $0x1;
	p2 =	slt.s32 s15, s7;
	s0 =	spop (v2sf);
	(v2sf) =	vpush v4, $0xF  }
0x16a: {  	p3 =	slt.s32 s26, s7;
	s26 =	simm.s32 $0x1;
	s9 =	spop (v2sf);
	(v2sf) =	vpush v3, $0x0  }
0x16b: {  	s8 =	simm.s32 @!p1 $0x0;
	s24 =	simm.s32 @!p0 $0x0;
	s26 =	simm.s32 @!p2 $0x0  }
0x16c: {  	p4 =	slt.s32 s28, s7;
	p1 =	slt.s32 s1, s7;
	[dreg:$0x10] =	wrdreg s26  }
0x16d: {  	s26 =	simm.s32 $0x1;
	p6 =	slt.s32 s0, s7;
	s15 =	spop (v2sf);
	(v2sf) =	vpush v3, $0x1  }
0x16e: {  	p0 =	slt.s32 s9, s7;
	s9 =	simm.s32 $0x1;
	s28 =	spop (v2sf)  }
0x16f: {  	s26 =	simm.s32 @!p4 $0x0;
	s9 =	simm.s32 @!p3 $0x0;
	s0 =	spop (v2sf)  }
0x170: {  	p3 =	slt.s32 s15, s7;
	p4 =	slt.s32 s28, s7;
	s28 =	spop (v2sf)  }
0x171: {  	p2 =	slt.s32 s0, s7;
	p5 =	slt.s32 s28, s7;
	s1 =	spop (v2sf)  }
0x172: {  	(v2sf) =	vpush v3, $0x2;
	s28 =	simm.s32 $0x1;
	s0 =	simm.s32 @!p5 $0x0;
	s15 =	spop (v2sf)  }
0x173: {  	(v2sf) =	vpush v3, $0x3;
	s28 =	simm.s32 @!p1 $0x0;
	s0 =	simm.s32 @p5 $0x1;
	p5 =	slt.s32 s1, s7  }
0x174: {  	p1 =	slt.s32 s15, s7;
	s15 =	simm.s32 $0x1;
	s1 =	rddreg [dreg:$0xc]  }
0x175: {  	[smem:$0x7ED] =	sst s0;
	s15 =	simm.s32 @!p6 $0x0  }
0x176: {  	(v2sf) =	vpush v3, $0x4;
	s0 =	sor.u32 s20, s1;
	s1 =	simm.s32 $0x1;
	s20 =	spop (v2sf)  }
0x177: {  	(v2sf) =	vpush v3, $0x5;
	s1 =	simm.s32 @!p0 $0x0;
	s0 =	sadd.s32 s17, s0;
	p0 =	slt.s32 s20, s7  }
0x178: {  	s17 =	spop (v2sf);
	[dreg:$0xd] =	wrdreg s1;
	s0 =	sadd.s32 s19, s0  }
0x179: {  	s19 =	simm.s32 $0x1;
	p6 =	slt.s32 s17, s7;
	s20 =	spop (v2sf)  }
0x17a: {  	(v2sf) =	vpush v3, $0x6;
	s1 =	simm.s32 @!p6 $0x0;
	s19 =	simm.s32 @!p3 $0x0;
	s0 =	sadd.s32 s12, s0  }
0x17b: {  	(v2sf) =	vpush v3, $0x7;
	s12 =	simm.s32 $0x1;
	s1 =	simm.s32 @p6 $0x1;
	p6 =	slt.s32 s20, s7  }
0x17c: {  	s20 =	simm.s32 $0x1;
	s0 =	sadd.s32 s21, s0;
	s21 =	spop (v2sf)  }
0x17d: {  	s12 =	simm.s32 @!p5 $0x0;
	[smem:$0x7EE] =	sst s1;
	s20 =	simm.s32 @!p4 $0x0  }
0x17e: {  	s1 =	simm.s32 $0x1;
	s0 =	sadd.s32 s22, s0;
	s22 =	sld [smem:$0x7ED]  }
0x17f: {  	(v2sf) =	vpush v3, $0x8;
	s1 =	simm.s32 @!p2 $0x0;
	p2 =	slt.s32 s21, s7;
	s21 =	simm.s32 $0x1  }
0x180: {  	(v2sf) =	vpush v3, $0x9;
	s0 =	sadd.s32 s2, s0;
	s2 =	simm.s32 $0x1;
	[dreg:$0xe] =	wrdreg s1  }
0x181: {  	(v2sf) =	vpush v3, $0xA;
	s1 =	spop (v2sf);
	s0 =	sadd.s32 s29, s0;
	s29 =	simm.s32 $0x1  }
0x182: {  	(v2sf) =	vpush v3, $0xB;
	p4 =	slt.s32 s1, s7;
	s17 =	spop (v2sf);
	p3 =	seq.s32 s22, $0x1  }
0x183: {  	s22 =	simm.s32 $0x1;
	s0 =	sadd.s32 s30, s0;
	s29 =	simm.s32 @!p0 $0x0  }
0x184: {  	(v2sf) =	vpush v3, $0xC;
	s30 =	simm.s32 $0x1;
	s21 =	simm.s32 @!p3 $0x0;
	p3 =	slt.s32 s17, s7  }
0x185: {  	s22 =	simm.s32 @!p1 $0x0;
	s0 =	sadd.s32 s16, s0;
	s1 =	spop (v2sf)  }
0x186: {  	s30 =	simm.s32 @!p6 $0x0;
	(v2sf) =	vpush v3, $0xD;
	p1 =	slt.s32 s1, s7;
	s17 =	spop (v2sf)  }
0x187: {  	(v2sf) =	vpush v3, $0xE;
	s1 =	simm.s32 @!p1 $0x0;
	p5 =	slt.s32 s17, s7;
	s17 =	sld [smem:$0x7EE]  }
0x188: {  	s16 =	simm.s32 $0x1;
	s0 =	sadd.s32 s18, s0;
	s1 =	simm.s32 @p1 $0x1  }
0x189: {  	v4 =	vld [tilespmem:$0x1E230];
	s16 =	simm.s32 @!p4 $0x0;
	[smem:$0x7EF] =	sst s1;
	s1 =	spop (v2sf)  }
0x18a: {  	s0 =	sadd.s32 s31, s0;
	p1 =	seq.s32 s17, $0x1;
	s18 =	spop (v2sf)  }
0x18b: {  	s31 =	simm.s32 $0x1;
	(v2sf) =	vpush v3, $0xF;
	s2 =	simm.s32 @!p1 $0x0;
	p1 =	slt.s32 s18, s7  }
0x18c: {  	s31 =	simm.s32 @!p2 $0x0;
	p0 =	slt.s32 s1, s7;
	s1 =	simm.s32 @!p1 $0x0  }
0x18d: {  	s0 =	sadd.s32 s3, s0;
	s3 =	simm.s32 $0x1;
	s1 =	simm.s32 @p1 $0x1  }
0x18e: {  	s3 =	simm.s32 @!p3 $0x0;
	(v2sf) =	vpush v4, $0x0;
	[smem:$0x7F0] =	sst s1;
	s1 =	spop (v2sf)  }
0x18f: {  	s0 =	sadd.s32 s13, s0;
	s13 =	sld [smem:$0x7EF];
	s17 =	spop (v2sf)  }
0x190: {  	p6 =	slt.s32 s1, s7;
	p1 =	slt.s32 s17, s7;
	s18 =	spop (v2sf)  }
0x191: {  	s17 =	sadd.s32 s25, s0;
	p4 =	slt.s32 s18, s7;
	s1 =	spop (v2sf)  }
0x192: {  	(v2sf) =	vpush v4, $0x1;
	s18 =	simm.s32 $0x1;
	p2 =	slt.s32 s1, s7;
	s1 =	simm.s32 $0x1  }
0x193: {  	s25 =	spop (v2sf);
	s0 =	simm.s32 @!p2 $0x0;
	s1 =	simm.s32 @!p5 $0x0  }
0x194: {  	(v2sf) =	vpush v4, $0x2;
	s0 =	simm.s32 @p2 $0x1;
	p2 =	seq.s32 s13, $0x1;
	s13 =	simm.s32 $0x1  }
0x195: {  	(v2sf) =	vpush v4, $0x3;
	[smem:$0x7F1] =	sst s0;
	s18 =	simm.s32 @!p2 $0x0;
	s0 =	spop (v2sf)  }
0x196: {  	(v2sf) =	vpush v4, $0x4;
	p2 =	slt.s32 s25, s7;
	s25 =	sadd.s32 s23, s17;
	s17 =	spop (v2sf)  }
0x197: {  	s23 =	simm.s32 $0x1;
	p3 =	slt.s32 s17, s7;
	s17 =	sld [smem:$0x7F0]  }
0x198: {  	(v2sf) =	vpush v4, $0x5;
	s23 =	simm.s32 @!p0 $0x0;
	s8 =	sadd.s32 s8, s25;
	p0 =	slt.s32 s0, s7  }
0x199: {  	s8 =	sadd.s32 s24, s8;
	s24 =	simm.s32 $0x1;
	s0 =	simm.s32 @!p3 $0x0  }
0x19a: {  	s25 =	spop (v2sf);
	s0 =	simm.s32 @p3 $0x1;
	p3 =	seq.s32 s17, $0x1  }
0x19b: {  	(v2sf) =	vpush v4, $0x6;
	s24 =	simm.s32 @!p3 $0x0;
	p3 =	slt.s32 s25, s7;
	s25 =	rddreg [dreg:$0x10]  }
0x19c: {  	s13 =	simm.s32 @!p6 $0x0;
	s8 =	sadd.s32 s25, s8;
	s25 =	simm.s32 $0x1  }
0x19d: {  	[smem:$0x7F2] =	sst s0;
	s17 =	spop (v2sf);
	s25 =	simm.s32 @!p1 $0x0  }
0x19e: {  	s8 =	sadd.s32 s9, s8;
	p1 =	slt.s32 s17, s7;
	s9 =	sld [smem:$0x7F1]  }
0x19f: {  	(v2sf) =	vpush v4, $0x7;
	s0 =	simm.s32 @!p1 $0x0;
	s17 =	sadd.s32 s26, s8;
	s26 =	simm.s32 $0x1  }
0x1a0: {  	(v2sf) =	vpush v4, $0x8;
	s8 =	simm.s32 $0x1;
	s0 =	simm.s32 @p1 $0x1;
	s26 =	simm.s32 @!p4 $0x0  }
0x1a1: {  	s28 =	sadd.s32 s28, s17;
	[smem:$0x7F3] =	sst s0;
	s0 =	spop (v2sf)  }
0x1a2: {  	p1 =	seq.s32 s9, $0x1;
	s9 =	sadd.s32 s15, s28;
	s28 =	rddreg [dreg:$0xd]  }
0x1a3: {  	(v2sf) =	vpush v4, $0x9;
	p6 =	slt.s32 s0, s7;
	s0 =	spop (v2sf);
	s8 =	simm.s32 @!p1 $0x0  }
0x1a4: {  	p4 =	slt.s32 s0, s7;
	s0 =	simm.s32 $0x1;
	s17 =	spop (v2sf)  }
0x1a5: {  	s0 =	simm.s32 @!p2 $0x0;
	p2 =	slt.s32 s17, s7;
	s15 =	spop (v2sf)  }
0x1a6: {  	s17 =	simm.s32 $0x1;
	[dreg:$0xf] =	wrdreg s0;
	s0 =	sadd.s32 s28, s9  }
0x1a7: {  	(v2sf) =	vpush v4, $0xA;
	p5 =	slt.s32 s15, s7;
	s15 =	spop (v2sf);
	s28 =	sld [smem:$0x7F2]  }
0x1a8: {  	(v2sf) =	vpush v4, $0xB;
	s17 =	simm.s32 @!p0 $0x0;
	s0 =	sadd.s32 s19, s0;
	s19 =	simm.s32 $0x1  }
0x1a9: {  	v5 =	vld [tilespmem:$0x1E240];
	(v2sf) =	vpush v4, $0xC;
	s9 =	simm.s32 $0x1;
	p0 =	slt.s32 s15, s7;
	s19 =	simm.s32 @!p3 $0x0  }
0x1aa: {  	s0 =	sadd.s32 s20, s0;
	s20 =	spop (v2sf);
	p1 =	seq.s32 s28, $0x1  }
0x1ab: {  	(v2sf) =	vpush v4, $0xD;
	p3 =	slt.s32 s20, s7;
	s28 =	rddreg [dreg:$0xe];
	s20 =	simm.s32 $0x1  }
0x1ac: {  	(v2sf) =	vpush v4, $0xE;
	s15 =	simm.s32 @!p3 $0x0;
	s0 =	sadd.s32 s28, s0;
	s28 =	sld [smem:$0x7F3]  }
0x1ad: {  	(v2sf) =	vpush v4, $0xF;
	s9 =	simm.s32 @!p1 $0x0;
	s15 =	simm.s32 @p3 $0x1;
	s0 =	sadd.s32 s21, s0  }
0x1ae: {  	[smem:$0x7F4] =	sst s15;
	s15 =	spop (v2sf);
	(v2sf) =	vpush v5, $0x0;
	s0 =	sadd.s32 s12, s0  }
0x1af: {  	p3 =	slt.s32 s15, s7;
	s15 =	spop (v2sf);
	p1 =	seq.s32 s28, $0x1  }
0x1b0: {  	s28 =	simm.s32 $0x1;
	s0 =	sadd.s32 s22, s0;
	s20 =	simm.s32 @!p1 $0x0  }
0x1b1: {  	p1 =	slt.s32 s15, s7;
	s15 =	simm.s32 $0x1;
	s28 =	simm.s32 @!p4 $0x0  }
0x1b2: {  	(v2sf) =	vpush v5, $0x1;
	s21 =	spop (v2sf);
	s0 =	sadd.s32 s29, s0;
	[dreg:$0x11] =	wrdreg s20  }
0x1b3: {  	s15 =	simm.s32 @!p6 $0x0;
	p4 =	slt.s32 s21, s7;
	s21 =	simm.s32 $0x1  }
0x1b4: {  	s0 =	sadd.s32 s2, s0;
	s12 =	simm.s32 @!p4 $0x0;
	s21 =	simm.s32 @!p0 $0x0  }
0x1b5: {  	s0 =	sadd.s32 s30, s0;
	s30 =	sld [smem:$0x7F4];
	s12 =	simm.s32 @p4 $0x1  }
0x1b6: {  	(v2sf) =	vpush v5, $0x2;
	s20 =	spop (v2sf);
	s0 =	sadd.s32 s31, s0;
	[smem:$0x7F5] =	sst s12  }
0x1b7: {  	s12 =	simm.s32 $0x1;
	p4 =	slt.s32 s20, s7;
	s22 =	spop (v2sf)  }
0x1b8: {  	(v2sf) =	vpush v5, $0x3;
	s0 =	sadd.s32 s16, s0;
	s12 =	simm.s32 @!p2 $0x0;
	s29 =	spop (v2sf)  }
0x1b9: {  	p2 =	slt.s32 s22, s7;
	s22 =	simm.s32 $0x1;
	p0 =	slt.s32 s29, s7  }
0x1ba: {  	s0 =	sadd.s32 s3, s0;
	s20 =	spop (v2sf);
	s2 =	simm.s32 @!p0 $0x0  }
0x1bb: {  	(v2sf) =	vpush v5, $0x4;
	p6 =	slt.s32 s20, s7;
	s29 =	spop (v2sf);
	s2 =	simm.s32 @p0 $0x1  }
0x1bc: {  	p0 =	seq.s32 s30, $0x1;
	s30 =	simm.s32 $0x1;
	s20 =	spop (v2sf)  }
0x1bd: {  	[smem:$0x7F6] =	sst s2;
	s2 =	simm.s32 $0x1;
	s31 =	spop (v2sf)  }
0x1be: {  	(v2sf) =	vpush v5, $0x5;
	s2 =	simm.s32 @!p0 $0x0;
	p0 =	slt.s32 s31, s7;
	s31 =	sld [smem:$0x7F5]  }
0x1bf: {  	s22 =	simm.s32 @!p5 $0x0;
	s0 =	sadd.s32 s18, s0;
	s30 =	simm.s32 @!p1 $0x0  }
0x1c0: {  	(v2sf) =	vpush v5, $0x6;
	p1 =	slt.s32 s20, s7;
	s20 =	simm.s32 $0x1;
	s3 =	simm.s32 @!p0 $0x0  }
0x1c1: {  	(v2sf) =	vpush v5, $0x7;
	s16 =	spop (v2sf);
	s3 =	simm.s32 @p0 $0x1;
	p0 =	seq.s32 s31, $0x1  }
0x1c2: {  	s0 =	sadd.s32 s1, s0;
	s20 =	simm.s32 @!p0 $0x0;
	p0 =	slt.s32 s16, s7  }
0x1c3: {  	p5 =	slt.s32 s29, s7;
	[smem:$0x7F7] =	sst s3;
	s3 =	simm.s32 @!p0 $0x0  }
0x1c4: {  	s29 =	simm.s32 $0x1;
	s23 =	sadd.s32 s23, s0;
	s3 =	simm.s32 @p0 $0x1  }
0x1c5: {  	(v2sf) =	vpush v5, $0x8;
	s31 =	simm.s32 $0x1;
	[smem:$0x7F8] =	sst s3;
	s3 =	spop (v2sf)  }
0x1c6: {  	s29 =	simm.s32 @!p3 $0x0;
	(v2sf) =	vpush v5, $0x9;
	s31 =	simm.s32 @!p4 $0x0;
	p0 =	slt.s32 s3, s7  }
0x1c7: {  	s16 =	simm.s32 $0x1;
	s18 =	spop (v2sf);
	s1 =	simm.s32 @!p0 $0x0  }
0x1c8: {  	(v2sf) =	vpush v5, $0xA;
	s1 =	simm.s32 @p0 $0x1;
	p0 =	slt.s32 s18, s7;
	s18 =	sld [smem:$0x7F6]  }
0x1c9: {  	s16 =	simm.s32 @!p2 $0x0;
	s3 =	simm.s32 $0x1;
	s0 =	simm.s32 @!p0 $0x0  }
0x1ca: {  	[smem:$0x7F9] =	sst s1;
	s1 =	spop (v2sf);
	s0 =	simm.s32 @p0 $0x1  }
0x1cb: {  	p3 =	slt.s32 s1, s7;
	[smem:$0x7FA] =	sst s0;
	p0 =	seq.s32 s18, $0x1  }
0x1cc: {  	s18 =	simm.s32 $0x1;
	s0 =	sadd.s32 s24, s23;
	s23 =	simm.s32 $0x1  }
0x1cd: {  	s24 =	spop (v2sf);
	s3 =	simm.s32 @!p0 $0x0;
	s18 =	simm.s32 @!p6 $0x0  }
0x1ce: {  	s23 =	simm.s32 @!p5 $0x0;
	s1 =	sadd.s32 s13, s0;
	p5 =	slt.s32 s24, s7  }
0x1cf: {  	s0 =	spop (v2sf);
	s13 =	simm.s32 $0x1;
	s24 =	sld [smem:$0x7F7]  }
0x1d0: {  	(v2sf) =	vpush v5, $0xB;
	s1 =	sadd.s32 s25, s1;
	p4 =	slt.s32 s0, s7;
	s0 =	spop (v2sf)  }
0x1d1: {  	(v2sf) =	vpush v5, $0xC;
	s13 =	simm.s32 @!p1 $0x0;
	s1 =	sadd.s32 s26, s1;
	s26 =	sld [smem:$0x7F8]  }
0x1d2: {  	(v2sf) =	vpush v5, $0xD;
	s25 =	simm.s32 $0x1;
	p1 =	slt.s32 s0, s7;
	s0 =	sld [smem:$0x7F9]  }
0x1d3: {  	p0 =	seq.s32 s24, $0x1;
	s24 =	simm.s32 $0x1;
	s1 =	sadd.s32 s8, s1  }
0x1d4: {  	s8 =	spop (v2sf);
	s25 =	simm.s32 @!p0 $0x0;
	p0 =	seq.s32 s26, $0x1  }
0x1d5: {  	s26 =	spop (v2sf);
	p6 =	seq.s32 s0, $0x1;
	s24 =	simm.s32 @!p0 $0x0  }
0x1d6: {  	p0 =	slt.s32 s8, s7;
	s8 =	rddreg [dreg:$0xf];
	p2 =	slt.s32 s26, s7  }
0x1d7: {  	s26 =	spop (v2sf);
	s1 =	sadd.s32 s8, s1;
	s8 =	simm.s32 $0x1  }
0x1d8: {  	v3 =	vld [tilespmem:$0x1E250];
	s8 =	simm.s32 @!p6 $0x0;
	p6 =	slt.s32 s26, s7  }
0x1d9: {  	(v2sf) =	vpush v5, $0xE;
	s0 =	simm.s32 @!p6 $0x0  }
0x1da: {  	s0 =	simm.s32 @p6 $0x1  }
0x1db: {  	(v2sf) =	vpush v5, $0xF;
	[smem:$0x7FB] =	sst s0  }
0x1dc: {  	s0 =	sld [smem:$0x7FA]  }
0x1dd: {  	(v2sf) =	vpush v3, $0x0  }
0x1de: {  	s1 =	sadd.s32 s17, s1;
	s17 =	simm.s32 $0x1  }
0x1df: {  	s17 =	simm.s32 @!p3 $0x0;
	p6 =	seq.s32 s0, $0x1;
	s0 =	spop (v2sf)  }
0x1e0: {  	s1 =	sadd.s32 s9, s1;
	p3 =	slt.s32 s0, s7;
	s0 =	spop (v2sf)  }
0x1e1: {  	(v2sf) =	vpush v3, $0x1;
	s9 =	simm.s32 $0x1;
	s1 =	sadd.s32 s19, s1;
	s19 =	spop (v2sf)  }
0x1e2: {  	s26 =	simm.s32 $0x1;
	s9 =	simm.s32 @!p5 $0x0;
	p5 =	slt.s32 s19, s7  }
0x1e3: {  	(v2sf) =	vpush v3, $0x2;
	s26 =	simm.s32 @!p6 $0x0;
	p6 =	slt.s32 s0, s7;
	s0 =	simm.s32 @!p5 $0x0  }
0x1e4: {  	s0 =	simm.s32 @p5 $0x1  }
0x1e5: {  	(v2sf) =	vpush v3, $0x3;
	[smem:$0x7FC] =	sst s0  }
0x1e6: {  	s19 =	simm.s32 $0x1;
	s0 =	rddreg [dreg:$0x11]  }
0x1e7: {  	(v2sf) =	vpush v3, $0x4;
	s19 =	simm.s32 @!p4 $0x0;
	s0 =	sadd.s32 s0, s1  }
0x1e8: {  	s1 =	simm.s32 $0x1;
	s0 =	sadd.s32 s15, s0;
	s15 =	spop (v2sf)  }
0x1e9: {  	(v2sf) =	vpush v3, $0x5;
	s1 =	simm.s32 @!p1 $0x0;
	p1 =	slt.s32 s15, s7;
	s15 =	simm.s32 $0x1  }
0x1ea: {  	s0 =	sadd.s32 s28, s0;
	s28 =	spop (v2sf);
	s15 =	simm.s32 @!p0 $0x0  }
0x1eb: {  	s0 =	sadd.s32 s12, s0;
	p4 =	slt.s32 s28, s7;
	s12 =	simm.s32 $0x1  }
0x1ec: {  	(v2sf) =	vpush v3, $0x6;
	s28 =	sld [smem:$0x7FB];
	s0 =	sadd.s32 s22, s0;
	s22 =	spop (v2sf)  }
0x1ed: {  	(v2sf) =	vpush v3, $0x7;
	s12 =	simm.s32 @!p2 $0x0;
	s0 =	sadd.s32 s21, s0;
	p0 =	slt.s32 s22, s7  }
0x1ee: {  	s22 =	sld [smem:$0x7FC];
	s21 =	simm.s32 @!p0 $0x0;
	s0 =	sadd.s32 s2, s0  }
0x1ef: {  	(v2sf) =	vpush v3, $0x8;
	s2 =	simm.s32 $0x1;
	s21 =	simm.s32 @p0 $0x1;
	p0 =	seq.s32 s28, $0x1  }
0x1f0: {  	s0 =	sadd.s32 s29, s0;
	s29 =	spop (v2sf);
	[smem:$0x7FD] =	sst s21  }
0x1f1: {  	s2 =	simm.s32 @!p0 $0x0;
	p2 =	slt.s32 s29, s7;
	s0 =	sadd.s32 s30, s0  }
0x1f2: {  	(v2sf) =	vpush v3, $0x9;
	s21 =	simm.s32 $0x1;
	s30 =	spop (v2sf);
	p0 =	seq.s32 s22, $0x1  }
0x1f3: {  	s21 =	simm.s32 @!p3 $0x0;
	s0 =	sadd.s32 s20, s0;
	p5 =	slt.s32 s30, s7  }
0x1f4: {  	(v2sf) =	vpush v3, $0xA;
	s20 =	simm.s32 $0x1;
	s0 =	sadd.s32 s31, s0;
	s31 =	spop (v2sf)  }
0x1f5: {  	s20 =	simm.s32 @!p6 $0x0;
	s0 =	sadd.s32 s16, s0;
	p6 =	slt.s32 s31, s7  }
0x1f6: {  	(v2sf) =	vpush v3, $0xB;
	s28 =	spop (v2sf);
	s16 =	simm.s32 $0x1;
	s0 =	sadd.s32 s3, s0  }
0x1f7: {  	(v2sf) =	vpush v3, $0xC;
	s3 =	simm.s32 $0x1;
	s16 =	simm.s32 @!p1 $0x0;
	s0 =	sadd.s32 s18, s0  }
0x1f8: {  	s29 =	spop (v2sf);
	s3 =	simm.s32 @!p0 $0x0;
	s0 =	sadd.s32 s23, s0  }
0x1f9: {  	p0 =	slt.s32 s28, s7;
	p3 =	slt.s32 s29, s7;
	s0 =	sadd.s32 s13, s0  }
0x1fa: {  	(v2sf) =	vpush v3, $0xD;
	s23 =	sld [smem:$0x7FD];
	s13 =	simm.s32 $0x1;
	s0 =	sadd.s32 s25, s0  }
0x1fb: {  	s30 =	spop (v2sf);
	(v2sf) =	vpush v3, $0xE;
	s13 =	simm.s32 @!p4 $0x0;
	s0 =	sadd.s32 s24, s0  }
0x1fc: {  	p4 =	slt.s32 s30, s7;
	s31 =	spop (v2sf);
	s0 =	sadd.s32 s8, s0  }
0x1fd: {  	p1 =	seq.s32 s23, $0x1;
	s8 =	simm.s32 $0x1;
	s0 =	sadd.s32 s26, s0  }
0x1fe: {  	s24 =	spop (v2sf);
	s8 =	simm.s32 @!p1 $0x0;
	s0 =	sadd.s32 s17, s0  }
0x1ff: {  	p1 =	slt.s32 s31, s7;
	s17 =	simm.s32 $0x1;
	s0 =	sadd.s32 s9, s0  }
0x200: {  	s17 =	simm.s32 @!p2 $0x0;
	p2 =	slt.s32 s24, s7;
	s9 =	simm.s32 $0x1  }
0x201: {  	s0 =	sadd.s32 s19, s0;
	s25 =	spop (v2sf);
	s9 =	simm.s32 @!p5 $0x0  }
0x202: {  	s0 =	sadd.s32 s1, s0;
	p5 =	slt.s32 s25, s7;
	s1 =	simm.s32 $0x1  }
0x203: {  	(v2sf) =	vpush v3, $0xF;
	s26 =	spop (v2sf);
	s0 =	sadd.s32 s15, s0;
	s1 =	simm.s32 @!p6 $0x0  }
0x204: {  	p6 =	slt.s32 s26, s7;
	s15 =	rddreg [dreg:$0xa];
	s0 =	sadd.s32 s12, s0  }
0x205: {  	s28 =	spop (v2sf);
	s12 =	simm.s32 $0x1;
	s0 =	sadd.s32 s2, s0  }
0x206: {  	s2 =	simm.s32 $0x1;
	s29 =	spop (v2sf);
	s0 =	sadd.s32 s21, s0  }
0x207: {  	s12 =	simm.s32 @!p3 $0x0;
	s2 =	simm.s32 @!p0 $0x0;
	s0 =	sadd.s32 s20, s0  }
0x208: {  	p0 =	slt.s32 s28, s7;
	p3 =	slt.s32 s29, s7;
	s0 =	sadd.s32 s3, s0  }
0x209: {  	s30 =	spop (v2sf);
	s3 =	simm.s32 $0x1;
	s0 =	sadd.s32 s16, s0  }
0x20a: {  	s31 =	spop (v2sf);
	s3 =	simm.s32 @!p4 $0x0;
	s0 =	sadd.s32 s13, s0  }
0x20b: {  	p4 =	slt.s32 s30, s7;
	s16 =	rddreg [dreg:$0xb];
	s0 =	sadd.s32 s8, s0  }
0x20c: {  	s19 =	sand.u32 $0x7, s16;
	s8 =	simm.s32 $0x1;
	s0 =	sadd.s32 s17, s0  }
0x20d: {  	s8 =	simm.s32 @!p1 $0x0;
	p1 =	slt.s32 s31, s7;
	s17 =	sadd.s32 s15, s16  }
0x20e: {  	s0 =	sadd.s32 s9, s0;
	s9 =	simm.s32 $0x1;
	s20 =	sshra.s32 s17, $0x1F  }
0x20f: {  	s9 =	simm.s32 @!p2 $0x0;
	s0 =	sadd.s32 s1, s0;
	s1 =	simm.s32 $0x1  }
0x210: {  	s21 =	sshrl.u32 s20, $0x1D;
	s0 =	sadd.s32 s2, s0;
	s2 =	simm.s32 $0x1  }
0x211: {  	s1 =	simm.s32 @!p5 $0x0;
	s2 =	simm.s32 @!p6 $0x0;
	s0 =	sadd.s32 s12, s0  }
0x212: {  	s12 =	simm.s32 $0x1;
	s18 =	spop (v2sf);
	s0 =	sadd.s32 s3, s0  }
0x213: {  	s12 =	simm.s32 @!p0 $0x0;
	s3 =	simm.s32 $0x1;
	s0 =	sadd.s32 s8, s0  }
0x214: {  	s8 =	simm.s32 $0x1;
	s3 =	simm.s32 @!p3 $0x0;
	p3 =	slt.s32 s17, $0x1  }
0x215: {  	s8 =	simm.s32 @!p4 $0x0;
	s0 =	sadd.s32 s9, s0;
	s9 =	simm.s32 $0x1  }
0x216: {  	p4 =	sne.s32 s19, $0x0;
	s0 =	sadd.s32 s1, s0;
	s9 =	simm.s32 @!p1 $0x0  }
0x217: {  	p1 =	slt.s32 s18, s7;
	s1 =	simm.s32 $0x1;
	s0 =	sadd.s32 s2, s0  }
0x218: {  	p0 =	por !p3, !p4;
	s2 =	sadd.s32 s21, s17;
	s0 =	sadd.s32 s12, s0  }
0x219: {  	p0 =	por !p0, !p0;
	s0 =	sadd.s32 s3, s0;
	s3 =	simm.s32 $0x1  }
0x21a: {  	s8 =	sadd.s32 s8, s0;
	s0 =	sshra.s32 s2, $0x3;
	s3 =	simm.s32 @!p0 $0x0  }
0x21b: {  	s1 =	simm.s32 @!p1 $0x0;
	s22 =	sadd.s32 s9, s8;
	s3 =	ssub.s32 s0, s3  }
0x21c: {  	s1 =	sadd.s32 s1, s22;
	s18 =	sshll.u32 s3, $0x3  }
0x21d: {  	s2 =	ssub.s32 s1, s18  }
0x21e: {  	s23 =	smulhi.u32 $0xD20D20D3, s2;
	s24 =	sshra.s32 s2, $0x1F  }
0x21f: {  	s25 =	smul.u32 $0xD20D20D3, s24  }
0x220: {  	s3 =	ssub.s32 s23, s2  }
0x221: {  	s3 =	sadd.s32 s25, s3  }
0x222: {  	s3 =	sadd.s32 s2, s3  }
0x223: {  	s26 =	sshrl.u32 s3, $0x1F;
	s3 =	sshra.s32 s3, $0xC  }
0x224: {  	s9 =	simm.s32 $0x1;
	p1 =	sne.s32 s1, s18;
	s3 =	sadd.s32 s26, s3  }
0x225: {  	s9 =	simm.s32 @!p1 $0x0;
	s28 =	smul.u32 $0xFFFFEC80, s3  }
0x226: {  	s8 =	sor.u32 s9, s24;
	s2 =	ssub.s32 $0x0, s2  }
0x227: {  	p5 =	sne.s32 s8, $0x1;
	p6 =	sne.s32 s28, s2  }
0x228: {  	p1 =	por !p6, !p5  }
0x229: {  	s2 =	simm.s32 $0x1;
	p1 =	por !p1, !p1  }
0x22a: {  	s2 =	simm.s32 @!p1 $0x0  }
0x22b: {  	s20 =	ssub.s32 s3, s2  }
0x22c: {  	s2 =	smul.u32 $0x1380, s20;
	_ =	sdelay $0x1  }
0x22d: {  	s19 =	sadd.s32 s18, s2  }
0x22e: {  	p1 =	slt.s32 s19, $0x619480;
	s16 =	smov.u32 s19  }
0x22f: {  	s16 =	simm.s32 @!p1 $0x619480  }
0x230: {  	p1 =	sgt.s32 s20, $0x0;
	s2 =	smov.u32 s16  }
0x231: {  	s2 =	smov.u32 @p1 s18  }
.Ltmp3:
0x232: {  	s9 =	rddreg [dreg:$0x1];
	s2 =	sshrl.u32 s2, $0x3;
	(pc) =	sbr.rel @!p1 .LBB2_8-.Ltmp3, $4  }
0x233: {  	s30 =	simm.s32 $0x19380;
	s29 =	sadd.s32 s9, s2  }
0x234: {  	[tilespmem:s30], [sflag:$0x1] =	stream.linear.gather [hbm4b:s29+s5], $0x1380, $0x38;
	[tilespmem:$0x1E280] =	vst v63  }
0x235: {  	s31 =	simm.s32 $0x1BA80;
	s2 =	sadd.s32 s4, s2  }
0x236: {  	v3 =	vmov s1;
	[tilespmem:s31], [sflag:$0x1] =	stream.linear.gather [hbm4b:s2+s5], $0x1380, $0x38;
	[tilespmem:$0x1E280] =	vst v63  }
0x237: {  	s2 =	simm.s32 $0xFFFFFFFF  }
0x238: {  	s3 =	sadd.s32 $0xFFFFFFFF, s17;
	s8 =	sadd.s32 $0xFFFFFFFF, s1;
	s2 =	simm.s32 @!p0 $0x0  }
0x239: {  	v5 =	vmov s17;
	s0 =	sshll.u32 s0, $0x3;
	s22 =	simm.s32 $0x0;
	s2 =	sshll.u32 s2, $0x3  }
0x23a: {  	v3 =	vmov s1;
	s23 =	smov.u32 s18;
	v6 =	vmov s3;
	v4 =	vmov s8;
	p0 =	por $0x0, $0x0;
	s21 =	sadd.s32 s2, s0  }
.LBB2_14:
0x23b: {  	s0 =	simm.s32 $0x1  }
0x23c: {  	s0 =	simm.s32 @!p0 $0x0  }
0x23d: {  	s0 =	smul.u32 $0x1380, s0  }
0x23e: {  	s1 =	sand.u32 $0x1, s22  }
0x23f: {  	s22 =	sadd.s32 $0x1, s22;
	s28 =	sadd.s32 $0x1, s1;
	[dreg:$0x5] =	wrdreg s0  }
0x240: {  	s3 =	smov.u32 s16;
	s2 =	smul.u32 $0x1380, s22;
	_ =	swait.ge [sflag:s28], $0x1380  }
0x241: {  	s24 =	simm.s32 $0xFFFFFFF4;
	s1 =	sxor.u32 $0x1, s1;
	[sflag:s28] =	ssyncset.done $0x0  }
0x242: {  	p1 =	slt.s32 s22, s20;
	s2 =	sadd.s32 s18, s2;
	[sflag:s28] =	ssyncadd.s32 $0xFFFFEC80  }
0x243: {  	s8 =	smul.u32 $0x1380, s1;
	s3 =	smov.u32 @p1 s2;
	_ =	swait.ge [sflag:s28], $0x1380  }
0x244: {  	s1 =	sadd.s32 $0x1, s1;
	s29 =	sshrl.u32 s3, $0x3;
	[sflag:s28] =	ssyncset.done $0x0  }
0x245: {  	s30 =	sadd.s32 $0x19380, s8;
	s3 =	sadd.s32 s9, s29;
	[sflag:s28] =	ssyncadd.s32 $0xFFFFEC80  }
0x246: {  	[tilespmem:s30], [sflag:s1] =	stream.linear.gather [hbm4b:s3+s5], $0x1380, $0x38;
	[tilespmem:$0x1E280] =	vst v63  }
0x247: {  	s25 =	simm.s32 $0xB0;
	s31 =	sadd.s32 $0x1BA80, s8;
	s0 =	sadd.s32 s4, s29  }
0x248: {  	[tilespmem:s31], [sflag:s1] =	stream.linear.gather [hbm4b:s0+s5], $0x1380, $0x38;
	[tilespmem:$0x1E280] =	vst v63  }
.LBB2_15:
0x249: {  	s0 =	rddreg [dreg:$0x5]  }
0x24a: {  	s28 =	sadd.s32 s25, s0  }
0x24b: {  	s12 =	sadd.s32 $0xFFFFFF50, s25;
	s1 =	sadd.s32 $0xFFFFFF50, s28  }
0x24c: {  	s2 =	sadd.s32 $0xFFFFFF60, s25;
	s29 =	sand.u32 $0x40, s12;
	s1 =	sand.u32 $0x3F80, s1  }
0x24d: {  	s2 =	sand.u32 $0x50, s2;
	s0 =	sor.u32 s29, s1  }
0x24e: {  	s2 =	sor.u32 s2, s1;
	v7 =	vld [tilespmem:s0+$0x19380]  }
0x24f: {  	s26 =	sadd.s32 s25, s21;
	s8 =	sadd.s32 $0xFFFFFF70, s25;
	v8 =	vld [tilespmem:s2+$0x19380]  }
0x250: {  	s31 =	sadd.s32 $0xFFFFFF80, s25;
	s3 =	sadd.s32 $0xFFFFFF50, s26;
	s13 =	sand.u32 $0x60, s8;
	v9 =	vld [tilespmem:s0+$0x1BA80]  }
0x251: {  	v12 =	vadd.s32 s3, v2;
	s3 =	sand.u32 $0x70, s31;
	s15 =	sor.u32 s13, s1;
	v13 =	vld [tilespmem:s2+$0x1BA80]  }
0x252: {  	s1 =	sor.u32 s3, s1;
	v14 =	vld [tilespmem:s15+$0x19380]  }
0x253: {  	v17 =	vld [tilespmem:s1+$0x19380]  }
0x254: {  	v33 =	vld [tilespmem:s15+$0x1BA80]  }
0x255: {  	s0 =	sadd.s32 $0x1BA80, s0;
	v41 =	vld [tilespmem:s1+$0x1BA80]  }
0x256: {  	v10 =	vld [tilespmem:s0+$0x1]  }
0x257: {  	s12 =	sadd.s32 $0xFFFFFF90, s25;
	s13 =	sadd.s32 $0xFFFFFF90, s28;
	v38 =	vld [tilespmem:s0+$0x11]  }
0x258: {  	v40 =	vimm.s32 $0x0;
	s30 =	sadd.s32 $0xFFFFFF60, s26;
	s3 =	sand.u32 $0x7F80, s13;
	s2 =	sand.u32 $0x40, s12;
	v18 =	vld [tilespmem:s0+$0x21]  }
0x259: {  	v51 =	vimm.s32 $0x0;
	v60 =	vimm.s32 $0x0;
	s8 =	sadd.s32 $0xFFFFFF70, s26;
	v16 =	vadd.s32 s30, v2;
	s15 =	sor.u32 s2, s3;
	v45 =	vld [tilespmem:s0+$0x31]  }
0x25a: {  	v19 =	vadd.s32 s8, v2;
	s30 =	sadd.s32 $0xFFFFFF80, s26;
	s31 =	sadd.s32 $0xFFFFFFA0, s25;
	vm0 =	vge.s32 v12, v5;
	vm1 =	vlt.s32 v12, v3;
	s3 =	sadd.s32 $0xFFFFFFA0, s28;
	v20 =	vld [tilespmem:s15+$0x19380]  }
0x25b: {  	s8 =	sadd.s32 $0xFFFFFF90, s26;
	vm3 =	vge.s32 v12, v6;
	vm4 =	vlt.s32 v12, v4;
	vm5 =	vge.s32 v16, v5;
	s0 =	sand.u32 $0x50, s31;
	s2 =	sand.u32 $0x7F80, s3;
	v47 =	vld [tilespmem:s15+$0x1BA80]  }
0x25c: {  	vm6 =	vlt.s32 v16, v3;
	vm7 =	vlt.s32 v19, v3;
	v23 =	vadd.s32 s30, v2;
	s12 =	sadd.s32 $0xFFFFFFB0, s25;
	s13 =	sadd.s32 $0xFFFFFFB0, s28;
	v48 =	vld [tilespmem:s15+$0x1BA81];
	s0 =	sor.u32 s0, s2  }
0x25d: {  	v50 =	vadd.s32 s8, v2;
	vm0 =	vmand vm0, vm1;
	vm14 =	vmand vm3, vm4;
	s1 =	sand.u32 $0x60, s12;
	s2 =	sand.u32 $0x7F80, s13;
	v46 =	vld [tilespmem:s0+$0x19380]  }
0x25e: {  	s30 =	sadd.s32 $0xFFFFFFB0, s26;
	vm15 =	vmand vm5, vm6;
	vm4 =	vge.s32 v16, v6;
	vm5 =	vlt.s32 v16, v4;
	s15 =	sadd.s32 $0xFFFFFFA0, s26;
	v52 =	vld [tilespmem:s0+$0x1BA80];
	s1 =	sor.u32 s1, s2  }
0x25f: {  	vm6 =	vge.s32 v19, v5;
	v61 =	vadd.s32 s30, v2;
	v28 =	vadd.s32 s15, v2;
	v26 =	vld [tilespmem:s1+$0x19380]  }
0x260: {  	s31 =	sadd.s32 $0xFFFFFFC0, s25;
	s3 =	sadd.s32 $0xFFFFFFC0, s28;
	vm11 =	vlt.s32 v28, v3;
	v34 =	vsub.s32 v13, v0;
	v42 =	vsub.s32 v33, v0;
	v56 =	vld [tilespmem:s1+$0x1BA80]  }
0x261: {  	s8 =	sand.u32 $0x7F80, s3;
	v16 =	vsub.s32 v41, v0;
	v59 =	vld [tilespmem:s1+$0x1BA81];
	s1 =	sand.u32 $0x70, s31;
	vm12 =	vne.s32 v9, v10;
	v9 =	vsub.s32 v9, v0  }
0x262: {  	v27 =	vld [tilespmem:s0+$0x1BA81];
	v35 =	vsub.s32 v38, v0;
	v44 =	vsub.s32 v18, v0;
	s0 =	sor.u32 s1, s8;
	vm1 =	vmor vm12, vm10  }
0x263: {  	s13 =	sadd.s32 $0xFFFFFFC0, s26;
	vm2 =	vgt.s32 v9, $0x0;
	vm12 =	vne.s32 v13, v38;
	v53 =	vsub.s32 v47, v0;
	v31 =	vld [tilespmem:s0+$0x1BA81]  }
0x264: {  	s12 =	sadd.s32 $0xFFFFFFD0, s28;
	v55 =	vsub.s32 v48, v0;
	v38 =	vadd.s32 s13, v2;
	v15 =	vld.idx.msk [tilespmem:v8+s5+$0x0], $0xffff;
	v8 =	vsub.s32 v10, v0  }
0x265: {  	s1 =	sand.u32 $0x7F80, s12;
	v7 =	vld.idx.msk [tilespmem:v7+s5+$0x0], $0xffff;
	vm8 =	vmand vm0, vm1;
	vm9 =	vmand vm14, vm1;
	vm14 =	vgt.s32 v35, $0x0  }
0x266: {  	s15 =	sor.u32 s29, s1;
	s29 =	sadd.s32 $0xFFFFFFD0, s26;
	vm1 =	vmand vm4, vm5;
	v43 =	vld.idx.msk [tilespmem:v17+s5+$0x0], $0xffff;
	vm5 =	vne.s32 v41, v45;
	v17 =	vsub.s32 v45, v0  }
0x267: {  	vm4 =	vge.s32 v23, v6;
	v32 =	vadd.s32 s29, v2;
	vm13 =	vgt.s32 v8, $0x0  }
0x268: {  	v36 =	vnsel vm14, $0x0, v35;
	vm14 =	vgt.s32 v42, $0x0;
	v57 =	vsub.s32 v52, v0  }
0x269: {  	v45 =	vld [tilespmem:s15+$0x1BA80];
	v58 =	vsub.s32 v27, v0;
	v8 =	vnsel vm13, $0x0, v8;
	vm13 =	vgt.s32 v34, $0x0  }
0x26a: {  	v62 =	vsub.s32 v56, v0;
	v30 =	vsub.s32 v59, v0;
	v10 =	vmin.u32 v36, $0xC3F  }
0x26b: {  	v41 =	vsub.s32 v31, v0;
	v11 =	vnsel vm0, $0x0, v7;
	v7 =	vnsel vm2, $0x0, v9  }
0x26c: {  	v39 =	vnsel vm15, $0x0, v15;
	vm0 =	vmor vm12, vm10;
	v9 =	vnsel vm13, $0x0, v34  }
0x26d: {  	v14 =	vld.idx.msk [tilespmem:v14+s5+$0x0], $0xffff;
	vm12 =	vne.s32 v33, v18;
	vm13 =	vcmask $0x3F3C;
	vm2 =	vgt.s32 v44, $0x0  }
0x26e: {  	v54 =	vld.idx.msk [tilespmem:v46+s5+$0x0], $0xffff;
	v46 =	vsub.s32 v45, v0;
	v7 =	vmin.u32 v7, $0xC3F;
	vm15 =	vmand vm15, vm0  }
0x26f: {  	v63 =	vld [tilespmem:s0+$0x1BA80];
	vm10 =	vmand vm1, vm0;
	vm0 =	vmand vm6, vm7;
	vm1 =	vmor vm12, vm13  }
0x270: {  	vm12 =	vlt.s32 v19, v4;
	vm13 =	vge.s32 v23, v5;
	v18 =	vnsel vm2, $0x0, v44  }
0x271: {  	vm7 =	vcmask $0x3F3C;
	vm2 =	vge.s32 v50, v5;
	v9 =	vmin.u32 v9, $0xC3F  }
0x272: {  	v13 =	vsel vm15, $0xFFFFFFFF, v40;
	v22 =	vnsel vm0, $0x0, v14;
	vm15 =	vge.s32 v19, v6  }
0x273: {  	vm6 =	vmand vm0, vm1;
	vm0 =	vmor vm5, vm7;
	vm5 =	vlt.s32 v23, v4  }
0x274: {  	vm7 =	vlt.s32 v50, v3;
	v40 =	vsub.s32 v63, v0;
	v18 =	vmin.u32 v18, $0xC3F  }
0x275: {  	[tilespmem:$0x1FFC0] =	vst v13;
	v13 =	vnsel vm14, $0x0, v42;
	vm14 =	vlt.s32 v23, v3;
	vm15 =	vmand vm15, vm12  }
0x276: {  	vm12 =	vgt.s32 v16, $0x0;
	vm3 =	vmand vm13, vm14;
	vm13 =	vmand vm15, vm1  }
0x277: {  	vm14 =	vgt.s32 v17, $0x0;
	v21 =	vnsel vm12, $0x0, v16;
	vm1 =	vmand vm4, vm5  }
0x278: {  	vm12 =	vcmask $0x3F3C;
	vm4 =	vgt.s32 v58, $0x0;
	v13 =	vmin.u32 v13, $0xC3F  }
0x279: {  	v25 =	vld.idx.msk [tilespmem:v20+s5+$0x0], $0xffff;
	v24 =	vnsel vm3, $0x0, v43;
	v49 =	vnsel vm14, $0x0, v17;
	vm15 =	vmand vm3, vm0  }
0x27a: {  	vm14 =	vne.s32 v47, v48;
	v15 =	vnsel vm4, $0x0, v58;
	vm4 =	vgt.s32 v62, $0x0  }
0x27b: {  	v21 =	vmin.u32 v21, $0xC3F;
	v17 =	vsel vm15, $0xFFFFFFFF, v51;
	vm15 =	vmand vm1, vm0  }
0x27c: {  	vm0 =	vmand vm2, vm7;
	vm7 =	vgt.s32 v53, $0x0;
	vm1 =	vmor vm14, vm12  }
0x27d: {  	vm2 =	vgt.s32 v55, $0x0;
	vm14 =	vge.s32 v50, v6;
	vm12 =	vlt.s32 v50, v4  }
0x27e: {  	(xrf2) =	vadd.scan.msk.f32 $0xffff, v11;
	v11 =	vnsel vm4, $0x0, v62;
	vm4 =	vlt.s32 v38, v3;
	v25 =	vnsel vm0, $0x0, v25  }
0x27f: {  	v23 =	vnsel vm7, $0x0, v53;
	vm7 =	vge.s32 v28, v5;
	v29 =	vnsel vm2, $0x0, v55  }
0x280: {  	vm14 =	vmand vm14, vm12;
	vm5 =	vmand vm0, vm1;
	vm12 =	vcmask $0x3F3C  }
0x281: {  	vm2 =	vge.s32 v61, v5;
	vm3 =	vmand vm7, vm11;
	vm7 =	vne.s32 v52, v27  }
0x282: {  	v26 =	vld.idx.msk [tilespmem:v26+s5+$0x0], $0xffff;
	vm11 =	vmand vm14, vm1;
	vm14 =	vgt.s32 v57, $0x0;
	vm0 =	vmor vm7, vm12  }
0x283: {  	v37 =	vld [tilespmem:s0+$0x19380];
	v14 =	vnsel vm14, $0x0, v57;
	vm12 =	vge.s32 v28, v6;
	vm14 =	vlt.s32 v28, v4  }
0x284: {  	v19 =	vnsel vm3, $0x0, v54;
	vm7 =	vmand vm3, vm0;
	vm1 =	vmand vm12, vm14  }
0x285: {  	v36 =	vld [tilespmem:s15+$0x1BA81];
	vm3 =	vlt.s32 v61, v3;
	vm12 =	vcmask $0x3F3C;
	v27 =	vsel vm7, $0xFFFFFFFF, v60  }
0x286: {  	v42 =	vld [tilespmem:$0x1FFF0];
	vm14 =	vmand vm1, vm0;
	vm0 =	vmand vm2, vm3;
	vm2 =	vne.s32 v56, v59  }
0x287: {  	vm7 =	vgt.s32 v30, $0x0;
	vm1 =	vge.s32 v61, v6;
	v26 =	vnsel vm0, $0x0, v26  }
0x288: {  	v12 =	vnsel vm7, $0x0, v30;
	vm7 =	vlt.s32 v61, v4;
	vm2 =	vmor vm2, vm12  }
0x289: {  	s30 =	sadd.s32 $0xFFFFFFE0, s25;
	s31 =	sadd.s32 $0xFFFFFFE0, s28;
	(xrf2) =	vadd.scan.msk.f32 $0xffff, v39;
	v39 =	vld [tilespmem:s15+$0x19380];
	vm1 =	vmand vm1, vm7;
	vm7 =	vmand vm0, vm2;
	vm0 =	vge.s32 v38, v5  }
0x28a: {  	s2 =	sand.u32 $0x7F80, s31;
	s1 =	sand.u32 $0x50, s30;
	(xrf2) =	vadd.scan.msk.f32 $0xffff, v22;
	vm12 =	vmand vm1, vm2;
	vm1 =	vmand vm0, vm4;
	vm4 =	vgt.s32 v40, $0x0  }
0x28b: {  	s3 =	sor.u32 s1, s2;
	v22 =	vld.idx.msk [tilespmem:v37+s5+$0x0], $0xffff;
	v48 =	vsub.s32 v36, v0;
	v16 =	vnsel vm4, $0x0, v40;
	vm4 =	vnez.u8 v42  }
0x28c: {  	s12 =	sadd.s32 $0xFFFFFFF0, s25;
	s13 =	sadd.s32 $0xFFFFFFF0, s28;
	v47 =	vld [tilespmem:s3+$0x1BA80];
	(xrf2) =	vadd.scan.msk.f32 $0xffff, v24;
	v20 =	vmin.u32 v49, $0xC3F;
	v15 =	vmin.u32 v15, $0xC3F;
	v43, _, _ =	vpop (xrf2);
	vm9 =	vmand vm9, vm4  }
0x28d: {  	s1 =	sand.u32 $0x60, s12;
	s15 =	sand.u32 $0x7F80, s13;
	vm3 =	vcmask $0x3F3C;
	[tilespmem:v7+s14+$0x0] =	vst.idx.add.f32.msk vm8, v43;
	v7 =	vmin.u32 v8, $0xC3F;
	vm2 =	vgt.s32 v41, $0x0  }
0x28e: {  	s0 =	sor.u32 s1, s15;
	v50 =	vld [tilespmem:$0x1FFC0];
	[tilespmem:$0x1FFD0] =	vst v17;
	vm0 =	vge.s32 v38, v6;
	v17 =	vnsel vm2, $0x0, v41;
	vm2 =	vlt.s32 v38, v4  }
0x28f: {  	v58 =	vld [tilespmem:s0+$0x1BA81];
	vm8 =	vmand vm0, vm2;
	vm0 =	vge.s32 v32, v5;
	vm2 =	vlt.s32 v32, v3  }
0x290: {  	v49 =	vld [tilespmem:s3+$0x1BA81];
	v8 =	vsub.f32 $0.0e+00, v43;
	vm13 =	vmand vm13, vm4;
	vm2 =	vmand vm0, vm2  }
0x291: {  	s8 =	sadd.s32 $0xFFFFFFE0, s26;
	v24 =	vld.idx.msk [tilespmem:v39+s5+$0x0], $0xffff;
	vm0 =	vmand vm10, vm4;
	vm10 =	vmand vm15, vm4;
	vm15 =	vne.s32 v63, v31  }
0x292: {  	v11 =	vmin.u32 v11, $0xC3F;
	v52 =	vadd.s32 s8, v2;
	[tilespmem:v7+s14+$0x0] =	vst.idx.add.f32.msk vm9, v8;
	vm9 =	vmor vm15, vm3  }
0x293: {  	v56 =	vld [tilespmem:s0+$0x1BA80];
	v44, _, _ =	vpop (xrf2);
	v22 =	vnsel vm1, $0x0, v22;
	vm3 =	vmand vm1, vm9;
	vm1 =	vnez.u8 v50  }
0x294: {  	v54 =	vsub.s32 v47, v0;
	v14 =	vmin.u32 v14, $0xC3F;
	v39 =	vsub.s32 v58, v0;
	v59 =	vld [tilespmem:s0+$0x19380];
	v34, _, _ =	vpop (xrf2)  }
0x295: {  	s31 =	sadd.s32 s25, s23;
	v55 =	vsub.s32 v49, v0;
	v33 =	vsub.f32 $0.0e+00, v44;
	(xrf2) =	vadd.scan.msk.f32 $0xffff, v25;
	v35 =	vsub.f32 $0.0e+00, v34;
	v38 =	vld [tilespmem:s3+$0x19380]  }
0x296: {  	v12 =	vmin.u32 v12, $0xC3F;
	[tilespmem:v13+s14+$0x0] =	vst.idx.add.f32.msk vm6, v34;
	v40 =	vadd.s32 s31, v2;
	v37, _, _ =	vpop (xrf2);
	vm12 =	vmand vm12, vm4  }
0x297: {  	v24 =	vnsel vm2, $0x0, v24;
	v7 =	vsub.f32 $0.0e+00, v37;
	v8 =	vmin.u32 v23, $0xC3F;
	[tilespmem:v18+s14+$0x0] =	vst.idx.add.f32.msk vm13, v35  }
0x298: {  	vm15 =	vgt.s32 v46, $0x0;
	vm9 =	vmand vm8, vm9;
	vm8 =	vne.s32 v45, v36;
	v36 =	vld [tilespmem:$0x1FFD0]  }
0x299: {  	vm13 =	vmand vm14, vm4;
	vm14 =	vcmask $0x3F3C;
	[tilespmem:v9+s14+$0x0] =	vst.idx.add.f32.msk vm1, v44;
	vm1 =	vcmask $0x3F3C  }
0x29a: {  	v51 =	vnsel vm15, $0x0, v46;
	vm8 =	vmor vm8, vm1;
	vm1 =	vgt.s32 v48, $0x0  }
0x29b: {  	vm15 =	vge.s32 v32, v6;
	[tilespmem:v10+s14+$0x0] =	vst.idx.add.f32.msk vm0, v33;
	v10 =	vnsel vm1, $0x0, v48;
	vm1 =	vgt.s32 v54, $0x0  }
0x29c: {  	v57 =	vnsel vm1, $0x0, v54;
	vm1 =	vmand vm11, vm4;
	vm11 =	vne.s32 v47, v49  }
0x29d: {  	v53 =	vld.idx.msk [tilespmem:v38+s5+$0x0], $0xffff;
	vm0 =	vlt.s32 v32, v4;
	vm11 =	vmor vm11, vm14;
	vm14 =	vnez.u8 v36  }
0x29e: {  	s28 =	sand.u32 $0x7F80, s28;
	s29 =	sand.u32 $0x70, s25;
	[tilespmem:$0x1FFE0] =	vst v27;
	v23 =	vmin.u32 v29, $0xC3F;
	v38 =	vsub.s32 v56, v0;
	vm0 =	vmand vm15, vm0  }
0x29f: {  	s0 =	sor.u32 s29, s28;
	(xrf2) =	vadd.scan.msk.f32 $0xffff, v19;
	vm2 =	vmand vm2, vm8;
	vm15 =	vgt.s32 v55, $0x0;
	vm6 =	vmand vm0, vm8  }
0x2a0: {  	v62 =	vld [tilespmem:s0+$0x19380];
	(xrf2) =	vadd.scan.msk.f32 $0xffff, v26;
	vm0 =	vge.s32 v52, v5;
	vm8 =	vlt.s32 v52, v3;
	v29 =	vnsel vm15, $0x0, v55  }
0x2a1: {  	(xrf2) =	vadd.scan.msk.f32 $0xffff, v22;
	v13 =	vld.idx.msk [tilespmem:v59+s5+$0x0], $0xffff;
	v60, _, _ =	vpop (xrf2);
	vm15 =	vge.s32 v52, v6;
	vm8 =	vmand vm0, vm8;
	vm0 =	vlt.s32 v52, v4  }
0x2a2: {  	s30 =	sadd.s32 $0xFFFFFFF0, s26;
	v61 =	vsub.f32 $0.0e+00, v60;
	[tilespmem:v8+s14+$0x0] =	vst.idx.add.f32.msk vm5, v60;
	vm0 =	vmand vm15, vm0;
	v63 =	vnsel vm8, $0x0, v53  }
0x2a3: {  	vm15 =	vmand vm8, vm11;
	vm11 =	vmand vm0, vm11;
	[tilespmem:v21+s14+$0x0] =	vst.idx.add.f32.msk vm14, v37;
	v37 =	vadd.s32 s30, v2  }
0x2a4: {  	(xrf2) =	vadd.scan.msk.f32 $0xffff, v24;
	v49 =	vld [tilespmem:$0x1FFE0];
	vm14 =	vgt.s32 v39, $0x0;
	vm0 =	vge.s32 v37, v5;
	vm8 =	vlt.s32 v37, v3  }
0x2a5: {  	[tilespmem:v20+s14+$0x0] =	vst.idx.add.f32.msk vm10, v7;
	vm10 =	vgt.s32 v38, $0x0;
	v8 =	vnsel vm14, $0x0, v39;
	vm14 =	vlt.s32 v37, v4  }
0x2a6: {  	v42 =	vld [tilespmem:s0+$0x1BA80];
	vm8 =	vmand vm0, vm8;
	v7 =	vnsel vm10, $0x0, v38;
	vm0 =	vge.s32 v37, v6  }
0x2a7: {  	v46 =	vld [tilespmem:s0+$0x1BA81];
	vm10 =	vmand vm0, vm14;
	vm0 =	vge.s32 v40, v5;
	vm14 =	vlt.s32 v40, v3  }
0x2a8: {  	v44 =	vld.idx.msk [tilespmem:v62+s5+$0x0], $0xffff;
	vm5 =	vmand vm0, vm14;
	vm0 =	vne.s32 v56, v58;
	vm14 =	vcmask $0x3F3C  }
0x2a9: {  	v16 =	vmin.u32 v16, $0xC3F;
	v17 =	vmin.u32 v17, $0xC3F;
	[tilespmem:v23+s14+$0x0] =	vst.idx.add.f32.msk vm1, v61;
	vm1 =	vmor vm0, vm14  }
0x2aa: {  	v41, _, _ =	vpop (xrf2);
	(xrf2) =	vadd.scan.msk.f32 $0xffff, v63;
	v13 =	vnsel vm8, $0x0, v13;
	vm0 =	vmand vm8, vm1;
	vm8 =	vnez.u8 v49  }
0x2ab: {  	vm9 =	vmand vm9, vm4;
	v43 =	vsub.f32 $0.0e+00, v41;
	v45, _, _ =	vpop (xrf2);
	v9 =	vmin.u32 v51, $0xC3F;
	(xrf2) =	vadd.scan.msk.f32 $0xffff, v13  }
0x2ac: {  	v51 =	vsub.s32 v46, v0;
	v48 =	vsub.s32 v42, v0;
	v47 =	vsub.f32 $0.0e+00, v45  }
0x2ad: {  	[tilespmem:v11+s14+$0x0] =	vst.idx.add.f32.msk vm7, v45;
	v10 =	vmin.u32 v10, $0xC3F;
	vm6 =	vmand vm6, vm4;
	v52, _, _ =	vpop (xrf2);
	v50 =	vnsel vm5, $0x0, v44  }
0x2ae: {  	v54, _, _ =	vpop (xrf2);
	v55 =	vsub.f32 $0.0e+00, v52;
	v8 =	vmin.u32 v8, $0xC3F;
	v7 =	vmin.u32 v7, $0xC3F;
	(xrf2) =	vadd.scan.msk.f32 $0xffff, v50  }
0x2af: {  	[tilespmem:v12+s14+$0x0] =	vst.idx.add.f32.msk vm12, v47;
	v56 =	vmin.u32 v57, $0xC3F;
	v57 =	vsub.f32 $0.0e+00, v54;
	vm1 =	vmand vm10, vm1  }
0x2b0: {  	vm10 =	vge.s32 v40, v6;
	vm1 =	vmand vm1, vm4;
	[tilespmem:v14+s14+$0x0] =	vst.idx.add.f32.msk vm8, v41;
	vm8 =	vgt.s32 v48, $0x0  }
0x2b1: {  	v13 =	vnsel vm8, $0x0, v48;
	[tilespmem:v15+s14+$0x0] =	vst.idx.add.f32.msk vm13, v43;
	vm8 =	vgt.s32 v51, $0x0;
	vm13 =	vlt.s32 v40, v4  }
0x2b2: {  	[tilespmem:v16+s14+$0x0] =	vst.idx.add.f32.msk vm3, v52;
	vm7 =	vmand vm10, vm13;
	vm10 =	vcmask $0x3F3C;
	vm13 =	vne.s32 v42, v46  }
0x2b3: {  	[tilespmem:v17+s14+$0x0] =	vst.idx.add.f32.msk vm9, v55;
	v53 =	vnsel vm8, $0x0, v51;
	vm8 =	vmand vm11, vm4;
	vm3 =	vmor vm13, vm10  }
0x2b4: {  	[tilespmem:v9+s14+$0x0] =	vst.idx.add.f32.msk vm2, v54;
	v58 =	vmin.u32 v29, $0xC3F;
	v59, _, _ =	vpop (xrf2);
	vm14 =	vmand vm5, vm3;
	vm3 =	vmand vm7, vm3  }
0x2b5: {  	s24 =	sadd.s32 $0xC, s24;
	[tilespmem:v10+s14+$0x0] =	vst.idx.add.f32.msk vm6, v57;
	v61 =	vmin.u32 v13, $0xC3F;
	v62, _, _ =	vpop (xrf2);
	vm3 =	vmand vm3, vm4  }
0x2b6: {  	p1 =	slt.u32 s24, $0x12C;
	[tilespmem:v56+s14+$0x0] =	vst.idx.add.f32.msk vm15, v59;
	v11 =	vmin.u32 v53, $0xC3F;
	v63 =	vsub.f32 $0.0e+00, v62  }
.Ltmp4:
0x2b7: {  	v60 =	vsub.f32 $0.0e+00, v59;
	[tilespmem:v7+s14+$0x0] =	vst.idx.add.f32.msk vm0, v62;
	(pc) =	sbr.rel @p1 .LBB2_15-.Ltmp4, $4  }
0x2b8: {  	v7, _, _ =	vpop (xrf2);
	[tilespmem:v8+s14+$0x0] =	vst.idx.add.f32.msk vm1, v63  }
0x2b9: {  	v8 =	vsub.f32 $0.0e+00, v7;
	[tilespmem:v58+s14+$0x0] =	vst.idx.add.f32.msk vm8, v60  }
0x2ba: {  	[tilespmem:v61+s14+$0x0] =	vst.idx.add.f32.msk vm14, v7  }
0x2bb: {  	s25 =	sadd.s32 $0xC0, s25;
	[tilespmem:v11+s14+$0x0] =	vst.idx.add.f32.msk vm3, v8  }
0x2bc: {  	p1 =	seq.s32 s22, s20  }
.Ltmp5:
0x2bd: {  	_ = 	snop;
	(pc) =	sbr.rel @!p1 .LBB2_14-.Ltmp5, $4  }
.Ltmp6:
0x2be: {  	_ = 	snop;
	(pc) =	sbr.rel @p1 .LBB2_9-.Ltmp6, $4  }
0x2bf: {  	_ = 	snop  }
0x2c0: {  	_ = 	snop  }
0x2c1: {  	s23 =	sadd.s32 $0x1380, s23;
	p0 =	por !p0, !p0;
	s21 =	sadd.s32 $0x1380, s21  }
0x2c2: {  	_ = 	snop  }
.LBB2_8:
0x2c3: {  	s0 =	sadd.s32 $0xFFFFFFFF, s1  }
0x2c4: {  	v4 =	vmov s0  }
.LBB2_9:
0x2c5: {  	s0 =	sshrl.u32 s20, $0x1F  }
0x2c6: {  	s0 =	sadd.s32 s0, s20  }
0x2c7: {  	s0 =	sand.u32 $0xFFFFFFFE, s0  }
0x2c8: {  	s0 =	ssub.s32 s20, s0  }
0x2c9: {  	s1 =	smul.u32 $0x1380, s0;
	_ =	sdelay $0x1  }
0x2ca: {  	s0 =	sadd.s32 $0x1, s0;
	[dreg:$0x6] =	wrdreg s1  }
0x2cb: {  	_ =	swait.ge [sflag:s0], $0x1380  }
0x2cc: {  	[sflag:s0] =	ssyncset.done $0x0  }
0x2cd: {  	p0 =	sgt.s32 s19, s17;
	[sflag:s0] =	ssyncadd.s32 $0xFFFFEC80  }
0x2ce: {  	s17 =	smov.u32 @p0 s19;
	_ =	swait.ge [sflag:s0], $0x1380  }
0x2cf: {  	s31 =	sadd.s32 $0xFFFFFFFF, s17;
	[sflag:s0] =	ssyncset.done $0x0  }
0x2d0: {  	s18 =	simm.s32 $0xB0;
	v5 =	vmov s17;
	s17 =	simm.s32 $0xFFFFFFF4;
	v6 =	vmov s31;
	[sflag:s0] =	ssyncadd.s32 $0xFFFFEC80  }
.LBB2_10:
0x2d1: {  	s0 =	rddreg [dreg:$0x6]  }
0x2d2: {  	s20 =	sadd.s32 s18, s0  }
0x2d3: {  	s28 =	sadd.s32 $0xFFFFFF50, s18;
	s1 =	sadd.s32 $0xFFFFFF50, s20  }
0x2d4: {  	s2 =	sadd.s32 $0xFFFFFF60, s18;
	s21 =	sand.u32 $0x40, s28;
	s1 =	sand.u32 $0xFFFFFF80, s1  }
0x2d5: {  	s2 =	sand.u32 $0x50, s2;
	s0 =	sor.u32 s21, s1  }
0x2d6: {  	s2 =	sor.u32 s2, s1;
	v7 =	vld [tilespmem:s0+$0x19380]  }
0x2d7: {  	s19 =	sadd.s32 s18, s16;
	s8 =	sadd.s32 $0xFFFFFF70, s18;
	v8 =	vld [tilespmem:s2+$0x19380]  }
0x2d8: {  	s3 =	sadd.s32 $0xFFFFFF50, s19;
	s29 =	sand.u32 $0x60, s8;
	s8 =	sadd.s32 $0xFFFFFF80, s18;
	v9 =	vld [tilespmem:s0+$0x1BA80]  }
0x2d9: {  	v12 =	vadd.s32 s3, v2;
	s3 =	sand.u32 $0x70, s8;
	s30 =	sor.u32 s29, s1;
	v13 =	vld [tilespmem:s2+$0x1BA80]  }
0x2da: {  	s1 =	sor.u32 s3, s1;
	v14 =	vld [tilespmem:s30+$0x19380]  }
0x2db: {  	v17 =	vld [tilespmem:s1+$0x19380]  }
0x2dc: {  	v33 =	vld [tilespmem:s30+$0x1BA80]  }
0x2dd: {  	s0 =	sadd.s32 $0x1BA80, s0;
	v41 =	vld [tilespmem:s1+$0x1BA80]  }
0x2de: {  	v10 =	vld [tilespmem:s0+$0x1]  }
0x2df: {  	s12 =	sadd.s32 $0xFFFFFF90, s18;
	s31 =	sadd.s32 $0xFFFFFF60, s19;
	s13 =	sadd.s32 $0xFFFFFF90, s20;
	v38 =	vld [tilespmem:s0+$0x11]  }
0x2e0: {  	v40 =	vimm.s32 $0x0;
	v51 =	vimm.s32 $0x0;
	s9 =	sadd.s32 $0xFFFFFF70, s19;
	s3 =	sand.u32 $0xFFFFFF80, s13;
	s2 =	sand.u32 $0x40, s12;
	v18 =	vld [tilespmem:s0+$0x21]  }
0x2e1: {  	v60 =	vimm.s32 $0x0;
	s22 =	sadd.s32 $0xFFFFFF80, s19;
	s25 =	sadd.s32 $0xFFFFFF90, s19;
	v16 =	vadd.s32 s31, v2;
	v19 =	vadd.s32 s9, v2;
	s15 =	sor.u32 s2, s3;
	v45 =	vld [tilespmem:s0+$0x31]  }
0x2e2: {  	s23 =	sadd.s32 $0xFFFFFFA0, s18;
	v23 =	vadd.s32 s22, v2;
	s24 =	sadd.s32 $0xFFFFFFA0, s20;
	v50 =	vadd.s32 s25, v2;
	vm0 =	vge.s32 v12, v5;
	v20 =	vld [tilespmem:s15+$0x19380]  }
0x2e3: {  	vm1 =	vlt.s32 v12, v3;
	vm3 =	vge.s32 v12, v6;
	vm4 =	vlt.s32 v12, v4;
	s2 =	sand.u32 $0xFFFFFF80, s24;
	s0 =	sand.u32 $0x50, s23;
	v47 =	vld [tilespmem:s15+$0x1BA80]  }
0x2e4: {  	s26 =	sadd.s32 $0xFFFFFFB0, s18;
	s28 =	sadd.s32 $0xFFFFFFB0, s20;
	vm5 =	vge.s32 v16, v5;
	vm6 =	vlt.s32 v16, v3;
	vm7 =	vlt.s32 v19, v3;
	s0 =	sor.u32 s0, s2;
	v48 =	vld [tilespmem:s15+$0x1BA81]  }
0x2e5: {  	vm0 =	vmand vm0, vm1;
	vm14 =	vmand vm3, vm4;
	vm15 =	vmand vm5, vm6;
	s29 =	sadd.s32 $0xFFFFFFA0, s19;
	s1 =	sand.u32 $0x60, s26;
	s2 =	sand.u32 $0xFFFFFF80, s28;
	v46 =	vld [tilespmem:s0+$0x19380]  }
0x2e6: {  	vm4 =	vge.s32 v16, v6;
	vm5 =	vlt.s32 v16, v4;
	v28 =	vadd.s32 s29, v2;
	s30 =	sadd.s32 $0xFFFFFFB0, s19;
	v52 =	vld [tilespmem:s0+$0x1BA80];
	s1 =	sor.u32 s1, s2  }
0x2e7: {  	vm6 =	vge.s32 v19, v5;
	vm11 =	vlt.s32 v28, v3;
	v61 =	vadd.s32 s30, v2;
	s15 =	sadd.s32 $0xFFFFFFD0, s19;
	v26 =	vld [tilespmem:s1+$0x19380]  }
0x2e8: {  	s31 =	sadd.s32 $0xFFFFFFC0, s18;
	s3 =	sadd.s32 $0xFFFFFFC0, s20;
	v32 =	vadd.s32 s15, v2;
	v56 =	vld [tilespmem:s1+$0x1BA80];
	v34 =	vsub.s32 v13, v0;
	v42 =	vsub.s32 v33, v0  }
0x2e9: {  	s8 =	sand.u32 $0xFFFFFF80, s3;
	v59 =	vld [tilespmem:s1+$0x1BA81];
	s1 =	sand.u32 $0x70, s31;
	v16 =	vsub.s32 v41, v0;
	vm12 =	vne.s32 v9, v10;
	v9 =	vsub.s32 v9, v0  }
0x2ea: {  	v27 =	vld [tilespmem:s0+$0x1BA81];
	s0 =	sor.u32 s1, s8;
	v35 =	vsub.s32 v38, v0;
	v44 =	vsub.s32 v18, v0;
	vm1 =	vmor vm12, vm10  }
0x2eb: {  	s12 =	sadd.s32 $0xFFFFFFC0, s19;
	v31 =	vld [tilespmem:s0+$0x1BA81];
	vm2 =	vgt.s32 v9, $0x0;
	vm12 =	vne.s32 v13, v38;
	v53 =	vsub.s32 v47, v0  }
0x2ec: {  	v55 =	vsub.s32 v48, v0;
	v38 =	vadd.s32 s12, v2;
	v15 =	vld.idx.msk [tilespmem:v8+s5+$0x0], $0xffff;
	v8 =	vsub.s32 v10, v0  }
0x2ed: {  	s9 =	sadd.s32 $0xFFFFFFD0, s20;
	v7 =	vld.idx.msk [tilespmem:v7+s5+$0x0], $0xffff;
	vm8 =	vmand vm0, vm1;
	vm9 =	vmand vm14, vm1;
	vm14 =	vgt.s32 v35, $0x0  }
0x2ee: {  	s1 =	sand.u32 $0xFFFFFF80, s9;
	vm1 =	vmand vm4, vm5;
	v43 =	vld.idx.msk [tilespmem:v17+s5+$0x0], $0xffff;
	vm5 =	vne.s32 v41, v45;
	v17 =	vsub.s32 v45, v0  }
0x2ef: {  	s13 =	sor.u32 s21, s1;
	vm4 =	vge.s32 v23, v6;
	v57 =	vsub.s32 v52, v0;
	v58 =	vsub.s32 v27, v0  }
0x2f0: {  	v45 =	vld [tilespmem:s13+$0x1BA80];
	vm13 =	vgt.s32 v8, $0x0;
	v36 =	vnsel vm14, $0x0, v35;
	vm14 =	vgt.s32 v42, $0x0  }
0x2f1: {  	v62 =	vsub.s32 v56, v0;
	v30 =	vsub.s32 v59, v0;
	v8 =	vnsel vm13, $0x0, v8  }
0x2f2: {  	vm13 =	vgt.s32 v34, $0x0;
	v10 =	vmin.u32 v36, $0xC3F;
	v41 =	vsub.s32 v31, v0  }
0x2f3: {  	v11 =	vnsel vm0, $0x0, v7;
	v7 =	vnsel vm2, $0x0, v9;
	v39 =	vnsel vm15, $0x0, v15  }
0x2f4: {  	v14 =	vld.idx.msk [tilespmem:v14+s5+$0x0], $0xffff;
	vm0 =	vmor vm12, vm10;
	v9 =	vnsel vm13, $0x0, v34;
	vm12 =	vne.s32 v33, v18  }
0x2f5: {  	v54 =	vld.idx.msk [tilespmem:v46+s5+$0x0], $0xffff;
	vm13 =	vcmask $0x3F3C;
	vm2 =	vgt.s32 v44, $0x0;
	v46 =	vsub.s32 v45, v0  }
0x2f6: {  	v7 =	vmin.u32 v7, $0xC3F;
	vm15 =	vmand vm15, vm0;
	vm10 =	vmand vm1, vm0  }
0x2f7: {  	v63 =	vld [tilespmem:s0+$0x1BA80];
	vm0 =	vmand vm6, vm7;
	vm1 =	vmor vm12, vm13;
	vm12 =	vlt.s32 v19, v4  }
0x2f8: {  	vm13 =	vge.s32 v23, v5;
	v18 =	vnsel vm2, $0x0, v44;
	vm7 =	vcmask $0x3F3C  }
0x2f9: {  	vm2 =	vge.s32 v50, v5;
	v9 =	vmin.u32 v9, $0xC3F;
	v13 =	vsel vm15, $0xFFFFFFFF, v40  }
0x2fa: {  	v22 =	vnsel vm0, $0x0, v14;
	vm15 =	vge.s32 v19, v6;
	vm6 =	vmand vm0, vm1  }
0x2fb: {  	vm0 =	vmor vm5, vm7;
	vm5 =	vlt.s32 v23, v4;
	vm7 =	vlt.s32 v50, v3  }
0x2fc: {  	v40 =	vsub.s32 v63, v0;
	v18 =	vmin.u32 v18, $0xC3F;
	[tilespmem:$0x1FF80] =	vst v13;
	v13 =	vnsel vm14, $0x0, v42  }
0x2fd: {  	vm14 =	vlt.s32 v23, v3;
	vm15 =	vmand vm15, vm12;
	vm12 =	vgt.s32 v16, $0x0  }
0x2fe: {  	v36 =	vld [tilespmem:s13+$0x1BA81];
	vm3 =	vmand vm13, vm14;
	vm13 =	vmand vm15, vm1;
	vm14 =	vgt.s32 v17, $0x0  }
0x2ff: {  	v21 =	vnsel vm12, $0x0, v16;
	vm1 =	vmand vm4, vm5;
	vm12 =	vcmask $0x3F3C  }
0x300: {  	vm4 =	vgt.s32 v58, $0x0;
	v13 =	vmin.u32 v13, $0xC3F;
	v24 =	vnsel vm3, $0x0, v43  }
0x301: {  	v49 =	vnsel vm14, $0x0, v17;
	vm15 =	vmand vm3, vm0;
	vm14 =	vne.s32 v47, v48  }
0x302: {  	v25 =	vld.idx.msk [tilespmem:v20+s5+$0x0], $0xffff;
	v15 =	vnsel vm4, $0x0, v58;
	vm4 =	vgt.s32 v62, $0x0;
	v21 =	vmin.u32 v21, $0xC3F  }
0x303: {  	v48 =	vsub.s32 v36, v0;
	v17 =	vsel vm15, $0xFFFFFFFF, v51;
	vm15 =	vmand vm1, vm0  }
0x304: {  	vm0 =	vmand vm2, vm7;
	vm7 =	vgt.s32 v53, $0x0;
	vm1 =	vmor vm14, vm12  }
0x305: {  	vm2 =	vgt.s32 v55, $0x0;
	vm14 =	vge.s32 v50, v6;
	vm12 =	vlt.s32 v50, v4  }
0x306: {  	(xrf2) =	vadd.scan.msk.f32 $0xffff, v11;
	v11 =	vnsel vm4, $0x0, v62;
	vm4 =	vlt.s32 v38, v3;
	v20 =	vmin.u32 v49, $0xC3F  }
0x307: {  	s22 =	sadd.s32 $0xFFFFFFE0, s20;
	s21 =	sadd.s32 $0xFFFFFFE0, s18;
	(xrf2) =	vadd.scan.msk.f32 $0xffff, v39;
	v39 =	vld [tilespmem:s13+$0x19380];
	v15 =	vmin.u32 v15, $0xC3F;
	v25 =	vnsel vm0, $0x0, v25;
	v23 =	vnsel vm7, $0x0, v53  }
0x308: {  	s2 =	sand.u32 $0xFFFFFF80, s22;
	s1 =	sand.u32 $0x50, s21;
	vm7 =	vge.s32 v28, v5;
	v29 =	vnsel vm2, $0x0, v55;
	vm14 =	vmand vm14, vm12  }
0x309: {  	s23 =	sor.u32 s1, s2;
	vm5 =	vmand vm0, vm1;
	vm12 =	vcmask $0x3F3C;
	vm2 =	vge.s32 v61, v5  }
0x30a: {  	s24 =	sadd.s32 $0xFFFFFFE0, s19;
	v47 =	vld [tilespmem:s23+$0x1BA80];
	v11 =	vmin.u32 v11, $0xC3F;
	vm3 =	vmand vm7, vm11;
	vm11 =	vmand vm14, vm1  }
0x30b: {  	v37 =	vld [tilespmem:s0+$0x19380];
	vm7 =	vne.s32 v52, v27;
	vm14 =	vgt.s32 v57, $0x0;
	v52 =	vadd.s32 s24, v2  }
0x30c: {  	v26 =	vld.idx.msk [tilespmem:v26+s5+$0x0], $0xffff;
	v19 =	vnsel vm3, $0x0, v54;
	vm0 =	vmor vm7, vm12;
	v14 =	vnsel vm14, $0x0, v57  }
0x30d: {  	v49 =	vld [tilespmem:s23+$0x1BA81];
	vm12 =	vge.s32 v28, v6;
	vm14 =	vlt.s32 v28, v4;
	vm7 =	vmand vm3, vm0  }
0x30e: {  	(xrf2) =	vadd.scan.msk.f32 $0xffff, v22;
	vm1 =	vmand vm12, vm14;
	vm3 =	vlt.s32 v61, v3;
	vm12 =	vcmask $0x3F3C  }
0x30f: {  	(xrf2) =	vadd.scan.msk.f32 $0xffff, v24;
	v24 =	vld.idx.msk [tilespmem:v39+s5+$0x0], $0xffff;
	v54 =	vsub.s32 v47, v0;
	v14 =	vmin.u32 v14, $0xC3F;
	v39 =	vadd.s32 s19, v2  }
0x310: {  	v27 =	vsel vm7, $0xFFFFFFFF, v60;
	vm14 =	vmand vm1, vm0;
	vm0 =	vmand vm2, vm3  }
0x311: {  	v42 =	vld [tilespmem:$0x1FFF0];
	vm2 =	vne.s32 v56, v59;
	vm7 =	vgt.s32 v30, $0x0;
	vm1 =	vge.s32 v61, v6  }
0x312: {  	vm3 =	vcmask $0x3F3C;
	v55 =	vsub.s32 v49, v0;
	v26 =	vnsel vm0, $0x0, v26  }
0x313: {  	v12 =	vnsel vm7, $0x0, v30;
	vm7 =	vlt.s32 v61, v4;
	vm2 =	vmor vm2, vm12  }
0x314: {  	vm1 =	vmand vm1, vm7;
	vm7 =	vmand vm0, vm2;
	vm0 =	vge.s32 v38, v5  }
0x315: {  	s25 =	sadd.s32 $0xFFFFFFF0, s18;
	s26 =	sadd.s32 $0xFFFFFFF0, s20;
	v22 =	vld.idx.msk [tilespmem:v37+s5+$0x0], $0xffff;
	v43, _, _ =	vpop (xrf2);
	vm12 =	vmand vm1, vm2;
	vm1 =	vmand vm0, vm4;
	vm4 =	vgt.s32 v40, $0x0  }
0x316: {  	s28 =	sand.u32 $0xFFFFFF80, s26;
	s1 =	sand.u32 $0x60, s25;
	[tilespmem:v7+s14+$0x0] =	vst.idx.add.f32.msk vm8, v43;
	v7 =	vmin.u32 v8, $0xC3F;
	v44, _, _ =	vpop (xrf2);
	v16 =	vnsel vm4, $0x0, v40;
	vm4 =	vnez.u8 v42  }
0x317: {  	s0 =	sor.u32 s1, s28;
	[tilespmem:$0x1FF90] =	vst v17;
	v8 =	vsub.f32 $0.0e+00, v43;
	v33 =	vsub.f32 $0.0e+00, v44;
	vm9 =	vmand vm9, vm4  }
0x318: {  	v58 =	vld [tilespmem:s0+$0x1BA81];
	v34, _, _ =	vpop (xrf2);
	(xrf2) =	vadd.scan.msk.f32 $0xffff, v25;
	v12 =	vmin.u32 v12, $0xC3F;
	vm2 =	vgt.s32 v41, $0x0;
	vm0 =	vge.s32 v38, v6  }
0x319: {  	v50 =	vld [tilespmem:$0x1FF80];
	v35 =	vsub.f32 $0.0e+00, v34;
	v17 =	vnsel vm2, $0x0, v41;
	vm2 =	vlt.s32 v38, v4;
	v37, _, _ =	vpop (xrf2);
	(xrf2) =	vadd.scan.msk.f32 $0xffff, v19  }
0x31a: {  	v56 =	vld [tilespmem:s0+$0x1BA80];
	vm8 =	vmand vm0, vm2;
	vm0 =	vge.s32 v32, v5;
	vm2 =	vlt.s32 v32, v3  }
0x31b: {  	v38 =	vld [tilespmem:s23+$0x19380];
	v22 =	vnsel vm1, $0x0, v22;
	vm13 =	vmand vm13, vm4;
	vm2 =	vmand vm0, vm2;
	(xrf2) =	vadd.scan.msk.f32 $0xffff, v26  }
0x31c: {  	s29 =	sand.u32 $0xFFFFFF80, s20;
	s30 =	sand.u32 $0x70, s18;
	v59 =	vld [tilespmem:s0+$0x19380];
	vm0 =	vmand vm10, vm4;
	vm10 =	vmand vm15, vm4;
	vm15 =	vne.s32 v63, v31  }
0x31d: {  	s0 =	sor.u32 s30, s29;
	vm12 =	vmand vm12, vm4;
	v16 =	vmin.u32 v16, $0xC3F;
	[tilespmem:v7+s14+$0x0] =	vst.idx.add.f32.msk vm9, v8;
	vm9 =	vmor vm15, vm3  }
0x31e: {  	v62 =	vld [tilespmem:s0+$0x19380];
	v17 =	vmin.u32 v17, $0xC3F;
	vm3 =	vmand vm1, vm9;
	vm1 =	vnez.u8 v50  }
0x31f: {  	v24 =	vnsel vm2, $0x0, v24;
	vm9 =	vmand vm8, vm9;
	vm8 =	vne.s32 v45, v36;
	v45 =	vld [tilespmem:s0+$0x1BA81]  }
0x320: {  	[tilespmem:v13+s14+$0x0] =	vst.idx.add.f32.msk vm6, v34;
	v7 =	vsub.f32 $0.0e+00, v37;
	v8 =	vmin.u32 v23, $0xC3F;
	v23 =	vmin.u32 v29, $0xC3F  }
0x321: {  	vm15 =	vgt.s32 v46, $0x0;
	[tilespmem:v18+s14+$0x0] =	vst.idx.add.f32.msk vm13, v35;
	vm13 =	vmand vm14, vm4;
	vm14 =	vcmask $0x3F3C  }
0x322: {  	s31 =	sadd.s32 $0xFFFFFFF0, s19;
	v34 =	vld [tilespmem:$0x1FF90];
	(xrf2) =	vadd.scan.msk.f32 $0xffff, v22;
	v35 =	vimm.s32 $0x0;
	v51 =	vnsel vm15, $0x0, v46;
	vm15 =	vge.s32 v32, v6;
	v60, _, _ =	vpop (xrf2)  }
0x323: {  	v53 =	vld.idx.msk [tilespmem:v38+s5+$0x0], $0xffff;
	v36 =	vadd.s32 s31, v2;
	v38 =	vsub.s32 v58, v0;
	v61 =	vsub.f32 $0.0e+00, v60;
	v40, _, _ =	vpop (xrf2)  }
0x324: {  	v42 =	vsub.f32 $0.0e+00, v40;
	v50 =	vsub.s32 v45, v0;
	[tilespmem:v9+s14+$0x0] =	vst.idx.add.f32.msk vm1, v44;
	vm1 =	vcmask $0x3F3C  }
0x325: {  	v41 =	vld [tilespmem:s0+$0x1BA80];
	v44, _, _ =	vpop (xrf2);
	v9 =	vmin.u32 v51, $0xC3F;
	vm8 =	vmor vm8, vm1;
	vm1 =	vgt.s32 v48, $0x0  }
0x326: {  	[tilespmem:v10+s14+$0x0] =	vst.idx.add.f32.msk vm0, v33;
	vm0 =	vlt.s32 v32, v4;
	v46 =	vsub.f32 $0.0e+00, v44;
	v10 =	vnsel vm1, $0x0, v48  }
0x327: {  	vm2 =	vmand vm2, vm8;
	vm0 =	vmand vm15, vm0;
	vm1 =	vgt.s32 v54, $0x0  }
0x328: {  	vm15 =	vgt.s32 v55, $0x0;
	vm6 =	vmand vm0, vm8;
	vm0 =	vge.s32 v52, v5  }
0x329: {  	v57 =	vnsel vm1, $0x0, v54;
	vm1 =	vmand vm11, vm4;
	vm11 =	vne.s32 v47, v49  }
0x32a: {  	vm8 =	vlt.s32 v52, v3;
	vm11 =	vmor vm11, vm14;
	vm14 =	vnez.u8 v34  }
0x32b: {  	[tilespmem:$0x1FFA0] =	vst v27;
	v29 =	vnsel vm15, $0x0, v55;
	vm15 =	vge.s32 v52, v6;
	v47 =	vsub.s32 v41, v0  }
0x32c: {  	(xrf2) =	vadd.scan.msk.f32 $0xffff, v24;
	v51, _, _ =	vpop (xrf2);
	v48 =	vld [tilespmem:$0x1FFA0];
	v10 =	vmin.u32 v10, $0xC3F;
	vm8 =	vmand vm0, vm8;
	vm0 =	vlt.s32 v52, v4  }
0x32d: {  	v13 =	vld.idx.msk [tilespmem:v59+s5+$0x0], $0xffff;
	v54 =	vsub.f32 $0.0e+00, v51;
	vm6 =	vmand vm6, vm4;
	vm0 =	vmand vm15, vm0  }
0x32e: {  	v43 =	vld.idx.msk [tilespmem:v62+s5+$0x0], $0xffff;
	v63 =	vnsel vm8, $0x0, v53;
	vm8 =	vmand vm8, vm11;
	vm15 =	vgt.s32 v38, $0x0  }
0x32f: {  	[tilespmem:v8+s14+$0x0] =	vst.idx.add.f32.msk vm5, v60;
	vm11 =	vmand vm0, vm11;
	vm0 =	vge.s32 v36, v5;
	v8 =	vnsel vm15, $0x0, v38  }
0x330: {  	[tilespmem:v21+s14+$0x0] =	vst.idx.add.f32.msk vm14, v37;
	v21 =	vsel vm8, $0xFFFFFFFF, v35;
	v37 =	vsub.s32 v56, v0;
	vm8 =	vlt.s32 v36, v3  }
0x331: {  	[tilespmem:v20+s14+$0x0] =	vst.idx.add.f32.msk vm10, v7;
	vm10 =	vmand vm0, vm8;
	vm8 =	vmand vm9, vm4;
	vm9 =	vnez.u8 v48  }
0x332: {  	vm15 =	vge.s32 v36, v6;
	(xrf2) =	vadd.scan.msk.f32 $0xffff, v63;
	vm14 =	vgt.s32 v37, $0x0;
	v13 =	vnsel vm10, $0x0, v13  }
0x333: {  	v8 =	vmin.u32 v8, $0xC3F;
	v7 =	vnsel vm14, $0x0, v37;
	vm14 =	vlt.s32 v36, v4;
	(xrf2) =	vadd.scan.msk.f32 $0xffff, v13  }
0x334: {  	[tilespmem:v23+s14+$0x0] =	vst.idx.add.f32.msk vm1, v61;
	vm0 =	vge.s32 v39, v5;
	vm14 =	vmand vm15, vm14;
	vm15 =	vlt.s32 v39, v3  }
0x335: {  	[tilespmem:$0x1FFB0] =	vst v21;
	vm5 =	vmand vm0, vm15;
	vm0 =	vne.s32 v56, v58;
	vm15 =	vcmask $0x3F3C  }
0x336: {  	v53, _, _ =	vpop (xrf2);
	v62 =	vld [tilespmem:$0x1FFB0];
	v7 =	vmin.u32 v7, $0xC3F;
	vm1 =	vmor vm0, vm15;
	v49 =	vnsel vm5, $0x0, v43  }
0x337: {  	v56 =	vsub.f32 $0.0e+00, v53;
	vm0 =	vmand vm10, vm1;
	(xrf2) =	vadd.scan.msk.f32 $0xffff, v49;
	[tilespmem:v14+s14+$0x0] =	vst.idx.add.f32.msk vm9, v40  }
0x338: {  	vm1 =	vmand vm14, vm1;
	vm10 =	vge.s32 v39, v6;
	[tilespmem:v15+s14+$0x0] =	vst.idx.add.f32.msk vm13, v42;
	vm13 =	vlt.s32 v39, v4  }
0x339: {  	[tilespmem:v11+s14+$0x0] =	vst.idx.add.f32.msk vm7, v44;
	vm15 =	vmand vm10, vm13;
	vm10 =	vcmask $0x3F3C;
	vm13 =	vne.s32 v41, v45  }
0x33a: {  	[tilespmem:v16+s14+$0x0] =	vst.idx.add.f32.msk vm3, v51;
	vm9 =	vgt.s32 v47, $0x0;
	vm1 =	vmand vm1, vm4;
	vm3 =	vmor vm13, vm10  }
0x33b: {  	[tilespmem:v12+s14+$0x0] =	vst.idx.add.f32.msk vm12, v46;
	vm14 =	vmand vm5, vm3;
	vm3 =	vmand vm15, vm3;
	vm15 =	vnez.u8 v62  }
0x33c: {  	v55 =	vmin.u32 v57, $0xC3F;
	[tilespmem:v9+s14+$0x0] =	vst.idx.add.f32.msk vm2, v53;
	v58, _, _ =	vpop (xrf2);
	v13 =	vnsel vm9, $0x0, v47;
	vm9 =	vgt.s32 v50, $0x0  }
0x33d: {  	[tilespmem:v10+s14+$0x0] =	vst.idx.add.f32.msk vm6, v56;
	v52 =	vnsel vm9, $0x0, v50;
	vm9 =	vmand vm11, vm4;
	v60 =	vmin.u32 v13, $0xC3F;
	v61, _, _ =	vpop (xrf2)  }
0x33e: {  	s17 =	sadd.s32 $0xC, s17;
	v57 =	vmin.u32 v29, $0xC3F;
	[tilespmem:v17+s14+$0x0] =	vst.idx.add.f32.msk vm8, v54;
	vm3 =	vmand vm3, vm4;
	v63 =	vsub.f32 $0.0e+00, v61  }
0x33f: {  	p0 =	slt.u32 s17, $0x12C;
	v11 =	vmin.u32 v52, $0xC3F;
	[tilespmem:v7+s14+$0x0] =	vst.idx.add.f32.msk vm0, v61  }
.Ltmp7:
0x340: {  	[tilespmem:v8+s14+$0x0] =	vst.idx.add.f32.msk vm1, v63;
	(pc) =	sbr.rel @p0 .LBB2_10-.Ltmp7, $4  }
0x341: {  	v59 =	vsub.f32 $0.0e+00, v58;
	v7, _, _ =	vpop (xrf2);
	[tilespmem:v55+s14+$0x0] =	vst.idx.add.f32.msk vm15, v58  }
0x342: {  	v8 =	vsub.f32 $0.0e+00, v7;
	[tilespmem:v60+s14+$0x0] =	vst.idx.add.f32.msk vm14, v7  }
0x343: {  	[tilespmem:v57+s14+$0x0] =	vst.idx.add.f32.msk vm9, v59  }
0x344: {  	s18 =	sadd.s32 $0xC0, s18;
	[tilespmem:v11+s14+$0x0] =	vst.idx.add.f32.msk vm3, v8  }
0x345: {  	s0 =	rddreg [dreg:$0x7]  }
0x346: {  	[hbm4b:s0+s5] =	stream.linear.scatter [tilespmem:s14], [sflag:$0x3], $0xC38, $0x38;
	[tilespmem:$0x1E280] =	vst v63  }
0x347: {  	_ =	swait.ge [sflag:s10], $0xC38  }
0x348: {  	s1 =	rddreg [dreg:$0x9]  }
0x349: {  	s31 =	rddreg [dreg:$0x8];
	s1 =	sadd.s32 $0x1, s1  }
0x34a: {  	p0 =	sne.s32 s1, s31  }
.Ltmp8:
0x34b: {  	_ = 	snop;
	(pc) =	sbr.rel @p0 .LBB2_1-.Ltmp8, $3  }
0x34c: {  	_ =	sdelay $0x1  }
0x34d: {  	[sflag:s10] =	ssyncset.done $0x0  }
0x34e: {  	[sflag:s10] =	ssyncadd.s32 $0xFFFFF3C8  }
0x34f: {  	_ =	sfence.sel $0x180000  }
0x350: {  	[bflag:$0x0] =	sbarrier.arrive $0xFFFF  }
0x351: {  	_ =	strace $0x90000047  }
0x352: {  	s0 =	stileid.u32;
	[bflag:$0x2] =	sbarrier.arrive $0xFFFF  }
0x353: {  	p0 =	sne.s32 s0, $0x0;
	s0 =	rddreg [dreg:$0x4]  }
0x354: {  	s0 =	sadd.s32 @!p0 $0x100000, s0  }
0x355: {  	[sflag:s0] =	ssyncadd.tile.s32 @!p0 $0x1;
	_ =	shalt  }
.Lfunc_end2:
_tile_overlayer_lowered:
.L_overlay_start_2:
0x356: {  	(tag) =	ssettag $0x2  }
0x357: {  	s0 =	rddreg [dreg:$0x0];
	s2 =	stileid.u32  }
0x358: {  	s1 =	rddreg [dreg:$0x1];
	p0 =	sne.s32 s2, $0x0  }
0x359: {  	s3 =	rddreg [dreg:$0x2];
	[bflag:$0x3] =	sbarrier.arrive $0xFFFF;
	s2 =	simm.s32 @!p0 $0x1C03  }
0x35a: {  	[timem:s3], [sflag:s2] =	dma.local @!p0 [hbm:s0], s1  }
0x35b: {  	s0 =	simm.s32 @!p0 $0x3  }
0x35c: {  	_ =	swait.ge @!p0 [sflag:s0], s1  }
0x35d: {  	s1 =	ssub.s32 @!p0 $0x0, s1;
	[sflag:s0] =	ssyncset.done @!p0 $0x0  }
0x35e: {  	[sflag:s0] =	ssyncadd.s32 @!p0 s1  }
0x35f: {  	[bflag:$0x3] =	sbarrier.arrive $0xFFFF  }
0x360: {  	_ =	shalt  }

</sc_bundles>
